<compile_context>
chip_gen: v7x
topology: tpu7x:2x2x1
jax: 0.10.2.dev20260603
libtpu: 0.0.44.dev20260713+nightly
codegen_flags: <defaults>
</compile_context>

<pallas_src>
import jax
import jax.numpy as jnp
from jax import lax
from jax.experimental import pallas as pl
from jax.experimental.pallas import tpu as pltpu
from jax.experimental.pallas import tpu_sc as plsc

DEPTH = 1000
N = 16384
NC = 2
NS = 16
NW = NC * NS
L = 16
COLS_PER_W = N // NW
RCH = 40
NCHUNK = DEPTH // RCH


def _scatter_chunk(buf, idx_v, r0, val):
    iota = lax.iota(jnp.int32, L)

    def body(t, carry):
        j0 = t * L
        v = idx_v[pl.ds(j0, L)]
        m = (v >= r0) & (v < r0 + RCH)
        plsc.store_scatter(buf, [v - r0, iota + j0], val, mask=m)
        return carry

    lax.fori_loop(0, COLS_PER_W // L, body, 0)


def _onehot_body(idx_hbm, zeros_hbm, out_hbm, idx_v, buf0, buf1, sem0, sem1):
    wid = lax.axis_index("s") * NC + lax.axis_index("c")
    c0 = wid * COLS_PER_W

    pltpu.sync_copy(idx_hbm.at[pl.ds(c0, COLS_PER_W)], idx_v)
    z0 = pltpu.async_copy(zeros_hbm, buf0, sem0)
    z1 = pltpu.async_copy(zeros_hbm, buf1, sem1)
    z0.wait()
    z1.wait()

    ones = jnp.ones((L,), jnp.float32)
    zvec = jnp.zeros((L,), jnp.float32)
    bufs = (buf0, buf1)
    sems = (sem0, sem1)
    copies = [None, None]

    for c in range(NCHUNK):
        b = c & 1
        buf = bufs[b]
        if copies[b] is not None:
            copies[b].wait()
            _scatter_chunk(buf, idx_v, (c - 2) * RCH, zvec)
        _scatter_chunk(buf, idx_v, c * RCH, ones)
        copies[b] = pltpu.async_copy(
            buf, out_hbm.at[pl.ds(c * RCH, RCH), pl.ds(c0, COLS_PER_W)],
            sems[b])

    copies[0].wait()
    copies[1].wait()


_mesh = plsc.VectorSubcoreMesh(core_axis_name="c", subcore_axis_name="s")

_onehot_t = pl.kernel(
    _onehot_body,
    out_type=jax.ShapeDtypeStruct((DEPTH, N), jnp.float32),
    mesh=_mesh,
    scratch_types=[
        pltpu.VMEM((COLS_PER_W,), jnp.int32),
        pltpu.VMEM((RCH, COLS_PER_W), jnp.float32),
        pltpu.VMEM((RCH, COLS_PER_W), jnp.float32),
        pltpu.SemaphoreType.DMA,
        pltpu.SemaphoreType.DMA,
    ],
    compiler_params=pltpu.CompilerParams(
        use_tc_tiling_on_sc=True, needs_layout_passes=False),
)


def kernel(inputs):
    idx = inputs.reshape(-1).astype(jnp.int32)
    zeros = jnp.zeros((RCH, COLS_PER_W), jnp.float32)
    return _onehot_t(idx, zeros).T

# --- scband reference (transcript-rebuilt; emitter-appended) ---
"""Pipeline reference for scband-one-hot-layer-30709016166466 (READ-ONLY COPY).

The authoritative reference and input builder live on the scoring server;
editing this copy changes nothing except your own understanding.
"""

import jax, jax.numpy as jnp
import numpy as np

DEPTH = 1000

def setup_inputs(seed: int = 0) -> dict:
    key = jax.random.key(seed)
    inputs = jax.random.randint(key, (16384, 1), 0, DEPTH, dtype=jnp.int64)
    return {"inputs": inputs}

def reference(inputs):
    # Faithful translation of K.one_hot(K.cast(inputs, 'int32'), depth)[:, 0, :]
    oh = jax.nn.one_hot(inputs.astype(jnp.int32), DEPTH, dtype=jnp.float32)
    return oh[:, 0, :]

if __name__ == "__main__":
    import jax
    _d = setup_inputs()
    print(jax.jit(kernel)(*tuple(_d.values())))

</pallas_src>

<mosaic_0001>
#map = affine_map<(d0, d1) -> (0)>
#map1 = affine_map<(d0, d1) -> (0, 0)>
module attributes {stable_mosaic.version = 14 : i64} {
  func.func @_onehot_body(%arg0: i32, %arg1: i32, %arg2: memref<16384xi32, #tpu.memory_space<hbm>>, %arg3: memref<40x512xf32, #tpu.memory_space<hbm>>, %arg4: memref<1000x16384xf32, #tpu.memory_space<hbm>>, %arg5: memref<512xi32, #tpu.memory_space<vmem>>, %arg6: memref<40x512xf32, #tpu.memory_space<vmem>>, %arg7: memref<40x512xf32, #tpu.memory_space<vmem>>, %arg8: memref<!tpu.dma_semaphore, #tpu.memory_space<semaphore_mem>>, %arg9: memref<!tpu.dma_semaphore, #tpu.memory_space<semaphore_mem>>) attributes {dimension_semantics = [#tpu.dimension_semantics<core_parallel>, #tpu.dimension_semantics<subcore_parallel>], iteration_bounds = array<i64: 2, 16>, scalar_prefetch = 0 : i64, scratch_operands = 5 : i64, tpu.core_type = #tpu.core_type<sc_vector_subcore>, window_params = [{transform_indices = #map}, {transform_indices = #map1}, {transform_indices = #map1}]} {
    %mul3A = arith.constant 2 : i32
    %mul3A_0 = arith.muli %arg1, %mul3A : i32
    %add3A = arith.addi %mul3A_0, %arg0 : i32
    %mul3A_1 = arith.constant 512 : i32
    %mul3A_2 = arith.muli %add3A, %mul3A_1 : i32
    "tpu.region"() ({
      %run_scoped3A = tpu.sem_alloc : memref<!tpu.dma_semaphore, #tpu.memory_space<semaphore_mem>>
      %dma_start3A_538 = tpu.memref_slice %arg2[%mul3A_2] : memref<16384xi32, #tpu.memory_space<hbm>> -> memref<512xi32, #tpu.memory_space<hbm>>
      %dma_start3A_539 = tpu.memref_slice %arg2[%mul3A_2] : memref<16384xi32, #tpu.memory_space<hbm>> -> memref<512xi32, #tpu.memory_space<hbm>>
      tpu.enqueue_dma source(%dma_start3A_539 : memref<512xi32, #tpu.memory_space<hbm>>) target(%arg5 : memref<512xi32, #tpu.memory_space<vmem>>) target_semaphore(%run_scoped3A : memref<!tpu.dma_semaphore, #tpu.memory_space<semaphore_mem>>)
      %dma_wait3A_540 = tpu.memref_slice %arg2[%mul3A_2] : memref<16384xi32, #tpu.memory_space<hbm>> -> memref<512xi32, #tpu.memory_space<hbm>>
      %dma_wait3A_541 = tpu.memref_slice %arg2[%mul3A_2] : memref<16384xi32, #tpu.memory_space<hbm>> -> memref<512xi32, #tpu.memory_space<hbm>>
      tpu.wait_dma2 semaphore(%run_scoped3A : memref<!tpu.dma_semaphore, #tpu.memory_space<semaphore_mem>>) src(%dma_wait3A_541 : memref<512xi32, #tpu.memory_space<hbm>>) dst(%arg5 : memref<512xi32, #tpu.memory_space<vmem>>)
      tpu.yield
    }) : () -> ()
    tpu.enqueue_dma source(%arg3 : memref<40x512xf32, #tpu.memory_space<hbm>>) target(%arg6 : memref<40x512xf32, #tpu.memory_space<vmem>>) target_semaphore(%arg8 : memref<!tpu.dma_semaphore, #tpu.memory_space<semaphore_mem>>)
    tpu.enqueue_dma source(%arg3 : memref<40x512xf32, #tpu.memory_space<hbm>>) target(%arg7 : memref<40x512xf32, #tpu.memory_space<vmem>>) target_semaphore(%arg9 : memref<!tpu.dma_semaphore, #tpu.memory_space<semaphore_mem>>)
    tpu.wait_dma2 semaphore(%arg8 : memref<!tpu.dma_semaphore, #tpu.memory_space<semaphore_mem>>) src(%arg3 : memref<40x512xf32, #tpu.memory_space<hbm>>) dst(%arg6 : memref<40x512xf32, #tpu.memory_space<vmem>>)
    tpu.wait_dma2 semaphore(%arg9 : memref<!tpu.dma_semaphore, #tpu.memory_space<semaphore_mem>>) src(%arg3 : memref<40x512xf32, #tpu.memory_space<hbm>>) dst(%arg7 : memref<40x512xf32, #tpu.memory_space<vmem>>)
    %broadcast_in_dim3A = arith.constant 1.000000e+00 : f32
    %broadcast_in_dim3A_3 = vector.broadcast %broadcast_in_dim3A : f32 to vector<16xf32>
    %broadcast_in_dim3A_4 = arith.constant 0.000000e+00 : f32
    %broadcast_in_dim3A_5 = vector.broadcast %broadcast_in_dim3A_4 : f32 to vector<16xf32>
    %iota3A = tpu.iota {dimensions = array<i32: 0>} : vector<16xi32>
    %scan3A = arith.constant 0 : i32
    %scan3A_6 = arith.constant 0 : i32
    %scan3A_7 = arith.constant 32 : i32
    %scan3A_8 = arith.addi %scan3A_6, %scan3A_7 : i32
    %scan3A_9 = arith.constant 1 : i32
    scf.for %scan3A_538 = %scan3A_6 to %scan3A_8 step %scan3A_9  : i32 {
      %mul3A_539 = arith.constant 16 : i32
      %mul3A_540 = arith.muli %scan3A_538, %mul3A_539 : i32
      %get3A = arith.index_cast %mul3A_540 : i32 to index
      %get3A_541 = tpu.vector_load %arg5[%get3A] {strides = array<i32>} : memref<512xi32, #tpu.memory_space<vmem>>, vector<16xi32>,
      %ge3A = arith.constant 0 : i32
      %ge3A_542 = vector.broadcast %ge3A : i32 to vector<16xi32>
      %ge3A_543 = arith.cmpi sge, %get3A_541, %ge3A_542 : vector<16xi32>
      %lt3A = arith.constant 40 : i32
      %lt3A_544 = vector.broadcast %lt3A : i32 to vector<16xi32>
      %lt3A_545 = arith.cmpi slt, %get3A_541, %lt3A_544 : vector<16xi32>
      %and3A = arith.andi %ge3A_543, %lt3A_545 : vector<16xi1>
      %sub3A = arith.constant 0 : i32
      %sub3A_546 = vector.broadcast %sub3A : i32 to vector<16xi32>
      %sub3A_547 = arith.subi %get3A_541, %sub3A_546 : vector<16xi32>
      %add3A_548 = vector.broadcast %mul3A_540 : i32 to vector<16xi32>
      %add3A_549 = arith.addi %iota3A, %add3A_548 : vector<16xi32>
      tpu.vector_store_idx %arg6[%sub3A_547, %add3A_549], %broadcast_in_dim3A_3 masked %and3A : memref<40x512xf32, #tpu.memory_space<vmem>>[vector<16xi32>, vector<16xi32>], vector<16xf32>, vector<16xi1>
    }
    %scan3A_10 = arith.constant 32 : i32
    %dma_start3A = arith.constant 0 : i32
    %dma_start3A_11 = tpu.memref_slice %arg4[%dma_start3A, %mul3A_2] : memref<1000x16384xf32, #tpu.memory_space<hbm>> -> memref<40x512xf32, #tpu.memory_space<hbm>>
    %dma_start3A_12 = arith.constant 0 : i32
    %dma_start3A_13 = tpu.memref_slice %arg4[%dma_start3A_12, %mul3A_2] : memref<1000x16384xf32, #tpu.memory_space<hbm>> -> memref<40x512xf32, #tpu.memory_space<hbm>>
    tpu.enqueue_dma source(%arg6 : memref<40x512xf32, #tpu.memory_space<vmem>>) target(%dma_start3A_13 : memref<40x512xf32, #tpu.memory_space<hbm>>) target_semaphore(%arg8 : memref<!tpu.dma_semaphore, #tpu.memory_space<semaphore_mem>>)
    %iota3A_14 = tpu.iota {dimensions = array<i32: 0>} : vector<16xi32>
    %scan3A_15 = arith.constant 0 : i32
    %scan3A_16 = arith.constant 0 : i32
    %scan3A_17 = arith.constant 32 : i32
    %scan3A_18 = arith.addi %scan3A_16, %scan3A_17 : i32
    %scan3A_19 = arith.constant 1 : i32
    scf.for %scan3A_538 = %scan3A_16 to %scan3A_18 step %scan3A_19  : i32 {
      %mul3A_539 = arith.constant 16 : i32
      %mul3A_540 = arith.muli %scan3A_538, %mul3A_539 : i32
      %get3A = arith.index_cast %mul3A_540 : i32 to index
      %get3A_541 = tpu.vector_load %arg5[%get3A] {strides = array<i32>} : memref<512xi32, #tpu.memory_space<vmem>>, vector<16xi32>,
      %ge3A = arith.constant 40 : i32
      %ge3A_542 = vector.broadcast %ge3A : i32 to vector<16xi32>
      %ge3A_543 = arith.cmpi sge, %get3A_541, %ge3A_542 : vector<16xi32>
      %lt3A = arith.constant 80 : i32
      %lt3A_544 = vector.broadcast %lt3A : i32 to vector<16xi32>
      %lt3A_545 = arith.cmpi slt, %get3A_541, %lt3A_544 : vector<16xi32>
      %and3A = arith.andi %ge3A_543, %lt3A_545 : vector<16xi1>
      %sub3A = arith.constant 40 : i32
      %sub3A_546 = vector.broadcast %sub3A : i32 to vector<16xi32>
      %sub3A_547 = arith.subi %get3A_541, %sub3A_546 : vector<16xi32>
      %add3A_548 = vector.broadcast %mul3A_540 : i32 to vector<16xi32>
      %add3A_549 = arith.addi %iota3A_14, %add3A_548 : vector<16xi32>
      tpu.vector_store_idx %arg7[%sub3A_547, %add3A_549], %broadcast_in_dim3A_3 masked %and3A : memref<40x512xf32, #tpu.memory_space<vmem>>[vector<16xi32>, vector<16xi32>], vector<16xf32>, vector<16xi1>
    }
    %scan3A_20 = arith.constant 32 : i32
    %dma_start3A_21 = arith.constant 40 : i32
    %dma_start3A_22 = tpu.memref_slice %arg4[%dma_start3A_21, %mul3A_2] : memref<1000x16384xf32, #tpu.memory_space<hbm>> -> memref<40x512xf32, #tpu.memory_space<hbm>>
    %dma_start3A_23 = arith.constant 40 : i32
    %dma_start3A_24 = tpu.memref_slice %arg4[%dma_start3A_23, %mul3A_2] : memref<1000x16384xf32, #tpu.memory_space<hbm>> -> memref<40x512xf32, #tpu.memory_space<hbm>>
    tpu.enqueue_dma source(%arg7 : memref<40x512xf32, #tpu.memory_space<vmem>>) target(%dma_start3A_24 : memref<40x512xf32, #tpu.memory_space<hbm>>) target_semaphore(%arg9 : memref<!tpu.dma_semaphore, #tpu.memory_space<semaphore_mem>>)
    %dma_wait3A = arith.constant 0 : i32
    %dma_wait3A_25 = tpu.memref_slice %arg4[%dma_wait3A, %mul3A_2] : memref<1000x16384xf32, #tpu.memory_space<hbm>> -> memref<40x512xf32, #tpu.memory_space<hbm>>
    %dma_wait3A_26 = arith.constant 0 : i32
    %dma_wait3A_27 = tpu.memref_slice %arg4[%dma_wait3A_26, %mul3A_2] : memref<1000x16384xf32, #tpu.memory_space<hbm>> -> memref<40x512xf32, #tpu.memory_space<hbm>>
    tpu.wait_dma2 semaphore(%arg8 : memref<!tpu.dma_semaphore, #tpu.memory_space<semaphore_mem>>) src(%arg6 : memref<40x512xf32, #tpu.memory_space<vmem>>) dst(%dma_wait3A_27 : memref<40x512xf32, #tpu.memory_space<hbm>>)
    %iota3A_28 = tpu.iota {dimensions = array<i32: 0>} : vector<16xi32>
    %scan3A_29 = arith.constant 0 : i32
    %scan3A_30 = arith.constant 0 : i32
    %scan3A_31 = arith.constant 32 : i32
    %scan3A_32 = arith.addi %scan3A_30, %scan3A_31 : i32
    %scan3A_33 = arith.constant 1 : i32
    scf.for %scan3A_538 = %scan3A_30 to %scan3A_32 step %scan3A_33  : i32 {
      %mul3A_539 = arith.constant 16 : i32
      %mul3A_540 = arith.muli %scan3A_538, %mul3A_539 : i32
      %get3A = arith.index_cast %mul3A_540 : i32 to index
      %get3A_541 = tpu.vector_load %arg5[%get3A] {strides = array<i32>} : memref<512xi32, #tpu.memory_space<vmem>>, vector<16xi32>,
      %ge3A = arith.constant 0 : i32
      %ge3A_542 = vector.broadcast %ge3A : i32 to vector<16xi32>
      %ge3A_543 = arith.cmpi sge, %get3A_541, %ge3A_542 : vector<16xi32>
      %lt3A = arith.constant 40 : i32
      %lt3A_544 = vector.broadcast %lt3A : i32 to vector<16xi32>
      %lt3A_545 = arith.cmpi slt, %get3A_541, %lt3A_544 : vector<16xi32>
      %and3A = arith.andi %ge3A_543, %lt3A_545 : vector<16xi1>
      %sub3A = arith.constant 0 : i32
      %sub3A_546 = vector.broadcast %sub3A : i32 to vector<16xi32>
      %sub3A_547 = arith.subi %get3A_541, %sub3A_546 : vector<16xi32>
      %add3A_548 = vector.broadcast %mul3A_540 : i32 to vector<16xi32>
      %add3A_549 = arith.addi %iota3A_28, %add3A_548 : vector<16xi32>
      tpu.vector_store_idx %arg6[%sub3A_547, %add3A_549], %broadcast_in_dim3A_5 masked %and3A : memref<40x512xf32, #tpu.memory_space<vmem>>[vector<16xi32>, vector<16xi32>], vector<16xf32>, vector<16xi1>
    }
    %scan3A_34 = arith.constant 32 : i32
    %iota3A_35 = tpu.iota {dimensions = array<i32: 0>} : vector<16xi32>
    %scan3A_36 = arith.constant 0 : i32
    %scan3A_37 = arith.constant 0 : i32
    %scan3A_38 = arith.constant 32 : i32
    %scan3A_39 = arith.addi %scan3A_37, %scan3A_38 : i32
    %scan3A_40 = arith.constant 1 : i32
    scf.for %scan3A_538 = %scan3A_37 to %scan3A_39 step %scan3A_40  : i32 {
      %mul3A_539 = arith.constant 16 : i32
      %mul3A_540 = arith.muli %scan3A_538, %mul3A_539 : i32
      %get3A = arith.index_cast %mul3A_540 : i32 to index
      %get3A_541 = tpu.vector_load %arg5[%get3A] {strides = array<i32>} : memref<512xi32, #tpu.memory_space<vmem>>, vector<16xi32>,
      %ge3A = arith.constant 80 : i32
      %ge3A_542 = vector.broadcast %ge3A : i32 to vector<16xi32>
      %ge3A_543 = arith.cmpi sge, %get3A_541, %ge3A_542 : vector<16xi32>
      %lt3A = arith.constant 120 : i32
      %lt3A_544 = vector.broadcast %lt3A : i32 to vector<16xi32>
      %lt3A_545 = arith.cmpi slt, %get3A_541, %lt3A_544 : vector<16xi32>
      %and3A = arith.andi %ge3A_543, %lt3A_545 : vector<16xi1>
      %sub3A = arith.constant 80 : i32
      %sub3A_546 = vector.broadcast %sub3A : i32 to vector<16xi32>
      %sub3A_547 = arith.subi %get3A_541, %sub3A_546 : vector<16xi32>
      %add3A_548 = vector.broadcast %mul3A_540 : i32 to vector<16xi32>
      %add3A_549 = arith.addi %iota3A_35, %add3A_548 : vector<16xi32>
      tpu.vector_store_idx %arg6[%sub3A_547, %add3A_549], %broadcast_in_dim3A_3 masked %and3A : memref<40x512xf32, #tpu.memory_space<vmem>>[vector<16xi32>, vector<16xi32>], vector<16xf32>, vector<16xi1>
    }
    %scan3A_41 = arith.constant 32 : i32
    %dma_start3A_42 = arith.constant 80 : i32
    %dma_start3A_43 = tpu.memref_slice %arg4[%dma_start3A_42, %mul3A_2] : memref<1000x16384xf32, #tpu.memory_space<hbm>> -> memref<40x512xf32, #tpu.memory_space<hbm>>
    %dma_start3A_44 = arith.constant 80 : i32
    %dma_start3A_45 = tpu.memref_slice %arg4[%dma_start3A_44, %mul3A_2] : memref<1000x16384xf32, #tpu.memory_space<hbm>> -> memref<40x512xf32, #tpu.memory_space<hbm>>
    tpu.enqueue_dma source(%arg6 : memref<40x512xf32, #tpu.memory_space<vmem>>) target(%dma_start3A_45 : memref<40x512xf32, #tpu.memory_space<hbm>>) target_semaphore(%arg8 : memref<!tpu.dma_semaphore, #tpu.memory_space<semaphore_mem>>)
    %dma_wait3A_46 = arith.constant 40 : i32
    %dma_wait3A_47 = tpu.memref_slice %arg4[%dma_wait3A_46, %mul3A_2] : memref<1000x16384xf32, #tpu.memory_space<hbm>> -> memref<40x512xf32, #tpu.memory_space<hbm>>
    %dma_wait3A_48 = arith.constant 40 : i32
    %dma_wait3A_49 = tpu.memref_slice %arg4[%dma_wait3A_48, %mul3A_2] : memref<1000x16384xf32, #tpu.memory_space<hbm>> -> memref<40x512xf32, #tpu.memory_space<hbm>>
    tpu.wait_dma2 semaphore(%arg9 : memref<!tpu.dma_semaphore, #tpu.memory_space<semaphore_mem>>) src(%arg7 : memref<40x512xf32, #tpu.memory_space<vmem>>) dst(%dma_wait3A_49 : memref<40x512xf32, #tpu.memory_space<hbm>>)
    %iota3A_50 = tpu.iota {dimensions = array<i32: 0>} : vector<16xi32>
    %scan3A_51 = arith.constant 0 : i32
    %scan3A_52 = arith.constant 0 : i32
    %scan3A_53 = arith.constant 32 : i32
    %scan3A_54 = arith.addi %scan3A_52, %scan3A_53 : i32
    %scan3A_55 = arith.constant 1 : i32
    scf.for %scan3A_538 = %scan3A_52 to %scan3A_54 step %scan3A_55  : i32 {
      %mul3A_539 = arith.constant 16 : i32
      %mul3A_540 = arith.muli %scan3A_538, %mul3A_539 : i32
      %get3A = arith.index_cast %mul3A_540 : i32 to index
      %get3A_541 = tpu.vector_load %arg5[%get3A] {strides = array<i32>} : memref<512xi32, #tpu.memory_space<vmem>>, vector<16xi32>,
      %ge3A = arith.constant 40 : i32
      %ge3A_542 = vector.broadcast %ge3A : i32 to vector<16xi32>
      %ge3A_543 = arith.cmpi sge, %get3A_541, %ge3A_542 : vector<16xi32>
      %lt3A = arith.constant 80 : i32
      %lt3A_544 = vector.broadcast %lt3A : i32 to vector<16xi32>
      %lt3A_545 = arith.cmpi slt, %get3A_541, %lt3A_544 : vector<16xi32>
      %and3A = arith.andi %ge3A_543, %lt3A_545 : vector<16xi1>
      %sub3A = arith.constant 40 : i32
      %sub3A_546 = vector.broadcast %sub3A : i32 to vector<16xi32>
      %sub3A_547 = arith.subi %get3A_541, %sub3A_546 : vector<16xi32>
      %add3A_548 = vector.broadcast %mul3A_540 : i32 to vector<16xi32>
      %add3A_549 = arith.addi %iota3A_50, %add3A_548 : vector<16xi32>
      tpu.vector_store_idx %arg7[%sub3A_547, %add3A_549], %broadcast_in_dim3A_5 masked %and3A : memref<40x512xf32, #tpu.memory_space<vmem>>[vector<16xi32>, vector<16xi32>], vector<16xf32>, vector<16xi1>
    }
    %scan3A_56 = arith.constant 32 : i32
    %iota3A_57 = tpu.iota {dimensions = array<i32: 0>} : vector<16xi32>
    %scan3A_58 = arith.constant 0 : i32
    %scan3A_59 = arith.constant 0 : i32
    %scan3A_60 = arith.constant 32 : i32
    %scan3A_61 = arith.addi %scan3A_59, %scan3A_60 : i32
    %scan3A_62 = arith.constant 1 : i32
    scf.for %scan3A_538 = %scan3A_59 to %scan3A_61 step %scan3A_62  : i32 {
      %mul3A_539 = arith.constant 16 : i32
      %mul3A_540 = arith.muli %scan3A_538, %mul3A_539 : i32
      %get3A = arith.index_cast %mul3A_540 : i32 to index
      %get3A_541 = tpu.vector_load %arg5[%get3A] {strides = array<i32>} : memref<512xi32, #tpu.memory_space<vmem>>, vector<16xi32>,
      %ge3A = arith.constant 120 : i32
      %ge3A_542 = vector.broadcast %ge3A : i32 to vector<16xi32>
      %ge3A_543 = arith.cmpi sge, %get3A_541, %ge3A_542 : vector<16xi32>
      %lt3A = arith.constant 160 : i32
      %lt3A_544 = vector.broadcast %lt3A : i32 to vector<16xi32>
      %lt3A_545 = arith.cmpi slt, %get3A_541, %lt3A_544 : vector<16xi32>
      %and3A = arith.andi %ge3A_543, %lt3A_545 : vector<16xi1>
      %sub3A = arith.constant 120 : i32
      %sub3A_546 = vector.broadcast %sub3A : i32 to vector<16xi32>
      %sub3A_547 = arith.subi %get3A_541, %sub3A_546 : vector<16xi32>
      %add3A_548 = vector.broadcast %mul3A_540 : i32 to vector<16xi32>
      %add3A_549 = arith.addi %iota3A_57, %add3A_548 : vector<16xi32>
      tpu.vector_store_idx %arg7[%sub3A_547, %add3A_549], %broadcast_in_dim3A_3 masked %and3A : memref<40x512xf32, #tpu.memory_space<vmem>>[vector<16xi32>, vector<16xi32>], vector<16xf32>, vector<16xi1>
    }
    %scan3A_63 = arith.constant 32 : i32
    %dma_start3A_64 = arith.constant 120 : i32
    %dma_start3A_65 = tpu.memref_slice %arg4[%dma_start3A_64, %mul3A_2] : memref<1000x16384xf32, #tpu.memory_space<hbm>> -> memref<40x512xf32, #tpu.memory_space<hbm>>
    %dma_start3A_66 = arith.constant 120 : i32
    %dma_start3A_67 = tpu.memref_slice %arg4[%dma_start3A_66, %mul3A_2] : memref<1000x16384xf32, #tpu.memory_space<hbm>> -> memref<40x512xf32, #tpu.memory_space<hbm>>
    tpu.enqueue_dma source(%arg7 : memref<40x512xf32, #tpu.memory_space<vmem>>) target(%dma_start3A_67 : memref<40x512xf32, #tpu.memory_space<hbm>>) target_semaphore(%arg9 : memref<!tpu.dma_semaphore, #tpu.memory_space<semaphore_mem>>)
    %dma_wait3A_68 = arith.constant 80 : i32
    %dma_wait3A_69 = tpu.memref_slice %arg4[%dma_wait3A_68, %mul3A_2] : memref<1000x16384xf32, #tpu.memory_space<hbm>> -> memref<40x512xf32, #tpu.memory_space<hbm>>
    %dma_wait3A_70 = arith.constant 80 : i32
    %dma_wait3A_71 = tpu.memref_slice %arg4[%dma_wait3A_70, %mul3A_2] : memref<1000x16384xf32, #tpu.memory_space<hbm>> -> memref<40x512xf32, #tpu.memory_space<hbm>>
    tpu.wait_dma2 semaphore(%arg8 : memref<!tpu.dma_semaphore, #tpu.memory_space<semaphore_mem>>) src(%arg6 : memref<40x512xf32, #tpu.memory_space<vmem>>) dst(%dma_wait3A_71 : memref<40x512xf32, #tpu.memory_space<hbm>>)
    %iota3A_72 = tpu.iota {dimensions = array<i32: 0>} : vector<16xi32>
    %scan3A_73 = arith.constant 0 : i32
    %scan3A_74 = arith.constant 0 : i32
    %scan3A_75 = arith.constant 32 : i32
    %scan3A_76 = arith.addi %scan3A_74, %scan3A_75 : i32
    %scan3A_77 = arith.constant 1 : i32
    scf.for %scan3A_538 = %scan3A_74 to %scan3A_76 step %scan3A_77  : i32 {
      %mul3A_539 = arith.constant 16 : i32
      %mul3A_540 = arith.muli %scan3A_538, %mul3A_539 : i32
      %get3A = arith.index_cast %mul3A_540 : i32 to index
      %get3A_541 = tpu.vector_load %arg5[%get3A] {strides = array<i32>} : memref<512xi32, #tpu.memory_space<vmem>>, vector<16xi32>,
      %ge3A = arith.constant 80 : i32
      %ge3A_542 = vector.broadcast %ge3A : i32 to vector<16xi32>
      %ge3A_543 = arith.cmpi sge, %get3A_541, %ge3A_542 : vector<16xi32>
      %lt3A = arith.constant 120 : i32
      %lt3A_544 = vector.broadcast %lt3A : i32 to vector<16xi32>
      %lt3A_545 = arith.cmpi slt, %get3A_541, %lt3A_544 : vector<16xi32>
      %and3A = arith.andi %ge3A_543, %lt3A_545 : vector<16xi1>
      %sub3A = arith.constant 80 : i32
      %sub3A_546 = vector.broadcast %sub3A : i32 to vector<16xi32>
      %sub3A_547 = arith.subi %get3A_541, %sub3A_546 : vector<16xi32>
      %add3A_548 = vector.broadcast %mul3A_540 : i32 to vector<16xi32>
      %add3A_549 = arith.addi %iota3A_72, %add3A_548 : vector<16xi32>
      tpu.vector_store_idx %arg6[%sub3A_547, %add3A_549], %broadcast_in_dim3A_5 masked %and3A : memref<40x512xf32, #tpu.memory_space<vmem>>[vector<16xi32>, vector<16xi32>], vector<16xf32>, vector<16xi1>
    }
    %scan3A_78 = arith.constant 32 : i32
    %iota3A_79 = tpu.iota {dimensions = array<i32: 0>} : vector<16xi32>
    %scan3A_80 = arith.constant 0 : i32
    %scan3A_81 = arith.constant 0 : i32
    %scan3A_82 = arith.constant 32 : i32
    %scan3A_83 = arith.addi %scan3A_81, %scan3A_82 : i32
    %scan3A_84 = arith.constant 1 : i32
    scf.for %scan3A_538 = %scan3A_81 to %scan3A_83 step %scan3A_84  : i32 {
      %mul3A_539 = arith.constant 16 : i32
      %mul3A_540 = arith.muli %scan3A_538, %mul3A_539 : i32
      %get3A = arith.index_cast %mul3A_540 : i32 to index
      %get3A_541 = tpu.vector_load %arg5[%get3A] {strides = array<i32>} : memref<512xi32, #tpu.memory_space<vmem>>, vector<16xi32>,
      %ge3A = arith.constant 160 : i32
      %ge3A_542 = vector.broadcast %ge3A : i32 to vector<16xi32>
      %ge3A_543 = arith.cmpi sge, %get3A_541, %ge3A_542 : vector<16xi32>
      %lt3A = arith.constant 200 : i32
      %lt3A_544 = vector.broadcast %lt3A : i32 to vector<16xi32>
      %lt3A_545 = arith.cmpi slt, %get3A_541, %lt3A_544 : vector<16xi32>
      %and3A = arith.andi %ge3A_543, %lt3A_545 : vector<16xi1>
      %sub3A = arith.constant 160 : i32
      %sub3A_546 = vector.broadcast %sub3A : i32 to vector<16xi32>
      %sub3A_547 = arith.subi %get3A_541, %sub3A_546 : vector<16xi32>
      %add3A_548 = vector.broadcast %mul3A_540 : i32 to vector<16xi32>
      %add3A_549 = arith.addi %iota3A_79, %add3A_548 : vector<16xi32>
      tpu.vector_store_idx %arg6[%sub3A_547, %add3A_549], %broadcast_in_dim3A_3 masked %and3A : memref<40x512xf32, #tpu.memory_space<vmem>>[vector<16xi32>, vector<16xi32>], vector<16xf32>, vector<16xi1>
    }
    %scan3A_85 = arith.constant 32 : i32
    %dma_start3A_86 = arith.constant 160 : i32
    %dma_start3A_87 = tpu.memref_slice %arg4[%dma_start3A_86, %mul3A_2] : memref<1000x16384xf32, #tpu.memory_space<hbm>> -> memref<40x512xf32, #tpu.memory_space<hbm>>
    %dma_start3A_88 = arith.constant 160 : i32
    %dma_start3A_89 = tpu.memref_slice %arg4[%dma_start3A_88, %mul3A_2] : memref<1000x16384xf32, #tpu.memory_space<hbm>> -> memref<40x512xf32, #tpu.memory_space<hbm>>
    tpu.enqueue_dma source(%arg6 : memref<40x512xf32, #tpu.memory_space<vmem>>) target(%dma_start3A_89 : memref<40x512xf32, #tpu.memory_space<hbm>>) target_semaphore(%arg8 : memref<!tpu.dma_semaphore, #tpu.memory_space<semaphore_mem>>)
    %dma_wait3A_90 = arith.constant 120 : i32
    %dma_wait3A_91 = tpu.memref_slice %arg4[%dma_wait3A_90, %mul3A_2] : memref<1000x16384xf32, #tpu.memory_space<hbm>> -> memref<40x512xf32, #tpu.memory_space<hbm>>
    %dma_wait3A_92 = arith.constant 120 : i32
    %dma_wait3A_93 = tpu.memref_slice %arg4[%dma_wait3A_92, %mul3A_2] : memref<1000x16384xf32, #tpu.memory_space<hbm>> -> memref<40x512xf32, #tpu.memory_space<hbm>>
    tpu.wait_dma2 semaphore(%arg9 : memref<!tpu.dma_semaphore, #tpu.memory_space<semaphore_mem>>) src(%arg7 : memref<40x512xf32, #tpu.memory_space<vmem>>) dst(%dma_wait3A_93 : memref<40x512xf32, #tpu.memory_space<hbm>>)
    %iota3A_94 = tpu.iota {dimensions = array<i32: 0>} : vector<16xi32>
    %scan3A_95 = arith.constant 0 : i32
    %scan3A_96 = arith.constant 0 : i32
    %scan3A_97 = arith.constant 32 : i32
    %scan3A_98 = arith.addi %scan3A_96, %scan3A_97 : i32
    %scan3A_99 = arith.constant 1 : i32
    scf.for %scan3A_538 = %scan3A_96 to %scan3A_98 step %scan3A_99  : i32 {
      %mul3A_539 = arith.constant 16 : i32
      %mul3A_540 = arith.muli %scan3A_538, %mul3A_539 : i32
      %get3A = arith.index_cast %mul3A_540 : i32 to index
      %get3A_541 = tpu.vector_load %arg5[%get3A] {strides = array<i32>} : memref<512xi32, #tpu.memory_space<vmem>>, vector<16xi32>,
      %ge3A = arith.constant 120 : i32
      %ge3A_542 = vector.broadcast %ge3A : i32 to vector<16xi32>
      %ge3A_543 = arith.cmpi sge, %get3A_541, %ge3A_542 : vector<16xi32>
      %lt3A = arith.constant 160 : i32
      %lt3A_544 = vector.broadcast %lt3A : i32 to vector<16xi32>
      %lt3A_545 = arith.cmpi slt, %get3A_541, %lt3A_544 : vector<16xi32>
      %and3A = arith.andi %ge3A_543, %lt3A_545 : vector<16xi1>
      %sub3A = arith.constant 120 : i32
      %sub3A_546 = vector.broadcast %sub3A : i32 to vector<16xi32>
      %sub3A_547 = arith.subi %get3A_541, %sub3A_546 : vector<16xi32>
      %add3A_548 = vector.broadcast %mul3A_540 : i32 to vector<16xi32>
      %add3A_549 = arith.addi %iota3A_94, %add3A_548 : vector<16xi32>
      tpu.vector_store_idx %arg7[%sub3A_547, %add3A_549], %broadcast_in_dim3A_5 masked %and3A : memref<40x512xf32, #tpu.memory_space<vmem>>[vector<16xi32>, vector<16xi32>], vector<16xf32>, vector<16xi1>
    }
    %scan3A_100 = arith.constant 32 : i32
    %iota3A_101 = tpu.iota {dimensions = array<i32: 0>} : vector<16xi32>
    %scan3A_102 = arith.constant 0 : i32
    %scan3A_103 = arith.constant 0 : i32
    %scan3A_104 = arith.constant 32 : i32
    %scan3A_105 = arith.addi %scan3A_103, %scan3A_104 : i32
    %scan3A_106 = arith.constant 1 : i32
    scf.for %scan3A_538 = %scan3A_103 to %scan3A_105 step %scan3A_106  : i32 {
      %mul3A_539 = arith.constant 16 : i32
      %mul3A_540 = arith.muli %scan3A_538, %mul3A_539 : i32
      %get3A = arith.index_cast %mul3A_540 : i32 to index
      %get3A_541 = tpu.vector_load %arg5[%get3A] {strides = array<i32>} : memref<512xi32, #tpu.memory_space<vmem>>, vector<16xi32>,
      %ge3A = arith.constant 200 : i32
      %ge3A_542 = vector.broadcast %ge3A : i32 to vector<16xi32>
      %ge3A_543 = arith.cmpi sge, %get3A_541, %ge3A_542 : vector<16xi32>
      %lt3A = arith.constant 240 : i32
      %lt3A_544 = vector.broadcast %lt3A : i32 to vector<16xi32>
      %lt3A_545 = arith.cmpi slt, %get3A_541, %lt3A_544 : vector<16xi32>
      %and3A = arith.andi %ge3A_543, %lt3A_545 : vector<16xi1>
      %sub3A = arith.constant 200 : i32
      %sub3A_546 = vector.broadcast %sub3A : i32 to vector<16xi32>
      %sub3A_547 = arith.subi %get3A_541, %sub3A_546 : vector<16xi32>
      %add3A_548 = vector.broadcast %mul3A_540 : i32 to vector<16xi32>
      %add3A_549 = arith.addi %iota3A_101, %add3A_548 : vector<16xi32>
      tpu.vector_store_idx %arg7[%sub3A_547, %add3A_549], %broadcast_in_dim3A_3 masked %and3A : memref<40x512xf32, #tpu.memory_space<vmem>>[vector<16xi32>, vector<16xi32>], vector<16xf32>, vector<16xi1>
    }
    %scan3A_107 = arith.constant 32 : i32
    %dma_start3A_108 = arith.constant 200 : i32
    %dma_start3A_109 = tpu.memref_slice %arg4[%dma_start3A_108, %mul3A_2] : memref<1000x16384xf32, #tpu.memory_space<hbm>> -> memref<40x512xf32, #tpu.memory_space<hbm>>
    %dma_start3A_110 = arith.constant 200 : i32
    %dma_start3A_111 = tpu.memref_slice %arg4[%dma_start3A_110, %mul3A_2] : memref<1000x16384xf32, #tpu.memory_space<hbm>> -> memref<40x512xf32, #tpu.memory_space<hbm>>
    tpu.enqueue_dma source(%arg7 : memref<40x512xf32, #tpu.memory_space<vmem>>) target(%dma_start3A_111 : memref<40x512xf32, #tpu.memory_space<hbm>>) target_semaphore(%arg9 : memref<!tpu.dma_semaphore, #tpu.memory_space<semaphore_mem>>)
    %dma_wait3A_112 = arith.constant 160 : i32
    %dma_wait3A_113 = tpu.memref_slice %arg4[%dma_wait3A_112, %mul3A_2] : memref<1000x16384xf32, #tpu.memory_space<hbm>> -> memref<40x512xf32, #tpu.memory_space<hbm>>
    %dma_wait3A_114 = arith.constant 160 : i32
    %dma_wait3A_115 = tpu.memref_slice %arg4[%dma_wait3A_114, %mul3A_2] : memref<1000x16384xf32, #tpu.memory_space<hbm>> -> memref<40x512xf32, #tpu.memory_space<hbm>>
    tpu.wait_dma2 semaphore(%arg8 : memref<!tpu.dma_semaphore, #tpu.memory_space<semaphore_mem>>) src(%arg6 : memref<40x512xf32, #tpu.memory_space<vmem>>) dst(%dma_wait3A_115 : memref<40x512xf32, #tpu.memory_space<hbm>>)
    %iota3A_116 = tpu.iota {dimensions = array<i32: 0>} : vector<16xi32>
    %scan3A_117 = arith.constant 0 : i32
    %scan3A_118 = arith.constant 0 : i32
    %scan3A_119 = arith.constant 32 : i32
    %scan3A_120 = arith.addi %scan3A_118, %scan3A_119 : i32
    %scan3A_121 = arith.constant 1 : i32
    scf.for %scan3A_538 = %scan3A_118 to %scan3A_120 step %scan3A_121  : i32 {
      %mul3A_539 = arith.constant 16 : i32
      %mul3A_540 = arith.muli %scan3A_538, %mul3A_539 : i32
      %get3A = arith.index_cast %mul3A_540 : i32 to index
      %get3A_541 = tpu.vector_load %arg5[%get3A] {strides = array<i32>} : memref<512xi32, #tpu.memory_space<vmem>>, vector<16xi32>,
      %ge3A = arith.constant 160 : i32
      %ge3A_542 = vector.broadcast %ge3A : i32 to vector<16xi32>
      %ge3A_543 = arith.cmpi sge, %get3A_541, %ge3A_542 : vector<16xi32>
      %lt3A = arith.constant 200 : i32
      %lt3A_544 = vector.broadcast %lt3A : i32 to vector<16xi32>
      %lt3A_545 = arith.cmpi slt, %get3A_541, %lt3A_544 : vector<16xi32>
      %and3A = arith.andi %ge3A_543, %lt3A_545 : vector<16xi1>
      %sub3A = arith.constant 160 : i32
      %sub3A_546 = vector.broadcast %sub3A : i32 to vector<16xi32>
      %sub3A_547 = arith.subi %get3A_541, %sub3A_546 : vector<16xi32>
      %add3A_548 = vector.broadcast %mul3A_540 : i32 to vector<16xi32>
      %add3A_549 = arith.addi %iota3A_116, %add3A_548 : vector<16xi32>
      tpu.vector_store_idx %arg6[%sub3A_547, %add3A_549], %broadcast_in_dim3A_5 masked %and3A : memref<40x512xf32, #tpu.memory_space<vmem>>[vector<16xi32>, vector<16xi32>], vector<16xf32>, vector<16xi1>
    }
    %scan3A_122 = arith.constant 32 : i32
    %iota3A_123 = tpu.iota {dimensions = array<i32: 0>} : vector<16xi32>
    %scan3A_124 = arith.constant 0 : i32
    %scan3A_125 = arith.constant 0 : i32
    %scan3A_126 = arith.constant 32 : i32
    %scan3A_127 = arith.addi %scan3A_125, %scan3A_126 : i32
    %scan3A_128 = arith.constant 1 : i32
    scf.for %scan3A_538 = %scan3A_125 to %scan3A_127 step %scan3A_128  : i32 {
      %mul3A_539 = arith.constant 16 : i32
      %mul3A_540 = arith.muli %scan3A_538, %mul3A_539 : i32
      %get3A = arith.index_cast %mul3A_540 : i32 to index
      %get3A_541 = tpu.vector_load %arg5[%get3A] {strides = array<i32>} : memref<512xi32, #tpu.memory_space<vmem>>, vector<16xi32>,
      %ge3A = arith.constant 240 : i32
      %ge3A_542 = vector.broadcast %ge3A : i32 to vector<16xi32>
      %ge3A_543 = arith.cmpi sge, %get3A_541, %ge3A_542 : vector<16xi32>
      %lt3A = arith.constant 280 : i32
      %lt3A_544 = vector.broadcast %lt3A : i32 to vector<16xi32>
      %lt3A_545 = arith.cmpi slt, %get3A_541, %lt3A_544 : vector<16xi32>
      %and3A = arith.andi %ge3A_543, %lt3A_545 : vector<16xi1>
      %sub3A = arith.constant 240 : i32
      %sub3A_546 = vector.broadcast %sub3A : i32 to vector<16xi32>
      %sub3A_547 = arith.subi %get3A_541, %sub3A_546 : vector<16xi32>
      %add3A_548 = vector.broadcast %mul3A_540 : i32 to vector<16xi32>
      %add3A_549 = arith.addi %iota3A_123, %add3A_548 : vector<16xi32>
      tpu.vector_store_idx %arg6[%sub3A_547, %add3A_549], %broadcast_in_dim3A_3 masked %and3A : memref<40x512xf32, #tpu.memory_space<vmem>>[vector<16xi32>, vector<16xi32>], vector<16xf32>, vector<16xi1>
    }
    %scan3A_129 = arith.constant 32 : i32
    %dma_start3A_130 = arith.constant 240 : i32
    %dma_start3A_131 = tpu.memref_slice %arg4[%dma_start3A_130, %mul3A_2] : memref<1000x16384xf32, #tpu.memory_space<hbm>> -> memref<40x512xf32, #tpu.memory_space<hbm>>
    %dma_start3A_132 = arith.constant 240 : i32
    %dma_start3A_133 = tpu.memref_slice %arg4[%dma_start3A_132, %mul3A_2] : memref<1000x16384xf32, #tpu.memory_space<hbm>> -> memref<40x512xf32, #tpu.memory_space<hbm>>
    tpu.enqueue_dma source(%arg6 : memref<40x512xf32, #tpu.memory_space<vmem>>) target(%dma_start3A_133 : memref<40x512xf32, #tpu.memory_space<hbm>>) target_semaphore(%arg8 : memref<!tpu.dma_semaphore, #tpu.memory_space<semaphore_mem>>)
    %dma_wait3A_134 = arith.constant 200 : i32
    %dma_wait3A_135 = tpu.memref_slice %arg4[%dma_wait3A_134, %mul3A_2] : memref<1000x16384xf32, #tpu.memory_space<hbm>> -> memref<40x512xf32, #tpu.memory_space<hbm>>
    %dma_wait3A_136 = arith.constant 200 : i32
    %dma_wait3A_137 = tpu.memref_slice %arg4[%dma_wait3A_136, %mul3A_2] : memref<1000x16384xf32, #tpu.memory_space<hbm>> -> memref<40x512xf32, #tpu.memory_space<hbm>>
    tpu.wait_dma2 semaphore(%arg9 : memref<!tpu.dma_semaphore, #tpu.memory_space<semaphore_mem>>) src(%arg7 : memref<40x512xf32, #tpu.memory_space<vmem>>) dst(%dma_wait3A_137 : memref<40x512xf32, #tpu.memory_space<hbm>>)
    %iota3A_138 = tpu.iota {dimensions = array<i32: 0>} : vector<16xi32>
    %scan3A_139 = arith.constant 0 : i32
    %scan3A_140 = arith.constant 0 : i32
    %scan3A_141 = arith.constant 32 : i32
    %scan3A_142 = arith.addi %scan3A_140, %scan3A_141 : i32
    %scan3A_143 = arith.constant 1 : i32
    scf.for %scan3A_538 = %scan3A_140 to %scan3A_142 step %scan3A_143  : i32 {
      %mul3A_539 = arith.constant 16 : i32
      %mul3A_540 = arith.muli %scan3A_538, %mul3A_539 : i32
      %get3A = arith.index_cast %mul3A_540 : i32 to index
      %get3A_541 = tpu.vector_load %arg5[%get3A] {strides = array<i32>} : memref<512xi32, #tpu.memory_space<vmem>>, vector<16xi32>,
      %ge3A = arith.constant 200 : i32
      %ge3A_542 = vector.broadcast %ge3A : i32 to vector<16xi32>
      %ge3A_543 = arith.cmpi sge, %get3A_541, %ge3A_542 : vector<16xi32>
      %lt3A = arith.constant 240 : i32
      %lt3A_544 = vector.broadcast %lt3A : i32 to vector<16xi32>
      %lt3A_545 = arith.cmpi slt, %get3A_541, %lt3A_544 : vector<16xi32>
      %and3A = arith.andi %ge3A_543, %lt3A_545 : vector<16xi1>
      %sub3A = arith.constant 200 : i32
      %sub3A_546 = vector.broadcast %sub3A : i32 to vector<16xi32>
      %sub3A_547 = arith.subi %get3A_541, %sub3A_546 : vector<16xi32>
      %add3A_548 = vector.broadcast %mul3A_540 : i32 to vector<16xi32>
      %add3A_549 = arith.addi %iota3A_138, %add3A_548 : vector<16xi32>
      tpu.vector_store_idx %arg7[%sub3A_547, %add3A_549], %broadcast_in_dim3A_5 masked %and3A : memref<40x512xf32, #tpu.memory_space<vmem>>[vector<16xi32>, vector<16xi32>], vector<16xf32>, vector<16xi1>
    }
    %scan3A_144 = arith.constant 32 : i32
    %iota3A_145 = tpu.iota {dimensions = array<i32: 0>} : vector<16xi32>
    %scan3A_146 = arith.constant 0 : i32
    %scan3A_147 = arith.constant 0 : i32
    %scan3A_148 = arith.constant 32 : i32
    %scan3A_149 = arith.addi %scan3A_147, %scan3A_148 : i32
    %scan3A_150 = arith.constant 1 : i32
    scf.for %scan3A_538 = %scan3A_147 to %scan3A_149 step %scan3A_150  : i32 {
      %mul3A_539 = arith.constant 16 : i32
      %mul3A_540 = arith.muli %scan3A_538, %mul3A_539 : i32
      %get3A = arith.index_cast %mul3A_540 : i32 to index
      %get3A_541 = tpu.vector_load %arg5[%get3A] {strides = array<i32>} : memref<512xi32, #tpu.memory_space<vmem>>, vector<16xi32>,
      %ge3A = arith.constant 280 : i32
      %ge3A_542 = vector.broadcast %ge3A : i32 to vector<16xi32>
      %ge3A_543 = arith.cmpi sge, %get3A_541, %ge3A_542 : vector<16xi32>
      %lt3A = arith.constant 320 : i32
      %lt3A_544 = vector.broadcast %lt3A : i32 to vector<16xi32>
      %lt3A_545 = arith.cmpi slt, %get3A_541, %lt3A_544 : vector<16xi32>
      %and3A = arith.andi %ge3A_543, %lt3A_545 : vector<16xi1>
      %sub3A = arith.constant 280 : i32
      %sub3A_546 = vector.broadcast %sub3A : i32 to vector<16xi32>
      %sub3A_547 = arith.subi %get3A_541, %sub3A_546 : vector<16xi32>
      %add3A_548 = vector.broadcast %mul3A_540 : i32 to vector<16xi32>
      %add3A_549 = arith.addi %iota3A_145, %add3A_548 : vector<16xi32>
      tpu.vector_store_idx %arg7[%sub3A_547, %add3A_549], %broadcast_in_dim3A_3 masked %and3A : memref<40x512xf32, #tpu.memory_space<vmem>>[vector<16xi32>, vector<16xi32>], vector<16xf32>, vector<16xi1>
    }
    %scan3A_151 = arith.constant 32 : i32
    %dma_start3A_152 = arith.constant 280 : i32
    %dma_start3A_153 = tpu.memref_slice %arg4[%dma_start3A_152, %mul3A_2] : memref<1000x16384xf32, #tpu.memory_space<hbm>> -> memref<40x512xf32, #tpu.memory_space<hbm>>
    %dma_start3A_154 = arith.constant 280 : i32
    %dma_start3A_155 = tpu.memref_slice %arg4[%dma_start3A_154, %mul3A_2] : memref<1000x16384xf32, #tpu.memory_space<hbm>> -> memref<40x512xf32, #tpu.memory_space<hbm>>
    tpu.enqueue_dma source(%arg7 : memref<40x512xf32, #tpu.memory_space<vmem>>) target(%dma_start3A_155 : memref<40x512xf32, #tpu.memory_space<hbm>>) target_semaphore(%arg9 : memref<!tpu.dma_semaphore, #tpu.memory_space<semaphore_mem>>)
    %dma_wait3A_156 = arith.constant 240 : i32
    %dma_wait3A_157 = tpu.memref_slice %arg4[%dma_wait3A_156, %mul3A_2] : memref<1000x16384xf32, #tpu.memory_space<hbm>> -> memref<40x512xf32, #tpu.memory_space<hbm>>
    %dma_wait3A_158 = arith.constant 240 : i32
    %dma_wait3A_159 = tpu.memref_slice %arg4[%dma_wait3A_158, %mul3A_2] : memref<1000x16384xf32, #tpu.memory_space<hbm>> -> memref<40x512xf32, #tpu.memory_space<hbm>>
    tpu.wait_dma2 semaphore(%arg8 : memref<!tpu.dma_semaphore, #tpu.memory_space<semaphore_mem>>) src(%arg6 : memref<40x512xf32, #tpu.memory_space<vmem>>) dst(%dma_wait3A_159 : memref<40x512xf32, #tpu.memory_space<hbm>>)
    %iota3A_160 = tpu.iota {dimensions = array<i32: 0>} : vector<16xi32>
    %scan3A_161 = arith.constant 0 : i32
    %scan3A_162 = arith.constant 0 : i32
    %scan3A_163 = arith.constant 32 : i32
    %scan3A_164 = arith.addi %scan3A_162, %scan3A_163 : i32
    %scan3A_165 = arith.constant 1 : i32
    scf.for %scan3A_538 = %scan3A_162 to %scan3A_164 step %scan3A_165  : i32 {
      %mul3A_539 = arith.constant 16 : i32
      %mul3A_540 = arith.muli %scan3A_538, %mul3A_539 : i32
      %get3A = arith.index_cast %mul3A_540 : i32 to index
      %get3A_541 = tpu.vector_load %arg5[%get3A] {strides = array<i32>} : memref<512xi32, #tpu.memory_space<vmem>>, vector<16xi32>,
      %ge3A = arith.constant 240 : i32
      %ge3A_542 = vector.broadcast %ge3A : i32 to vector<16xi32>
      %ge3A_543 = arith.cmpi sge, %get3A_541, %ge3A_542 : vector<16xi32>
      %lt3A = arith.constant 280 : i32
      %lt3A_544 = vector.broadcast %lt3A : i32 to vector<16xi32>
      %lt3A_545 = arith.cmpi slt, %get3A_541, %lt3A_544 : vector<16xi32>
      %and3A = arith.andi %ge3A_543, %lt3A_545 : vector<16xi1>
      %sub3A = arith.constant 240 : i32
      %sub3A_546 = vector.broadcast %sub3A : i32 to vector<16xi32>
      %sub3A_547 = arith.subi %get3A_541, %sub3A_546 : vector<16xi32>
      %add3A_548 = vector.broadcast %mul3A_540 : i32 to vector<16xi32>
      %add3A_549 = arith.addi %iota3A_160, %add3A_548 : vector<16xi32>
      tpu.vector_store_idx %arg6[%sub3A_547, %add3A_549], %broadcast_in_dim3A_5 masked %and3A : memref<40x512xf32, #tpu.memory_space<vmem>>[vector<16xi32>, vector<16xi32>], vector<16xf32>, vector<16xi1>
    }
    %scan3A_166 = arith.constant 32 : i32
    %iota3A_167 = tpu.iota {dimensions = array<i32: 0>} : vector<16xi32>
    %scan3A_168 = arith.constant 0 : i32
    %scan3A_169 = arith.constant 0 : i32
    %scan3A_170 = arith.constant 32 : i32
    %scan3A_171 = arith.addi %scan3A_169, %scan3A_170 : i32
    %scan3A_172 = arith.constant 1 : i32
    scf.for %scan3A_538 = %scan3A_169 to %scan3A_171 step %scan3A_172  : i32 {
      %mul3A_539 = arith.constant 16 : i32
      %mul3A_540 = arith.muli %scan3A_538, %mul3A_539 : i32
      %get3A = arith.index_cast %mul3A_540 : i32 to index
      %get3A_541 = tpu.vector_load %arg5[%get3A] {strides = array<i32>} : memref<512xi32, #tpu.memory_space<vmem>>, vector<16xi32>,
      %ge3A = arith.constant 320 : i32
      %ge3A_542 = vector.broadcast %ge3A : i32 to vector<16xi32>
      %ge3A_543 = arith.cmpi sge, %get3A_541, %ge3A_542 : vector<16xi32>
      %lt3A = arith.constant 360 : i32
      %lt3A_544 = vector.broadcast %lt3A : i32 to vector<16xi32>
      %lt3A_545 = arith.cmpi slt, %get3A_541, %lt3A_544 : vector<16xi32>
      %and3A = arith.andi %ge3A_543, %lt3A_545 : vector<16xi1>
      %sub3A = arith.constant 320 : i32
      %sub3A_546 = vector.broadcast %sub3A : i32 to vector<16xi32>
      %sub3A_547 = arith.subi %get3A_541, %sub3A_546 : vector<16xi32>
      %add3A_548 = vector.broadcast %mul3A_540 : i32 to vector<16xi32>
      %add3A_549 = arith.addi %iota3A_167, %add3A_548 : vector<16xi32>
      tpu.vector_store_idx %arg6[%sub3A_547, %add3A_549], %broadcast_in_dim3A_3 masked %and3A : memref<40x512xf32, #tpu.memory_space<vmem>>[vector<16xi32>, vector<16xi32>], vector<16xf32>, vector<16xi1>
    }
    %scan3A_173 = arith.constant 32 : i32
    %dma_start3A_174 = arith.constant 320 : i32
    %dma_start3A_175 = tpu.memref_slice %arg4[%dma_start3A_174, %mul3A_2] : memref<1000x16384xf32, #tpu.memory_space<hbm>> -> memref<40x512xf32, #tpu.memory_space<hbm>>
    %dma_start3A_176 = arith.constant 320 : i32
    %dma_start3A_177 = tpu.memref_slice %arg4[%dma_start3A_176, %mul3A_2] : memref<1000x16384xf32, #tpu.memory_space<hbm>> -> memref<40x512xf32, #tpu.memory_space<hbm>>
    tpu.enqueue_dma source(%arg6 : memref<40x512xf32, #tpu.memory_space<vmem>>) target(%dma_start3A_177 : memref<40x512xf32, #tpu.memory_space<hbm>>) target_semaphore(%arg8 : memref<!tpu.dma_semaphore, #tpu.memory_space<semaphore_mem>>)
    %dma_wait3A_178 = arith.constant 280 : i32
    %dma_wait3A_179 = tpu.memref_slice %arg4[%dma_wait3A_178, %mul3A_2] : memref<1000x16384xf32, #tpu.memory_space<hbm>> -> memref<40x512xf32, #tpu.memory_space<hbm>>
    %dma_wait3A_180 = arith.constant 280 : i32
    %dma_wait3A_181 = tpu.memref_slice %arg4[%dma_wait3A_180, %mul3A_2] : memref<1000x16384xf32, #tpu.memory_space<hbm>> -> memref<40x512xf32, #tpu.memory_space<hbm>>
    tpu.wait_dma2 semaphore(%arg9 : memref<!tpu.dma_semaphore, #tpu.memory_space<semaphore_mem>>) src(%arg7 : memref<40x512xf32, #tpu.memory_space<vmem>>) dst(%dma_wait3A_181 : memref<40x512xf32, #tpu.memory_space<hbm>>)
    %iota3A_182 = tpu.iota {dimensions = array<i32: 0>} : vector<16xi32>
    %scan3A_183 = arith.constant 0 : i32
    %scan3A_184 = arith.constant 0 : i32
    %scan3A_185 = arith.constant 32 : i32
    %scan3A_186 = arith.addi %scan3A_184, %scan3A_185 : i32
    %scan3A_187 = arith.constant 1 : i32
    scf.for %scan3A_538 = %scan3A_184 to %scan3A_186 step %scan3A_187  : i32 {
      %mul3A_539 = arith.constant 16 : i32
      %mul3A_540 = arith.muli %scan3A_538, %mul3A_539 : i32
      %get3A = arith.index_cast %mul3A_540 : i32 to index
      %get3A_541 = tpu.vector_load %arg5[%get3A] {strides = array<i32>} : memref<512xi32, #tpu.memory_space<vmem>>, vector<16xi32>,
      %ge3A = arith.constant 280 : i32
      %ge3A_542 = vector.broadcast %ge3A : i32 to vector<16xi32>
      %ge3A_543 = arith.cmpi sge, %get3A_541, %ge3A_542 : vector<16xi32>
      %lt3A = arith.constant 320 : i32
      %lt3A_544 = vector.broadcast %lt3A : i32 to vector<16xi32>
      %lt3A_545 = arith.cmpi slt, %get3A_541, %lt3A_544 : vector<16xi32>
      %and3A = arith.andi %ge3A_543, %lt3A_545 : vector<16xi1>
      %sub3A = arith.constant 280 : i32
      %sub3A_546 = vector.broadcast %sub3A : i32 to vector<16xi32>
      %sub3A_547 = arith.subi %get3A_541, %sub3A_546 : vector<16xi32>
      %add3A_548 = vector.broadcast %mul3A_540 : i32 to vector<16xi32>
      %add3A_549 = arith.addi %iota3A_182, %add3A_548 : vector<16xi32>
      tpu.vector_store_idx %arg7[%sub3A_547, %add3A_549], %broadcast_in_dim3A_5 masked %and3A : memref<40x512xf32, #tpu.memory_space<vmem>>[vector<16xi32>, vector<16xi32>], vector<16xf32>, vector<16xi1>
    }
    %scan3A_188 = arith.constant 32 : i32
    %iota3A_189 = tpu.iota {dimensions = array<i32: 0>} : vector<16xi32>
    %scan3A_190 = arith.constant 0 : i32
    %scan3A_191 = arith.constant 0 : i32
    %scan3A_192 = arith.constant 32 : i32
    %scan3A_193 = arith.addi %scan3A_191, %scan3A_192 : i32
    %scan3A_194 = arith.constant 1 : i32
    scf.for %scan3A_538 = %scan3A_191 to %scan3A_193 step %scan3A_194  : i32 {
      %mul3A_539 = arith.constant 16 : i32
      %mul3A_540 = arith.muli %scan3A_538, %mul3A_539 : i32
      %get3A = arith.index_cast %mul3A_540 : i32 to index
      %get3A_541 = tpu.vector_load %arg5[%get3A] {strides = array<i32>} : memref<512xi32, #tpu.memory_space<vmem>>, vector<16xi32>,
      %ge3A = arith.constant 360 : i32
      %ge3A_542 = vector.broadcast %ge3A : i32 to vector<16xi32>
      %ge3A_543 = arith.cmpi sge, %get3A_541, %ge3A_542 : vector<16xi32>
      %lt3A = arith.constant 400 : i32
      %lt3A_544 = vector.broadcast %lt3A : i32 to vector<16xi32>
      %lt3A_545 = arith.cmpi slt, %get3A_541, %lt3A_544 : vector<16xi32>
      %and3A = arith.andi %ge3A_543, %lt3A_545 : vector<16xi1>
      %sub3A = arith.constant 360 : i32
      %sub3A_546 = vector.broadcast %sub3A : i32 to vector<16xi32>
      %sub3A_547 = arith.subi %get3A_541, %sub3A_546 : vector<16xi32>
      %add3A_548 = vector.broadcast %mul3A_540 : i32 to vector<16xi32>
      %add3A_549 = arith.addi %iota3A_189, %add3A_548 : vector<16xi32>
      tpu.vector_store_idx %arg7[%sub3A_547, %add3A_549], %broadcast_in_dim3A_3 masked %and3A : memref<40x512xf32, #tpu.memory_space<vmem>>[vector<16xi32>, vector<16xi32>], vector<16xf32>, vector<16xi1>
    }
    %scan3A_195 = arith.constant 32 : i32
    %dma_start3A_196 = arith.constant 360 : i32
    %dma_start3A_197 = tpu.memref_slice %arg4[%dma_start3A_196, %mul3A_2] : memref<1000x16384xf32, #tpu.memory_space<hbm>> -> memref<40x512xf32, #tpu.memory_space<hbm>>
    %dma_start3A_198 = arith.constant 360 : i32
    %dma_start3A_199 = tpu.memref_slice %arg4[%dma_start3A_198, %mul3A_2] : memref<1000x16384xf32, #tpu.memory_space<hbm>> -> memref<40x512xf32, #tpu.memory_space<hbm>>
    tpu.enqueue_dma source(%arg7 : memref<40x512xf32, #tpu.memory_space<vmem>>) target(%dma_start3A_199 : memref<40x512xf32, #tpu.memory_space<hbm>>) target_semaphore(%arg9 : memref<!tpu.dma_semaphore, #tpu.memory_space<semaphore_mem>>)
    %dma_wait3A_200 = arith.constant 320 : i32
    %dma_wait3A_201 = tpu.memref_slice %arg4[%dma_wait3A_200, %mul3A_2] : memref<1000x16384xf32, #tpu.memory_space<hbm>> -> memref<40x512xf32, #tpu.memory_space<hbm>>
    %dma_wait3A_202 = arith.constant 320 : i32
    %dma_wait3A_203 = tpu.memref_slice %arg4[%dma_wait3A_202, %mul3A_2] : memref<1000x16384xf32, #tpu.memory_space<hbm>> -> memref<40x512xf32, #tpu.memory_space<hbm>>
    tpu.wait_dma2 semaphore(%arg8 : memref<!tpu.dma_semaphore, #tpu.memory_space<semaphore_mem>>) src(%arg6 : memref<40x512xf32, #tpu.memory_space<vmem>>) dst(%dma_wait3A_203 : memref<40x512xf32, #tpu.memory_space<hbm>>)
    %iota3A_204 = tpu.iota {dimensions = array<i32: 0>} : vector<16xi32>
    %scan3A_205 = arith.constant 0 : i32
    %scan3A_206 = arith.constant 0 : i32
    %scan3A_207 = arith.constant 32 : i32
    %scan3A_208 = arith.addi %scan3A_206, %scan3A_207 : i32
    %scan3A_209 = arith.constant 1 : i32
    scf.for %scan3A_538 = %scan3A_206 to %scan3A_208 step %scan3A_209  : i32 {
      %mul3A_539 = arith.constant 16 : i32
      %mul3A_540 = arith.muli %scan3A_538, %mul3A_539 : i32
      %get3A = arith.index_cast %mul3A_540 : i32 to index
      %get3A_541 = tpu.vector_load %arg5[%get3A] {strides = array<i32>} : memref<512xi32, #tpu.memory_space<vmem>>, vector<16xi32>,
      %ge3A = arith.constant 320 : i32
      %ge3A_542 = vector.broadcast %ge3A : i32 to vector<16xi32>
      %ge3A_543 = arith.cmpi sge, %get3A_541, %ge3A_542 : vector<16xi32>
      %lt3A = arith.constant 360 : i32
      %lt3A_544 = vector.broadcast %lt3A : i32 to vector<16xi32>
      %lt3A_545 = arith.cmpi slt, %get3A_541, %lt3A_544 : vector<16xi32>
      %and3A = arith.andi %ge3A_543, %lt3A_545 : vector<16xi1>
      %sub3A = arith.constant 320 : i32
      %sub3A_546 = vector.broadcast %sub3A : i32 to vector<16xi32>
      %sub3A_547 = arith.subi %get3A_541, %sub3A_546 : vector<16xi32>
      %add3A_548 = vector.broadcast %mul3A_540 : i32 to vector<16xi32>
      %add3A_549 = arith.addi %iota3A_204, %add3A_548 : vector<16xi32>
      tpu.vector_store_idx %arg6[%sub3A_547, %add3A_549], %broadcast_in_dim3A_5 masked %and3A : memref<40x512xf32, #tpu.memory_space<vmem>>[vector<16xi32>, vector<16xi32>], vector<16xf32>, vector<16xi1>
    }
    %scan3A_210 = arith.constant 32 : i32
    %iota3A_211 = tpu.iota {dimensions = array<i32: 0>} : vector<16xi32>
    %scan3A_212 = arith.constant 0 : i32
    %scan3A_213 = arith.constant 0 : i32
    %scan3A_214 = arith.constant 32 : i32
    %scan3A_215 = arith.addi %scan3A_213, %scan3A_214 : i32
    %scan3A_216 = arith.constant 1 : i32
    scf.for %scan3A_538 = %scan3A_213 to %scan3A_215 step %scan3A_216  : i32 {
      %mul3A_539 = arith.constant 16 : i32
      %mul3A_540 = arith.muli %scan3A_538, %mul3A_539 : i32
      %get3A = arith.index_cast %mul3A_540 : i32 to index
      %get3A_541 = tpu.vector_load %arg5[%get3A] {strides = array<i32>} : memref<512xi32, #tpu.memory_space<vmem>>, vector<16xi32>,
      %ge3A = arith.constant 400 : i32
      %ge3A_542 = vector.broadcast %ge3A : i32 to vector<16xi32>
      %ge3A_543 = arith.cmpi sge, %get3A_541, %ge3A_542 : vector<16xi32>
      %lt3A = arith.constant 440 : i32
      %lt3A_544 = vector.broadcast %lt3A : i32 to vector<16xi32>
      %lt3A_545 = arith.cmpi slt, %get3A_541, %lt3A_544 : vector<16xi32>
      %and3A = arith.andi %ge3A_543, %lt3A_545 : vector<16xi1>
      %sub3A = arith.constant 400 : i32
      %sub3A_546 = vector.broadcast %sub3A : i32 to vector<16xi32>
      %sub3A_547 = arith.subi %get3A_541, %sub3A_546 : vector<16xi32>
      %add3A_548 = vector.broadcast %mul3A_540 : i32 to vector<16xi32>
      %add3A_549 = arith.addi %iota3A_211, %add3A_548 : vector<16xi32>
      tpu.vector_store_idx %arg6[%sub3A_547, %add3A_549], %broadcast_in_dim3A_3 masked %and3A : memref<40x512xf32, #tpu.memory_space<vmem>>[vector<16xi32>, vector<16xi32>], vector<16xf32>, vector<16xi1>
    }
    %scan3A_217 = arith.constant 32 : i32
    %dma_start3A_218 = arith.constant 400 : i32
    %dma_start3A_219 = tpu.memref_slice %arg4[%dma_start3A_218, %mul3A_2] : memref<1000x16384xf32, #tpu.memory_space<hbm>> -> memref<40x512xf32, #tpu.memory_space<hbm>>
    %dma_start3A_220 = arith.constant 400 : i32
    %dma_start3A_221 = tpu.memref_slice %arg4[%dma_start3A_220, %mul3A_2] : memref<1000x16384xf32, #tpu.memory_space<hbm>> -> memref<40x512xf32, #tpu.memory_space<hbm>>
    tpu.enqueue_dma source(%arg6 : memref<40x512xf32, #tpu.memory_space<vmem>>) target(%dma_start3A_221 : memref<40x512xf32, #tpu.memory_space<hbm>>) target_semaphore(%arg8 : memref<!tpu.dma_semaphore, #tpu.memory_space<semaphore_mem>>)
    %dma_wait3A_222 = arith.constant 360 : i32
    %dma_wait3A_223 = tpu.memref_slice %arg4[%dma_wait3A_222, %mul3A_2] : memref<1000x16384xf32, #tpu.memory_space<hbm>> -> memref<40x512xf32, #tpu.memory_space<hbm>>
    %dma_wait3A_224 = arith.constant 360 : i32
    %dma_wait3A_225 = tpu.memref_slice %arg4[%dma_wait3A_224, %mul3A_2] : memref<1000x16384xf32, #tpu.memory_space<hbm>> -> memref<40x512xf32, #tpu.memory_space<hbm>>
    tpu.wait_dma2 semaphore(%arg9 : memref<!tpu.dma_semaphore, #tpu.memory_space<semaphore_mem>>) src(%arg7 : memref<40x512xf32, #tpu.memory_space<vmem>>) dst(%dma_wait3A_225 : memref<40x512xf32, #tpu.memory_space<hbm>>)
    %iota3A_226 = tpu.iota {dimensions = array<i32: 0>} : vector<16xi32>
    %scan3A_227 = arith.constant 0 : i32
    %scan3A_228 = arith.constant 0 : i32
    %scan3A_229 = arith.constant 32 : i32
    %scan3A_230 = arith.addi %scan3A_228, %scan3A_229 : i32
    %scan3A_231 = arith.constant 1 : i32
    scf.for %scan3A_538 = %scan3A_228 to %scan3A_230 step %scan3A_231  : i32 {
      %mul3A_539 = arith.constant 16 : i32
      %mul3A_540 = arith.muli %scan3A_538, %mul3A_539 : i32
      %get3A = arith.index_cast %mul3A_540 : i32 to index
      %get3A_541 = tpu.vector_load %arg5[%get3A] {strides = array<i32>} : memref<512xi32, #tpu.memory_space<vmem>>, vector<16xi32>,
      %ge3A = arith.constant 360 : i32
      %ge3A_542 = vector.broadcast %ge3A : i32 to vector<16xi32>
      %ge3A_543 = arith.cmpi sge, %get3A_541, %ge3A_542 : vector<16xi32>
      %lt3A = arith.constant 400 : i32
      %lt3A_544 = vector.broadcast %lt3A : i32 to vector<16xi32>
      %lt3A_545 = arith.cmpi slt, %get3A_541, %lt3A_544 : vector<16xi32>
      %and3A = arith.andi %ge3A_543, %lt3A_545 : vector<16xi1>
      %sub3A = arith.constant 360 : i32
      %sub3A_546 = vector.broadcast %sub3A : i32 to vector<16xi32>
      %sub3A_547 = arith.subi %get3A_541, %sub3A_546 : vector<16xi32>
      %add3A_548 = vector.broadcast %mul3A_540 : i32 to vector<16xi32>
      %add3A_549 = arith.addi %iota3A_226, %add3A_548 : vector<16xi32>
      tpu.vector_store_idx %arg7[%sub3A_547, %add3A_549], %broadcast_in_dim3A_5 masked %and3A : memref<40x512xf32, #tpu.memory_space<vmem>>[vector<16xi32>, vector<16xi32>], vector<16xf32>, vector<16xi1>
    }
    %scan3A_232 = arith.constant 32 : i32
    %iota3A_233 = tpu.iota {dimensions = array<i32: 0>} : vector<16xi32>
    %scan3A_234 = arith.constant 0 : i32
    %scan3A_235 = arith.constant 0 : i32
    %scan3A_236 = arith.constant 32 : i32
    %scan3A_237 = arith.addi %scan3A_235, %scan3A_236 : i32
    %scan3A_238 = arith.constant 1 : i32
    scf.for %scan3A_538 = %scan3A_235 to %scan3A_237 step %scan3A_238  : i32 {
      %mul3A_539 = arith.constant 16 : i32
      %mul3A_540 = arith.muli %scan3A_538, %mul3A_539 : i32
      %get3A = arith.index_cast %mul3A_540 : i32 to index
      %get3A_541 = tpu.vector_load %arg5[%get3A] {strides = array<i32>} : memref<512xi32, #tpu.memory_space<vmem>>, vector<16xi32>,
      %ge3A = arith.constant 440 : i32
      %ge3A_542 = vector.broadcast %ge3A : i32 to vector<16xi32>
      %ge3A_543 = arith.cmpi sge, %get3A_541, %ge3A_542 : vector<16xi32>
      %lt3A = arith.constant 480 : i32
      %lt3A_544 = vector.broadcast %lt3A : i32 to vector<16xi32>
      %lt3A_545 = arith.cmpi slt, %get3A_541, %lt3A_544 : vector<16xi32>
      %and3A = arith.andi %ge3A_543, %lt3A_545 : vector<16xi1>
      %sub3A = arith.constant 440 : i32
      %sub3A_546 = vector.broadcast %sub3A : i32 to vector<16xi32>
      %sub3A_547 = arith.subi %get3A_541, %sub3A_546 : vector<16xi32>
      %add3A_548 = vector.broadcast %mul3A_540 : i32 to vector<16xi32>
      %add3A_549 = arith.addi %iota3A_233, %add3A_548 : vector<16xi32>
      tpu.vector_store_idx %arg7[%sub3A_547, %add3A_549], %broadcast_in_dim3A_3 masked %and3A : memref<40x512xf32, #tpu.memory_space<vmem>>[vector<16xi32>, vector<16xi32>], vector<16xf32>, vector<16xi1>
    }
    %scan3A_239 = arith.constant 32 : i32
    %dma_start3A_240 = arith.constant 440 : i32
    %dma_start3A_241 = tpu.memref_slice %arg4[%dma_start3A_240, %mul3A_2] : memref<1000x16384xf32, #tpu.memory_space<hbm>> -> memref<40x512xf32, #tpu.memory_space<hbm>>
    %dma_start3A_242 = arith.constant 440 : i32
    %dma_start3A_243 = tpu.memref_slice %arg4[%dma_start3A_242, %mul3A_2] : memref<1000x16384xf32, #tpu.memory_space<hbm>> -> memref<40x512xf32, #tpu.memory_space<hbm>>
    tpu.enqueue_dma source(%arg7 : memref<40x512xf32, #tpu.memory_space<vmem>>) target(%dma_start3A_243 : memref<40x512xf32, #tpu.memory_space<hbm>>) target_semaphore(%arg9 : memref<!tpu.dma_semaphore, #tpu.memory_space<semaphore_mem>>)
    %dma_wait3A_244 = arith.constant 400 : i32
    %dma_wait3A_245 = tpu.memref_slice %arg4[%dma_wait3A_244, %mul3A_2] : memref<1000x16384xf32, #tpu.memory_space<hbm>> -> memref<40x512xf32, #tpu.memory_space<hbm>>
    %dma_wait3A_246 = arith.constant 400 : i32
    %dma_wait3A_247 = tpu.memref_slice %arg4[%dma_wait3A_246, %mul3A_2] : memref<1000x16384xf32, #tpu.memory_space<hbm>> -> memref<40x512xf32, #tpu.memory_space<hbm>>
    tpu.wait_dma2 semaphore(%arg8 : memref<!tpu.dma_semaphore, #tpu.memory_space<semaphore_mem>>) src(%arg6 : memref<40x512xf32, #tpu.memory_space<vmem>>) dst(%dma_wait3A_247 : memref<40x512xf32, #tpu.memory_space<hbm>>)
    %iota3A_248 = tpu.iota {dimensions = array<i32: 0>} : vector<16xi32>
    %scan3A_249 = arith.constant 0 : i32
    %scan3A_250 = arith.constant 0 : i32
    %scan3A_251 = arith.constant 32 : i32
    %scan3A_252 = arith.addi %scan3A_250, %scan3A_251 : i32
    %scan3A_253 = arith.constant 1 : i32
    scf.for %scan3A_538 = %scan3A_250 to %scan3A_252 step %scan3A_253  : i32 {
      %mul3A_539 = arith.constant 16 : i32
      %mul3A_540 = arith.muli %scan3A_538, %mul3A_539 : i32
      %get3A = arith.index_cast %mul3A_540 : i32 to index
      %get3A_541 = tpu.vector_load %arg5[%get3A] {strides = array<i32>} : memref<512xi32, #tpu.memory_space<vmem>>, vector<16xi32>,
      %ge3A = arith.constant 400 : i32
      %ge3A_542 = vector.broadcast %ge3A : i32 to vector<16xi32>
      %ge3A_543 = arith.cmpi sge, %get3A_541, %ge3A_542 : vector<16xi32>
      %lt3A = arith.constant 440 : i32
      %lt3A_544 = vector.broadcast %lt3A : i32 to vector<16xi32>
      %lt3A_545 = arith.cmpi slt, %get3A_541, %lt3A_544 : vector<16xi32>
      %and3A = arith.andi %ge3A_543, %lt3A_545 : vector<16xi1>
      %sub3A = arith.constant 400 : i32
      %sub3A_546 = vector.broadcast %sub3A : i32 to vector<16xi32>
      %sub3A_547 = arith.subi %get3A_541, %sub3A_546 : vector<16xi32>
      %add3A_548 = vector.broadcast %mul3A_540 : i32 to vector<16xi32>
      %add3A_549 = arith.addi %iota3A_248, %add3A_548 : vector<16xi32>
      tpu.vector_store_idx %arg6[%sub3A_547, %add3A_549], %broadcast_in_dim3A_5 masked %and3A : memref<40x512xf32, #tpu.memory_space<vmem>>[vector<16xi32>, vector<16xi32>], vector<16xf32>, vector<16xi1>
    }
    %scan3A_254 = arith.constant 32 : i32
    %iota3A_255 = tpu.iota {dimensions = array<i32: 0>} : vector<16xi32>
    %scan3A_256 = arith.constant 0 : i32
    %scan3A_257 = arith.constant 0 : i32
    %scan3A_258 = arith.constant 32 : i32
    %scan3A_259 = arith.addi %scan3A_257, %scan3A_258 : i32
    %scan3A_260 = arith.constant 1 : i32
    scf.for %scan3A_538 = %scan3A_257 to %scan3A_259 step %scan3A_260  : i32 {
      %mul3A_539 = arith.constant 16 : i32
      %mul3A_540 = arith.muli %scan3A_538, %mul3A_539 : i32
      %get3A = arith.index_cast %mul3A_540 : i32 to index
      %get3A_541 = tpu.vector_load %arg5[%get3A] {strides = array<i32>} : memref<512xi32, #tpu.memory_space<vmem>>, vector<16xi32>,
      %ge3A = arith.constant 480 : i32
      %ge3A_542 = vector.broadcast %ge3A : i32 to vector<16xi32>
      %ge3A_543 = arith.cmpi sge, %get3A_541, %ge3A_542 : vector<16xi32>
      %lt3A = arith.constant 520 : i32
      %lt3A_544 = vector.broadcast %lt3A : i32 to vector<16xi32>
      %lt3A_545 = arith.cmpi slt, %get3A_541, %lt3A_544 : vector<16xi32>
      %and3A = arith.andi %ge3A_543, %lt3A_545 : vector<16xi1>
      %sub3A = arith.constant 480 : i32
      %sub3A_546 = vector.broadcast %sub3A : i32 to vector<16xi32>
      %sub3A_547 = arith.subi %get3A_541, %sub3A_546 : vector<16xi32>
      %add3A_548 = vector.broadcast %mul3A_540 : i32 to vector<16xi32>
      %add3A_549 = arith.addi %iota3A_255, %add3A_548 : vector<16xi32>
      tpu.vector_store_idx %arg6[%sub3A_547, %add3A_549], %broadcast_in_dim3A_3 masked %and3A : memref<40x512xf32, #tpu.memory_space<vmem>>[vector<16xi32>, vector<16xi32>], vector<16xf32>, vector<16xi1>
    }
    %scan3A_261 = arith.constant 32 : i32
    %dma_start3A_262 = arith.constant 480 : i32
    %dma_start3A_263 = tpu.memref_slice %arg4[%dma_start3A_262, %mul3A_2] : memref<1000x16384xf32, #tpu.memory_space<hbm>> -> memref<40x512xf32, #tpu.memory_space<hbm>>
    %dma_start3A_264 = arith.constant 480 : i32
    %dma_start3A_265 = tpu.memref_slice %arg4[%dma_start3A_264, %mul3A_2] : memref<1000x16384xf32, #tpu.memory_space<hbm>> -> memref<40x512xf32, #tpu.memory_space<hbm>>
    tpu.enqueue_dma source(%arg6 : memref<40x512xf32, #tpu.memory_space<vmem>>) target(%dma_start3A_265 : memref<40x512xf32, #tpu.memory_space<hbm>>) target_semaphore(%arg8 : memref<!tpu.dma_semaphore, #tpu.memory_space<semaphore_mem>>)
    %dma_wait3A_266 = arith.constant 440 : i32
    %dma_wait3A_267 = tpu.memref_slice %arg4[%dma_wait3A_266, %mul3A_2] : memref<1000x16384xf32, #tpu.memory_space<hbm>> -> memref<40x512xf32, #tpu.memory_space<hbm>>
    %dma_wait3A_268 = arith.constant 440 : i32
    %dma_wait3A_269 = tpu.memref_slice %arg4[%dma_wait3A_268, %mul3A_2] : memref<1000x16384xf32, #tpu.memory_space<hbm>> -> memref<40x512xf32, #tpu.memory_space<hbm>>
    tpu.wait_dma2 semaphore(%arg9 : memref<!tpu.dma_semaphore, #tpu.memory_space<semaphore_mem>>) src(%arg7 : memref<40x512xf32, #tpu.memory_space<vmem>>) dst(%dma_wait3A_269 : memref<40x512xf32, #tpu.memory_space<hbm>>)
    %iota3A_270 = tpu.iota {dimensions = array<i32: 0>} : vector<16xi32>
    %scan3A_271 = arith.constant 0 : i32
    %scan3A_272 = arith.constant 0 : i32
    %scan3A_273 = arith.constant 32 : i32
    %scan3A_274 = arith.addi %scan3A_272, %scan3A_273 : i32
    %scan3A_275 = arith.constant 1 : i32
    scf.for %scan3A_538 = %scan3A_272 to %scan3A_274 step %scan3A_275  : i32 {
      %mul3A_539 = arith.constant 16 : i32
      %mul3A_540 = arith.muli %scan3A_538, %mul3A_539 : i32
      %get3A = arith.index_cast %mul3A_540 : i32 to index
      %get3A_541 = tpu.vector_load %arg5[%get3A] {strides = array<i32>} : memref<512xi32, #tpu.memory_space<vmem>>, vector<16xi32>,
      %ge3A = arith.constant 440 : i32
      %ge3A_542 = vector.broadcast %ge3A : i32 to vector<16xi32>
      %ge3A_543 = arith.cmpi sge, %get3A_541, %ge3A_542 : vector<16xi32>
      %lt3A = arith.constant 480 : i32
      %lt3A_544 = vector.broadcast %lt3A : i32 to vector<16xi32>
      %lt3A_545 = arith.cmpi slt, %get3A_541, %lt3A_544 : vector<16xi32>
      %and3A = arith.andi %ge3A_543, %lt3A_545 : vector<16xi1>
      %sub3A = arith.constant 440 : i32
      %sub3A_546 = vector.broadcast %sub3A : i32 to vector<16xi32>
      %sub3A_547 = arith.subi %get3A_541, %sub3A_546 : vector<16xi32>
      %add3A_548 = vector.broadcast %mul3A_540 : i32 to vector<16xi32>
      %add3A_549 = arith.addi %iota3A_270, %add3A_548 : vector<16xi32>
      tpu.vector_store_idx %arg7[%sub3A_547, %add3A_549], %broadcast_in_dim3A_5 masked %and3A : memref<40x512xf32, #tpu.memory_space<vmem>>[vector<16xi32>, vector<16xi32>], vector<16xf32>, vector<16xi1>
    }
    %scan3A_276 = arith.constant 32 : i32
    %iota3A_277 = tpu.iota {dimensions = array<i32: 0>} : vector<16xi32>
    %scan3A_278 = arith.constant 0 : i32
    %scan3A_279 = arith.constant 0 : i32
    %scan3A_280 = arith.constant 32 : i32
    %scan3A_281 = arith.addi %scan3A_279, %scan3A_280 : i32
    %scan3A_282 = arith.constant 1 : i32
    scf.for %scan3A_538 = %scan3A_279 to %scan3A_281 step %scan3A_282  : i32 {
      %mul3A_539 = arith.constant 16 : i32
      %mul3A_540 = arith.muli %scan3A_538, %mul3A_539 : i32
      %get3A = arith.index_cast %mul3A_540 : i32 to index
      %get3A_541 = tpu.vector_load %arg5[%get3A] {strides = array<i32>} : memref<512xi32, #tpu.memory_space<vmem>>, vector<16xi32>,
      %ge3A = arith.constant 520 : i32
      %ge3A_542 = vector.broadcast %ge3A : i32 to vector<16xi32>
      %ge3A_543 = arith.cmpi sge, %get3A_541, %ge3A_542 : vector<16xi32>
      %lt3A = arith.constant 560 : i32
      %lt3A_544 = vector.broadcast %lt3A : i32 to vector<16xi32>
      %lt3A_545 = arith.cmpi slt, %get3A_541, %lt3A_544 : vector<16xi32>
      %and3A = arith.andi %ge3A_543, %lt3A_545 : vector<16xi1>
      %sub3A = arith.constant 520 : i32
      %sub3A_546 = vector.broadcast %sub3A : i32 to vector<16xi32>
      %sub3A_547 = arith.subi %get3A_541, %sub3A_546 : vector<16xi32>
      %add3A_548 = vector.broadcast %mul3A_540 : i32 to vector<16xi32>
      %add3A_549 = arith.addi %iota3A_277, %add3A_548 : vector<16xi32>
      tpu.vector_store_idx %arg7[%sub3A_547, %add3A_549], %broadcast_in_dim3A_3 masked %and3A : memref<40x512xf32, #tpu.memory_space<vmem>>[vector<16xi32>, vector<16xi32>], vector<16xf32>, vector<16xi1>
    }
    %scan3A_283 = arith.constant 32 : i32
    %dma_start3A_284 = arith.constant 520 : i32
    %dma_start3A_285 = tpu.memref_slice %arg4[%dma_start3A_284, %mul3A_2] : memref<1000x16384xf32, #tpu.memory_space<hbm>> -> memref<40x512xf32, #tpu.memory_space<hbm>>
    %dma_start3A_286 = arith.constant 520 : i32
    %dma_start3A_287 = tpu.memref_slice %arg4[%dma_start3A_286, %mul3A_2] : memref<1000x16384xf32, #tpu.memory_space<hbm>> -> memref<40x512xf32, #tpu.memory_space<hbm>>
    tpu.enqueue_dma source(%arg7 : memref<40x512xf32, #tpu.memory_space<vmem>>) target(%dma_start3A_287 : memref<40x512xf32, #tpu.memory_space<hbm>>) target_semaphore(%arg9 : memref<!tpu.dma_semaphore, #tpu.memory_space<semaphore_mem>>)
    %dma_wait3A_288 = arith.constant 480 : i32
    %dma_wait3A_289 = tpu.memref_slice %arg4[%dma_wait3A_288, %mul3A_2] : memref<1000x16384xf32, #tpu.memory_space<hbm>> -> memref<40x512xf32, #tpu.memory_space<hbm>>
    %dma_wait3A_290 = arith.constant 480 : i32
    %dma_wait3A_291 = tpu.memref_slice %arg4[%dma_wait3A_290, %mul3A_2] : memref<1000x16384xf32, #tpu.memory_space<hbm>> -> memref<40x512xf32, #tpu.memory_space<hbm>>
    tpu.wait_dma2 semaphore(%arg8 : memref<!tpu.dma_semaphore, #tpu.memory_space<semaphore_mem>>) src(%arg6 : memref<40x512xf32, #tpu.memory_space<vmem>>) dst(%dma_wait3A_291 : memref<40x512xf32, #tpu.memory_space<hbm>>)
    %iota3A_292 = tpu.iota {dimensions = array<i32: 0>} : vector<16xi32>
    %scan3A_293 = arith.constant 0 : i32
    %scan3A_294 = arith.constant 0 : i32
    %scan3A_295 = arith.constant 32 : i32
    %scan3A_296 = arith.addi %scan3A_294, %scan3A_295 : i32
    %scan3A_297 = arith.constant 1 : i32
    scf.for %scan3A_538 = %scan3A_294 to %scan3A_296 step %scan3A_297  : i32 {
      %mul3A_539 = arith.constant 16 : i32
      %mul3A_540 = arith.muli %scan3A_538, %mul3A_539 : i32
      %get3A = arith.index_cast %mul3A_540 : i32 to index
      %get3A_541 = tpu.vector_load %arg5[%get3A] {strides = array<i32>} : memref<512xi32, #tpu.memory_space<vmem>>, vector<16xi32>,
      %ge3A = arith.constant 480 : i32
      %ge3A_542 = vector.broadcast %ge3A : i32 to vector<16xi32>
      %ge3A_543 = arith.cmpi sge, %get3A_541, %ge3A_542 : vector<16xi32>
      %lt3A = arith.constant 520 : i32
      %lt3A_544 = vector.broadcast %lt3A : i32 to vector<16xi32>
      %lt3A_545 = arith.cmpi slt, %get3A_541, %lt3A_544 : vector<16xi32>
      %and3A = arith.andi %ge3A_543, %lt3A_545 : vector<16xi1>
      %sub3A = arith.constant 480 : i32
      %sub3A_546 = vector.broadcast %sub3A : i32 to vector<16xi32>
      %sub3A_547 = arith.subi %get3A_541, %sub3A_546 : vector<16xi32>
      %add3A_548 = vector.broadcast %mul3A_540 : i32 to vector<16xi32>
      %add3A_549 = arith.addi %iota3A_292, %add3A_548 : vector<16xi32>
      tpu.vector_store_idx %arg6[%sub3A_547, %add3A_549], %broadcast_in_dim3A_5 masked %and3A : memref<40x512xf32, #tpu.memory_space<vmem>>[vector<16xi32>, vector<16xi32>], vector<16xf32>, vector<16xi1>
    }
    %scan3A_298 = arith.constant 32 : i32
    %iota3A_299 = tpu.iota {dimensions = array<i32: 0>} : vector<16xi32>
    %scan3A_300 = arith.constant 0 : i32
    %scan3A_301 = arith.constant 0 : i32
    %scan3A_302 = arith.constant 32 : i32
    %scan3A_303 = arith.addi %scan3A_301, %scan3A_302 : i32
    %scan3A_304 = arith.constant 1 : i32
    scf.for %scan3A_538 = %scan3A_301 to %scan3A_303 step %scan3A_304  : i32 {
      %mul3A_539 = arith.constant 16 : i32
      %mul3A_540 = arith.muli %scan3A_538, %mul3A_539 : i32
      %get3A = arith.index_cast %mul3A_540 : i32 to index
      %get3A_541 = tpu.vector_load %arg5[%get3A] {strides = array<i32>} : memref<512xi32, #tpu.memory_space<vmem>>, vector<16xi32>,
      %ge3A = arith.constant 560 : i32
      %ge3A_542 = vector.broadcast %ge3A : i32 to vector<16xi32>
      %ge3A_543 = arith.cmpi sge, %get3A_541, %ge3A_542 : vector<16xi32>
      %lt3A = arith.constant 600 : i32
      %lt3A_544 = vector.broadcast %lt3A : i32 to vector<16xi32>
      %lt3A_545 = arith.cmpi slt, %get3A_541, %lt3A_544 : vector<16xi32>
      %and3A = arith.andi %ge3A_543, %lt3A_545 : vector<16xi1>
      %sub3A = arith.constant 560 : i32
      %sub3A_546 = vector.broadcast %sub3A : i32 to vector<16xi32>
      %sub3A_547 = arith.subi %get3A_541, %sub3A_546 : vector<16xi32>
      %add3A_548 = vector.broadcast %mul3A_540 : i32 to vector<16xi32>
      %add3A_549 = arith.addi %iota3A_299, %add3A_548 : vector<16xi32>
      tpu.vector_store_idx %arg6[%sub3A_547, %add3A_549], %broadcast_in_dim3A_3 masked %and3A : memref<40x512xf32, #tpu.memory_space<vmem>>[vector<16xi32>, vector<16xi32>], vector<16xf32>, vector<16xi1>
    }
    %scan3A_305 = arith.constant 32 : i32
    %dma_start3A_306 = arith.constant 560 : i32
    %dma_start3A_307 = tpu.memref_slice %arg4[%dma_start3A_306, %mul3A_2] : memref<1000x16384xf32, #tpu.memory_space<hbm>> -> memref<40x512xf32, #tpu.memory_space<hbm>>
    %dma_start3A_308 = arith.constant 560 : i32
    %dma_start3A_309 = tpu.memref_slice %arg4[%dma_start3A_308, %mul3A_2] : memref<1000x16384xf32, #tpu.memory_space<hbm>> -> memref<40x512xf32, #tpu.memory_space<hbm>>
    tpu.enqueue_dma source(%arg6 : memref<40x512xf32, #tpu.memory_space<vmem>>) target(%dma_start3A_309 : memref<40x512xf32, #tpu.memory_space<hbm>>) target_semaphore(%arg8 : memref<!tpu.dma_semaphore, #tpu.memory_space<semaphore_mem>>)
    %dma_wait3A_310 = arith.constant 520 : i32
    %dma_wait3A_311 = tpu.memref_slice %arg4[%dma_wait3A_310, %mul3A_2] : memref<1000x16384xf32, #tpu.memory_space<hbm>> -> memref<40x512xf32, #tpu.memory_space<hbm>>
    %dma_wait3A_312 = arith.constant 520 : i32
    %dma_wait3A_313 = tpu.memref_slice %arg4[%dma_wait3A_312, %mul3A_2] : memref<1000x16384xf32, #tpu.memory_space<hbm>> -> memref<40x512xf32, #tpu.memory_space<hbm>>
    tpu.wait_dma2 semaphore(%arg9 : memref<!tpu.dma_semaphore, #tpu.memory_space<semaphore_mem>>) src(%arg7 : memref<40x512xf32, #tpu.memory_space<vmem>>) dst(%dma_wait3A_313 : memref<40x512xf32, #tpu.memory_space<hbm>>)
    %iota3A_314 = tpu.iota {dimensions = array<i32: 0>} : vector<16xi32>
    %scan3A_315 = arith.constant 0 : i32
    %scan3A_316 = arith.constant 0 : i32
    %scan3A_317 = arith.constant 32 : i32
    %scan3A_318 = arith.addi %scan3A_316, %scan3A_317 : i32
    %scan3A_319 = arith.constant 1 : i32
    scf.for %scan3A_538 = %scan3A_316 to %scan3A_318 step %scan3A_319  : i32 {
      %mul3A_539 = arith.constant 16 : i32
      %mul3A_540 = arith.muli %scan3A_538, %mul3A_539 : i32
      %get3A = arith.index_cast %mul3A_540 : i32 to index
      %get3A_541 = tpu.vector_load %arg5[%get3A] {strides = array<i32>} : memref<512xi32, #tpu.memory_space<vmem>>, vector<16xi32>,
      %ge3A = arith.constant 520 : i32
      %ge3A_542 = vector.broadcast %ge3A : i32 to vector<16xi32>
      %ge3A_543 = arith.cmpi sge, %get3A_541, %ge3A_542 : vector<16xi32>
      %lt3A = arith.constant 560 : i32
      %lt3A_544 = vector.broadcast %lt3A : i32 to vector<16xi32>
      %lt3A_545 = arith.cmpi slt, %get3A_541, %lt3A_544 : vector<16xi32>
      %and3A = arith.andi %ge3A_543, %lt3A_545 : vector<16xi1>
      %sub3A = arith.constant 520 : i32
      %sub3A_546 = vector.broadcast %sub3A : i32 to vector<16xi32>
      %sub3A_547 = arith.subi %get3A_541, %sub3A_546 : vector<16xi32>
      %add3A_548 = vector.broadcast %mul3A_540 : i32 to vector<16xi32>
      %add3A_549 = arith.addi %iota3A_314, %add3A_548 : vector<16xi32>
      tpu.vector_store_idx %arg7[%sub3A_547, %add3A_549], %broadcast_in_dim3A_5 masked %and3A : memref<40x512xf32, #tpu.memory_space<vmem>>[vector<16xi32>, vector<16xi32>], vector<16xf32>, vector<16xi1>
    }
    %scan3A_320 = arith.constant 32 : i32
    %iota3A_321 = tpu.iota {dimensions = array<i32: 0>} : vector<16xi32>
    %scan3A_322 = arith.constant 0 : i32
    %scan3A_323 = arith.constant 0 : i32
    %scan3A_324 = arith.constant 32 : i32
    %scan3A_325 = arith.addi %scan3A_323, %scan3A_324 : i32
    %scan3A_326 = arith.constant 1 : i32
    scf.for %scan3A_538 = %scan3A_323 to %scan3A_325 step %scan3A_326  : i32 {
      %mul3A_539 = arith.constant 16 : i32
      %mul3A_540 = arith.muli %scan3A_538, %mul3A_539 : i32
      %get3A = arith.index_cast %mul3A_540 : i32 to index
      %get3A_541 = tpu.vector_load %arg5[%get3A] {strides = array<i32>} : memref<512xi32, #tpu.memory_space<vmem>>, vector<16xi32>,
      %ge3A = arith.constant 600 : i32
      %ge3A_542 = vector.broadcast %ge3A : i32 to vector<16xi32>
      %ge3A_543 = arith.cmpi sge, %get3A_541, %ge3A_542 : vector<16xi32>
      %lt3A = arith.constant 640 : i32
      %lt3A_544 = vector.broadcast %lt3A : i32 to vector<16xi32>
      %lt3A_545 = arith.cmpi slt, %get3A_541, %lt3A_544 : vector<16xi32>
      %and3A = arith.andi %ge3A_543, %lt3A_545 : vector<16xi1>
      %sub3A = arith.constant 600 : i32
      %sub3A_546 = vector.broadcast %sub3A : i32 to vector<16xi32>
      %sub3A_547 = arith.subi %get3A_541, %sub3A_546 : vector<16xi32>
      %add3A_548 = vector.broadcast %mul3A_540 : i32 to vector<16xi32>
      %add3A_549 = arith.addi %iota3A_321, %add3A_548 : vector<16xi32>
      tpu.vector_store_idx %arg7[%sub3A_547, %add3A_549], %broadcast_in_dim3A_3 masked %and3A : memref<40x512xf32, #tpu.memory_space<vmem>>[vector<16xi32>, vector<16xi32>], vector<16xf32>, vector<16xi1>
    }
    %scan3A_327 = arith.constant 32 : i32
    %dma_start3A_328 = arith.constant 600 : i32
    %dma_start3A_329 = tpu.memref_slice %arg4[%dma_start3A_328, %mul3A_2] : memref<1000x16384xf32, #tpu.memory_space<hbm>> -> memref<40x512xf32, #tpu.memory_space<hbm>>
    %dma_start3A_330 = arith.constant 600 : i32
    %dma_start3A_331 = tpu.memref_slice %arg4[%dma_start3A_330, %mul3A_2] : memref<1000x16384xf32, #tpu.memory_space<hbm>> -> memref<40x512xf32, #tpu.memory_space<hbm>>
    tpu.enqueue_dma source(%arg7 : memref<40x512xf32, #tpu.memory_space<vmem>>) target(%dma_start3A_331 : memref<40x512xf32, #tpu.memory_space<hbm>>) target_semaphore(%arg9 : memref<!tpu.dma_semaphore, #tpu.memory_space<semaphore_mem>>)
    %dma_wait3A_332 = arith.constant 560 : i32
    %dma_wait3A_333 = tpu.memref_slice %arg4[%dma_wait3A_332, %mul3A_2] : memref<1000x16384xf32, #tpu.memory_space<hbm>> -> memref<40x512xf32, #tpu.memory_space<hbm>>
    %dma_wait3A_334 = arith.constant 560 : i32
    %dma_wait3A_335 = tpu.memref_slice %arg4[%dma_wait3A_334, %mul3A_2] : memref<1000x16384xf32, #tpu.memory_space<hbm>> -> memref<40x512xf32, #tpu.memory_space<hbm>>
    tpu.wait_dma2 semaphore(%arg8 : memref<!tpu.dma_semaphore, #tpu.memory_space<semaphore_mem>>) src(%arg6 : memref<40x512xf32, #tpu.memory_space<vmem>>) dst(%dma_wait3A_335 : memref<40x512xf32, #tpu.memory_space<hbm>>)
    %iota3A_336 = tpu.iota {dimensions = array<i32: 0>} : vector<16xi32>
    %scan3A_337 = arith.constant 0 : i32
    %scan3A_338 = arith.constant 0 : i32
    %scan3A_339 = arith.constant 32 : i32
    %scan3A_340 = arith.addi %scan3A_338, %scan3A_339 : i32
    %scan3A_341 = arith.constant 1 : i32
    scf.for %scan3A_538 = %scan3A_338 to %scan3A_340 step %scan3A_341  : i32 {
      %mul3A_539 = arith.constant 16 : i32
      %mul3A_540 = arith.muli %scan3A_538, %mul3A_539 : i32
      %get3A = arith.index_cast %mul3A_540 : i32 to index
      %get3A_541 = tpu.vector_load %arg5[%get3A] {strides = array<i32>} : memref<512xi32, #tpu.memory_space<vmem>>, vector<16xi32>,
      %ge3A = arith.constant 560 : i32
      %ge3A_542 = vector.broadcast %ge3A : i32 to vector<16xi32>
      %ge3A_543 = arith.cmpi sge, %get3A_541, %ge3A_542 : vector<16xi32>
      %lt3A = arith.constant 600 : i32
      %lt3A_544 = vector.broadcast %lt3A : i32 to vector<16xi32>
      %lt3A_545 = arith.cmpi slt, %get3A_541, %lt3A_544 : vector<16xi32>
      %and3A = arith.andi %ge3A_543, %lt3A_545 : vector<16xi1>
      %sub3A = arith.constant 560 : i32
      %sub3A_546 = vector.broadcast %sub3A : i32 to vector<16xi32>
      %sub3A_547 = arith.subi %get3A_541, %sub3A_546 : vector<16xi32>
      %add3A_548 = vector.broadcast %mul3A_540 : i32 to vector<16xi32>
      %add3A_549 = arith.addi %iota3A_336, %add3A_548 : vector<16xi32>
      tpu.vector_store_idx %arg6[%sub3A_547, %add3A_549], %broadcast_in_dim3A_5 masked %and3A : memref<40x512xf32, #tpu.memory_space<vmem>>[vector<16xi32>, vector<16xi32>], vector<16xf32>, vector<16xi1>
    }
    %scan3A_342 = arith.constant 32 : i32
    %iota3A_343 = tpu.iota {dimensions = array<i32: 0>} : vector<16xi32>
    %scan3A_344 = arith.constant 0 : i32
    %scan3A_345 = arith.constant 0 : i32
    %scan3A_346 = arith.constant 32 : i32
    %scan3A_347 = arith.addi %scan3A_345, %scan3A_346 : i32
    %scan3A_348 = arith.constant 1 : i32
    scf.for %scan3A_538 = %scan3A_345 to %scan3A_347 step %scan3A_348  : i32 {
      %mul3A_539 = arith.constant 16 : i32
      %mul3A_540 = arith.muli %scan3A_538, %mul3A_539 : i32
      %get3A = arith.index_cast %mul3A_540 : i32 to index
      %get3A_541 = tpu.vector_load %arg5[%get3A] {strides = array<i32>} : memref<512xi32, #tpu.memory_space<vmem>>, vector<16xi32>,
      %ge3A = arith.constant 640 : i32
      %ge3A_542 = vector.broadcast %ge3A : i32 to vector<16xi32>
      %ge3A_543 = arith.cmpi sge, %get3A_541, %ge3A_542 : vector<16xi32>
      %lt3A = arith.constant 680 : i32
      %lt3A_544 = vector.broadcast %lt3A : i32 to vector<16xi32>
      %lt3A_545 = arith.cmpi slt, %get3A_541, %lt3A_544 : vector<16xi32>
      %and3A = arith.andi %ge3A_543, %lt3A_545 : vector<16xi1>
      %sub3A = arith.constant 640 : i32
      %sub3A_546 = vector.broadcast %sub3A : i32 to vector<16xi32>
      %sub3A_547 = arith.subi %get3A_541, %sub3A_546 : vector<16xi32>
      %add3A_548 = vector.broadcast %mul3A_540 : i32 to vector<16xi32>
      %add3A_549 = arith.addi %iota3A_343, %add3A_548 : vector<16xi32>
      tpu.vector_store_idx %arg6[%sub3A_547, %add3A_549], %broadcast_in_dim3A_3 masked %and3A : memref<40x512xf32, #tpu.memory_space<vmem>>[vector<16xi32>, vector<16xi32>], vector<16xf32>, vector<16xi1>
    }
    %scan3A_349 = arith.constant 32 : i32
    %dma_start3A_350 = arith.constant 640 : i32
    %dma_start3A_351 = tpu.memref_slice %arg4[%dma_start3A_350, %mul3A_2] : memref<1000x16384xf32, #tpu.memory_space<hbm>> -> memref<40x512xf32, #tpu.memory_space<hbm>>
    %dma_start3A_352 = arith.constant 640 : i32
    %dma_start3A_353 = tpu.memref_slice %arg4[%dma_start3A_352, %mul3A_2] : memref<1000x16384xf32, #tpu.memory_space<hbm>> -> memref<40x512xf32, #tpu.memory_space<hbm>>
    tpu.enqueue_dma source(%arg6 : memref<40x512xf32, #tpu.memory_space<vmem>>) target(%dma_start3A_353 : memref<40x512xf32, #tpu.memory_space<hbm>>) target_semaphore(%arg8 : memref<!tpu.dma_semaphore, #tpu.memory_space<semaphore_mem>>)
    %dma_wait3A_354 = arith.constant 600 : i32
    %dma_wait3A_355 = tpu.memref_slice %arg4[%dma_wait3A_354, %mul3A_2] : memref<1000x16384xf32, #tpu.memory_space<hbm>> -> memref<40x512xf32, #tpu.memory_space<hbm>>
    %dma_wait3A_356 = arith.constant 600 : i32
    %dma_wait3A_357 = tpu.memref_slice %arg4[%dma_wait3A_356, %mul3A_2] : memref<1000x16384xf32, #tpu.memory_space<hbm>> -> memref<40x512xf32, #tpu.memory_space<hbm>>
    tpu.wait_dma2 semaphore(%arg9 : memref<!tpu.dma_semaphore, #tpu.memory_space<semaphore_mem>>) src(%arg7 : memref<40x512xf32, #tpu.memory_space<vmem>>) dst(%dma_wait3A_357 : memref<40x512xf32, #tpu.memory_space<hbm>>)
    %iota3A_358 = tpu.iota {dimensions = array<i32: 0>} : vector<16xi32>
    %scan3A_359 = arith.constant 0 : i32
    %scan3A_360 = arith.constant 0 : i32
    %scan3A_361 = arith.constant 32 : i32
    %scan3A_362 = arith.addi %scan3A_360, %scan3A_361 : i32
    %scan3A_363 = arith.constant 1 : i32
    scf.for %scan3A_538 = %scan3A_360 to %scan3A_362 step %scan3A_363  : i32 {
      %mul3A_539 = arith.constant 16 : i32
      %mul3A_540 = arith.muli %scan3A_538, %mul3A_539 : i32
      %get3A = arith.index_cast %mul3A_540 : i32 to index
      %get3A_541 = tpu.vector_load %arg5[%get3A] {strides = array<i32>} : memref<512xi32, #tpu.memory_space<vmem>>, vector<16xi32>,
      %ge3A = arith.constant 600 : i32
      %ge3A_542 = vector.broadcast %ge3A : i32 to vector<16xi32>
      %ge3A_543 = arith.cmpi sge, %get3A_541, %ge3A_542 : vector<16xi32>
      %lt3A = arith.constant 640 : i32
      %lt3A_544 = vector.broadcast %lt3A : i32 to vector<16xi32>
      %lt3A_545 = arith.cmpi slt, %get3A_541, %lt3A_544 : vector<16xi32>
      %and3A = arith.andi %ge3A_543, %lt3A_545 : vector<16xi1>
      %sub3A = arith.constant 600 : i32
      %sub3A_546 = vector.broadcast %sub3A : i32 to vector<16xi32>
      %sub3A_547 = arith.subi %get3A_541, %sub3A_546 : vector<16xi32>
      %add3A_548 = vector.broadcast %mul3A_540 : i32 to vector<16xi32>
      %add3A_549 = arith.addi %iota3A_358, %add3A_548 : vector<16xi32>
      tpu.vector_store_idx %arg7[%sub3A_547, %add3A_549], %broadcast_in_dim3A_5 masked %and3A : memref<40x512xf32, #tpu.memory_space<vmem>>[vector<16xi32>, vector<16xi32>], vector<16xf32>, vector<16xi1>
    }
    %scan3A_364 = arith.constant 32 : i32
    %iota3A_365 = tpu.iota {dimensions = array<i32: 0>} : vector<16xi32>
    %scan3A_366 = arith.constant 0 : i32
    %scan3A_367 = arith.constant 0 : i32
    %scan3A_368 = arith.constant 32 : i32
    %scan3A_369 = arith.addi %scan3A_367, %scan3A_368 : i32
    %scan3A_370 = arith.constant 1 : i32
    scf.for %scan3A_538 = %scan3A_367 to %scan3A_369 step %scan3A_370  : i32 {
      %mul3A_539 = arith.constant 16 : i32
      %mul3A_540 = arith.muli %scan3A_538, %mul3A_539 : i32
      %get3A = arith.index_cast %mul3A_540 : i32 to index
      %get3A_541 = tpu.vector_load %arg5[%get3A] {strides = array<i32>} : memref<512xi32, #tpu.memory_space<vmem>>, vector<16xi32>,
      %ge3A = arith.constant 680 : i32
      %ge3A_542 = vector.broadcast %ge3A : i32 to vector<16xi32>
      %ge3A_543 = arith.cmpi sge, %get3A_541, %ge3A_542 : vector<16xi32>
      %lt3A = arith.constant 720 : i32
      %lt3A_544 = vector.broadcast %lt3A : i32 to vector<16xi32>
      %lt3A_545 = arith.cmpi slt, %get3A_541, %lt3A_544 : vector<16xi32>
      %and3A = arith.andi %ge3A_543, %lt3A_545 : vector<16xi1>
      %sub3A = arith.constant 680 : i32
      %sub3A_546 = vector.broadcast %sub3A : i32 to vector<16xi32>
      %sub3A_547 = arith.subi %get3A_541, %sub3A_546 : vector<16xi32>
      %add3A_548 = vector.broadcast %mul3A_540 : i32 to vector<16xi32>
      %add3A_549 = arith.addi %iota3A_365, %add3A_548 : vector<16xi32>
      tpu.vector_store_idx %arg7[%sub3A_547, %add3A_549], %broadcast_in_dim3A_3 masked %and3A : memref<40x512xf32, #tpu.memory_space<vmem>>[vector<16xi32>, vector<16xi32>], vector<16xf32>, vector<16xi1>
    }
    %scan3A_371 = arith.constant 32 : i32
    %dma_start3A_372 = arith.constant 680 : i32
    %dma_start3A_373 = tpu.memref_slice %arg4[%dma_start3A_372, %mul3A_2] : memref<1000x16384xf32, #tpu.memory_space<hbm>> -> memref<40x512xf32, #tpu.memory_space<hbm>>
    %dma_start3A_374 = arith.constant 680 : i32
    %dma_start3A_375 = tpu.memref_slice %arg4[%dma_start3A_374, %mul3A_2] : memref<1000x16384xf32, #tpu.memory_space<hbm>> -> memref<40x512xf32, #tpu.memory_space<hbm>>
    tpu.enqueue_dma source(%arg7 : memref<40x512xf32, #tpu.memory_space<vmem>>) target(%dma_start3A_375 : memref<40x512xf32, #tpu.memory_space<hbm>>) target_semaphore(%arg9 : memref<!tpu.dma_semaphore, #tpu.memory_space<semaphore_mem>>)
    %dma_wait3A_376 = arith.constant 640 : i32
    %dma_wait3A_377 = tpu.memref_slice %arg4[%dma_wait3A_376, %mul3A_2] : memref<1000x16384xf32, #tpu.memory_space<hbm>> -> memref<40x512xf32, #tpu.memory_space<hbm>>
    %dma_wait3A_378 = arith.constant 640 : i32
    %dma_wait3A_379 = tpu.memref_slice %arg4[%dma_wait3A_378, %mul3A_2] : memref<1000x16384xf32, #tpu.memory_space<hbm>> -> memref<40x512xf32, #tpu.memory_space<hbm>>
    tpu.wait_dma2 semaphore(%arg8 : memref<!tpu.dma_semaphore, #tpu.memory_space<semaphore_mem>>) src(%arg6 : memref<40x512xf32, #tpu.memory_space<vmem>>) dst(%dma_wait3A_379 : memref<40x512xf32, #tpu.memory_space<hbm>>)
    %iota3A_380 = tpu.iota {dimensions = array<i32: 0>} : vector<16xi32>
    %scan3A_381 = arith.constant 0 : i32
    %scan3A_382 = arith.constant 0 : i32
    %scan3A_383 = arith.constant 32 : i32
    %scan3A_384 = arith.addi %scan3A_382, %scan3A_383 : i32
    %scan3A_385 = arith.constant 1 : i32
    scf.for %scan3A_538 = %scan3A_382 to %scan3A_384 step %scan3A_385  : i32 {
      %mul3A_539 = arith.constant 16 : i32
      %mul3A_540 = arith.muli %scan3A_538, %mul3A_539 : i32
      %get3A = arith.index_cast %mul3A_540 : i32 to index
      %get3A_541 = tpu.vector_load %arg5[%get3A] {strides = array<i32>} : memref<512xi32, #tpu.memory_space<vmem>>, vector<16xi32>,
      %ge3A = arith.constant 640 : i32
      %ge3A_542 = vector.broadcast %ge3A : i32 to vector<16xi32>
      %ge3A_543 = arith.cmpi sge, %get3A_541, %ge3A_542 : vector<16xi32>
      %lt3A = arith.constant 680 : i32
      %lt3A_544 = vector.broadcast %lt3A : i32 to vector<16xi32>
      %lt3A_545 = arith.cmpi slt, %get3A_541, %lt3A_544 : vector<16xi32>
      %and3A = arith.andi %ge3A_543, %lt3A_545 : vector<16xi1>
      %sub3A = arith.constant 640 : i32
      %sub3A_546 = vector.broadcast %sub3A : i32 to vector<16xi32>
      %sub3A_547 = arith.subi %get3A_541, %sub3A_546 : vector<16xi32>
      %add3A_548 = vector.broadcast %mul3A_540 : i32 to vector<16xi32>
      %add3A_549 = arith.addi %iota3A_380, %add3A_548 : vector<16xi32>
      tpu.vector_store_idx %arg6[%sub3A_547, %add3A_549], %broadcast_in_dim3A_5 masked %and3A : memref<40x512xf32, #tpu.memory_space<vmem>>[vector<16xi32>, vector<16xi32>], vector<16xf32>, vector<16xi1>
    }
    %scan3A_386 = arith.constant 32 : i32
    %iota3A_387 = tpu.iota {dimensions = array<i32: 0>} : vector<16xi32>
    %scan3A_388 = arith.constant 0 : i32
    %scan3A_389 = arith.constant 0 : i32
    %scan3A_390 = arith.constant 32 : i32
    %scan3A_391 = arith.addi %scan3A_389, %scan3A_390 : i32
    %scan3A_392 = arith.constant 1 : i32
    scf.for %scan3A_538 = %scan3A_389 to %scan3A_391 step %scan3A_392  : i32 {
      %mul3A_539 = arith.constant 16 : i32
      %mul3A_540 = arith.muli %scan3A_538, %mul3A_539 : i32
      %get3A = arith.index_cast %mul3A_540 : i32 to index
      %get3A_541 = tpu.vector_load %arg5[%get3A] {strides = array<i32>} : memref<512xi32, #tpu.memory_space<vmem>>, vector<16xi32>,
      %ge3A = arith.constant 720 : i32
      %ge3A_542 = vector.broadcast %ge3A : i32 to vector<16xi32>
      %ge3A_543 = arith.cmpi sge, %get3A_541, %ge3A_542 : vector<16xi32>
      %lt3A = arith.constant 760 : i32
      %lt3A_544 = vector.broadcast %lt3A : i32 to vector<16xi32>
      %lt3A_545 = arith.cmpi slt, %get3A_541, %lt3A_544 : vector<16xi32>
      %and3A = arith.andi %ge3A_543, %lt3A_545 : vector<16xi1>
      %sub3A = arith.constant 720 : i32
      %sub3A_546 = vector.broadcast %sub3A : i32 to vector<16xi32>
      %sub3A_547 = arith.subi %get3A_541, %sub3A_546 : vector<16xi32>
      %add3A_548 = vector.broadcast %mul3A_540 : i32 to vector<16xi32>
      %add3A_549 = arith.addi %iota3A_387, %add3A_548 : vector<16xi32>
      tpu.vector_store_idx %arg6[%sub3A_547, %add3A_549], %broadcast_in_dim3A_3 masked %and3A : memref<40x512xf32, #tpu.memory_space<vmem>>[vector<16xi32>, vector<16xi32>], vector<16xf32>, vector<16xi1>
    }
    %scan3A_393 = arith.constant 32 : i32
    %dma_start3A_394 = arith.constant 720 : i32
    %dma_start3A_395 = tpu.memref_slice %arg4[%dma_start3A_394, %mul3A_2] : memref<1000x16384xf32, #tpu.memory_space<hbm>> -> memref<40x512xf32, #tpu.memory_space<hbm>>
    %dma_start3A_396 = arith.constant 720 : i32
    %dma_start3A_397 = tpu.memref_slice %arg4[%dma_start3A_396, %mul3A_2] : memref<1000x16384xf32, #tpu.memory_space<hbm>> -> memref<40x512xf32, #tpu.memory_space<hbm>>
    tpu.enqueue_dma source(%arg6 : memref<40x512xf32, #tpu.memory_space<vmem>>) target(%dma_start3A_397 : memref<40x512xf32, #tpu.memory_space<hbm>>) target_semaphore(%arg8 : memref<!tpu.dma_semaphore, #tpu.memory_space<semaphore_mem>>)
    %dma_wait3A_398 = arith.constant 680 : i32
    %dma_wait3A_399 = tpu.memref_slice %arg4[%dma_wait3A_398, %mul3A_2] : memref<1000x16384xf32, #tpu.memory_space<hbm>> -> memref<40x512xf32, #tpu.memory_space<hbm>>
    %dma_wait3A_400 = arith.constant 680 : i32
    %dma_wait3A_401 = tpu.memref_slice %arg4[%dma_wait3A_400, %mul3A_2] : memref<1000x16384xf32, #tpu.memory_space<hbm>> -> memref<40x512xf32, #tpu.memory_space<hbm>>
    tpu.wait_dma2 semaphore(%arg9 : memref<!tpu.dma_semaphore, #tpu.memory_space<semaphore_mem>>) src(%arg7 : memref<40x512xf32, #tpu.memory_space<vmem>>) dst(%dma_wait3A_401 : memref<40x512xf32, #tpu.memory_space<hbm>>)
    %iota3A_402 = tpu.iota {dimensions = array<i32: 0>} : vector<16xi32>
    %scan3A_403 = arith.constant 0 : i32
    %scan3A_404 = arith.constant 0 : i32
    %scan3A_405 = arith.constant 32 : i32
    %scan3A_406 = arith.addi %scan3A_404, %scan3A_405 : i32
    %scan3A_407 = arith.constant 1 : i32
    scf.for %scan3A_538 = %scan3A_404 to %scan3A_406 step %scan3A_407  : i32 {
      %mul3A_539 = arith.constant 16 : i32
      %mul3A_540 = arith.muli %scan3A_538, %mul3A_539 : i32
      %get3A = arith.index_cast %mul3A_540 : i32 to index
      %get3A_541 = tpu.vector_load %arg5[%get3A] {strides = array<i32>} : memref<512xi32, #tpu.memory_space<vmem>>, vector<16xi32>,
      %ge3A = arith.constant 680 : i32
      %ge3A_542 = vector.broadcast %ge3A : i32 to vector<16xi32>
      %ge3A_543 = arith.cmpi sge, %get3A_541, %ge3A_542 : vector<16xi32>
      %lt3A = arith.constant 720 : i32
      %lt3A_544 = vector.broadcast %lt3A : i32 to vector<16xi32>
      %lt3A_545 = arith.cmpi slt, %get3A_541, %lt3A_544 : vector<16xi32>
      %and3A = arith.andi %ge3A_543, %lt3A_545 : vector<16xi1>
      %sub3A = arith.constant 680 : i32
      %sub3A_546 = vector.broadcast %sub3A : i32 to vector<16xi32>
      %sub3A_547 = arith.subi %get3A_541, %sub3A_546 : vector<16xi32>
      %add3A_548 = vector.broadcast %mul3A_540 : i32 to vector<16xi32>
      %add3A_549 = arith.addi %iota3A_402, %add3A_548 : vector<16xi32>
      tpu.vector_store_idx %arg7[%sub3A_547, %add3A_549], %broadcast_in_dim3A_5 masked %and3A : memref<40x512xf32, #tpu.memory_space<vmem>>[vector<16xi32>, vector<16xi32>], vector<16xf32>, vector<16xi1>
    }
    %scan3A_408 = arith.constant 32 : i32
    %iota3A_409 = tpu.iota {dimensions = array<i32: 0>} : vector<16xi32>
    %scan3A_410 = arith.constant 0 : i32
    %scan3A_411 = arith.constant 0 : i32
    %scan3A_412 = arith.constant 32 : i32
    %scan3A_413 = arith.addi %scan3A_411, %scan3A_412 : i32
    %scan3A_414 = arith.constant 1 : i32
    scf.for %scan3A_538 = %scan3A_411 to %scan3A_413 step %scan3A_414  : i32 {
      %mul3A_539 = arith.constant 16 : i32
      %mul3A_540 = arith.muli %scan3A_538, %mul3A_539 : i32
      %get3A = arith.index_cast %mul3A_540 : i32 to index
      %get3A_541 = tpu.vector_load %arg5[%get3A] {strides = array<i32>} : memref<512xi32, #tpu.memory_space<vmem>>, vector<16xi32>,
      %ge3A = arith.constant 760 : i32
      %ge3A_542 = vector.broadcast %ge3A : i32 to vector<16xi32>
      %ge3A_543 = arith.cmpi sge, %get3A_541, %ge3A_542 : vector<16xi32>
      %lt3A = arith.constant 800 : i32
      %lt3A_544 = vector.broadcast %lt3A : i32 to vector<16xi32>
      %lt3A_545 = arith.cmpi slt, %get3A_541, %lt3A_544 : vector<16xi32>
      %and3A = arith.andi %ge3A_543, %lt3A_545 : vector<16xi1>
      %sub3A = arith.constant 760 : i32
      %sub3A_546 = vector.broadcast %sub3A : i32 to vector<16xi32>
      %sub3A_547 = arith.subi %get3A_541, %sub3A_546 : vector<16xi32>
      %add3A_548 = vector.broadcast %mul3A_540 : i32 to vector<16xi32>
      %add3A_549 = arith.addi %iota3A_409, %add3A_548 : vector<16xi32>
      tpu.vector_store_idx %arg7[%sub3A_547, %add3A_549], %broadcast_in_dim3A_3 masked %and3A : memref<40x512xf32, #tpu.memory_space<vmem>>[vector<16xi32>, vector<16xi32>], vector<16xf32>, vector<16xi1>
    }
    %scan3A_415 = arith.constant 32 : i32
    %dma_start3A_416 = arith.constant 760 : i32
    %dma_start3A_417 = tpu.memref_slice %arg4[%dma_start3A_416, %mul3A_2] : memref<1000x16384xf32, #tpu.memory_space<hbm>> -> memref<40x512xf32, #tpu.memory_space<hbm>>
    %dma_start3A_418 = arith.constant 760 : i32
    %dma_start3A_419 = tpu.memref_slice %arg4[%dma_start3A_418, %mul3A_2] : memref<1000x16384xf32, #tpu.memory_space<hbm>> -> memref<40x512xf32, #tpu.memory_space<hbm>>
    tpu.enqueue_dma source(%arg7 : memref<40x512xf32, #tpu.memory_space<vmem>>) target(%dma_start3A_419 : memref<40x512xf32, #tpu.memory_space<hbm>>) target_semaphore(%arg9 : memref<!tpu.dma_semaphore, #tpu.memory_space<semaphore_mem>>)
    %dma_wait3A_420 = arith.constant 720 : i32
    %dma_wait3A_421 = tpu.memref_slice %arg4[%dma_wait3A_420, %mul3A_2] : memref<1000x16384xf32, #tpu.memory_space<hbm>> -> memref<40x512xf32, #tpu.memory_space<hbm>>
    %dma_wait3A_422 = arith.constant 720 : i32
    %dma_wait3A_423 = tpu.memref_slice %arg4[%dma_wait3A_422, %mul3A_2] : memref<1000x16384xf32, #tpu.memory_space<hbm>> -> memref<40x512xf32, #tpu.memory_space<hbm>>
    tpu.wait_dma2 semaphore(%arg8 : memref<!tpu.dma_semaphore, #tpu.memory_space<semaphore_mem>>) src(%arg6 : memref<40x512xf32, #tpu.memory_space<vmem>>) dst(%dma_wait3A_423 : memref<40x512xf32, #tpu.memory_space<hbm>>)
    %iota3A_424 = tpu.iota {dimensions = array<i32: 0>} : vector<16xi32>
    %scan3A_425 = arith.constant 0 : i32
    %scan3A_426 = arith.constant 0 : i32
    %scan3A_427 = arith.constant 32 : i32
    %scan3A_428 = arith.addi %scan3A_426, %scan3A_427 : i32
    %scan3A_429 = arith.constant 1 : i32
    scf.for %scan3A_538 = %scan3A_426 to %scan3A_428 step %scan3A_429  : i32 {
      %mul3A_539 = arith.constant 16 : i32
      %mul3A_540 = arith.muli %scan3A_538, %mul3A_539 : i32
      %get3A = arith.index_cast %mul3A_540 : i32 to index
      %get3A_541 = tpu.vector_load %arg5[%get3A] {strides = array<i32>} : memref<512xi32, #tpu.memory_space<vmem>>, vector<16xi32>,
      %ge3A = arith.constant 720 : i32
      %ge3A_542 = vector.broadcast %ge3A : i32 to vector<16xi32>
      %ge3A_543 = arith.cmpi sge, %get3A_541, %ge3A_542 : vector<16xi32>
      %lt3A = arith.constant 760 : i32
      %lt3A_544 = vector.broadcast %lt3A : i32 to vector<16xi32>
      %lt3A_545 = arith.cmpi slt, %get3A_541, %lt3A_544 : vector<16xi32>
      %and3A = arith.andi %ge3A_543, %lt3A_545 : vector<16xi1>
      %sub3A = arith.constant 720 : i32
      %sub3A_546 = vector.broadcast %sub3A : i32 to vector<16xi32>
      %sub3A_547 = arith.subi %get3A_541, %sub3A_546 : vector<16xi32>
      %add3A_548 = vector.broadcast %mul3A_540 : i32 to vector<16xi32>
      %add3A_549 = arith.addi %iota3A_424, %add3A_548 : vector<16xi32>
      tpu.vector_store_idx %arg6[%sub3A_547, %add3A_549], %broadcast_in_dim3A_5 masked %and3A : memref<40x512xf32, #tpu.memory_space<vmem>>[vector<16xi32>, vector<16xi32>], vector<16xf32>, vector<16xi1>
    }
    %scan3A_430 = arith.constant 32 : i32
    %iota3A_431 = tpu.iota {dimensions = array<i32: 0>} : vector<16xi32>
    %scan3A_432 = arith.constant 0 : i32
    %scan3A_433 = arith.constant 0 : i32
    %scan3A_434 = arith.constant 32 : i32
    %scan3A_435 = arith.addi %scan3A_433, %scan3A_434 : i32
    %scan3A_436 = arith.constant 1 : i32
    scf.for %scan3A_538 = %scan3A_433 to %scan3A_435 step %scan3A_436  : i32 {
      %mul3A_539 = arith.constant 16 : i32
      %mul3A_540 = arith.muli %scan3A_538, %mul3A_539 : i32
      %get3A = arith.index_cast %mul3A_540 : i32 to index
      %get3A_541 = tpu.vector_load %arg5[%get3A] {strides = array<i32>} : memref<512xi32, #tpu.memory_space<vmem>>, vector<16xi32>,
      %ge3A = arith.constant 800 : i32
      %ge3A_542 = vector.broadcast %ge3A : i32 to vector<16xi32>
      %ge3A_543 = arith.cmpi sge, %get3A_541, %ge3A_542 : vector<16xi32>
      %lt3A = arith.constant 840 : i32
      %lt3A_544 = vector.broadcast %lt3A : i32 to vector<16xi32>
      %lt3A_545 = arith.cmpi slt, %get3A_541, %lt3A_544 : vector<16xi32>
      %and3A = arith.andi %ge3A_543, %lt3A_545 : vector<16xi1>
      %sub3A = arith.constant 800 : i32
      %sub3A_546 = vector.broadcast %sub3A : i32 to vector<16xi32>
      %sub3A_547 = arith.subi %get3A_541, %sub3A_546 : vector<16xi32>
      %add3A_548 = vector.broadcast %mul3A_540 : i32 to vector<16xi32>
      %add3A_549 = arith.addi %iota3A_431, %add3A_548 : vector<16xi32>
      tpu.vector_store_idx %arg6[%sub3A_547, %add3A_549], %broadcast_in_dim3A_3 masked %and3A : memref<40x512xf32, #tpu.memory_space<vmem>>[vector<16xi32>, vector<16xi32>], vector<16xf32>, vector<16xi1>
    }
    %scan3A_437 = arith.constant 32 : i32
    %dma_start3A_438 = arith.constant 800 : i32
    %dma_start3A_439 = tpu.memref_slice %arg4[%dma_start3A_438, %mul3A_2] : memref<1000x16384xf32, #tpu.memory_space<hbm>> -> memref<40x512xf32, #tpu.memory_space<hbm>>
    %dma_start3A_440 = arith.constant 800 : i32
    %dma_start3A_441 = tpu.memref_slice %arg4[%dma_start3A_440, %mul3A_2] : memref<1000x16384xf32, #tpu.memory_space<hbm>> -> memref<40x512xf32, #tpu.memory_space<hbm>>
    tpu.enqueue_dma source(%arg6 : memref<40x512xf32, #tpu.memory_space<vmem>>) target(%dma_start3A_441 : memref<40x512xf32, #tpu.memory_space<hbm>>) target_semaphore(%arg8 : memref<!tpu.dma_semaphore, #tpu.memory_space<semaphore_mem>>)
    %dma_wait3A_442 = arith.constant 760 : i32
    %dma_wait3A_443 = tpu.memref_slice %arg4[%dma_wait3A_442, %mul3A_2] : memref<1000x16384xf32, #tpu.memory_space<hbm>> -> memref<40x512xf32, #tpu.memory_space<hbm>>
    %dma_wait3A_444 = arith.constant 760 : i32
    %dma_wait3A_445 = tpu.memref_slice %arg4[%dma_wait3A_444, %mul3A_2] : memref<1000x16384xf32, #tpu.memory_space<hbm>> -> memref<40x512xf32, #tpu.memory_space<hbm>>
    tpu.wait_dma2 semaphore(%arg9 : memref<!tpu.dma_semaphore, #tpu.memory_space<semaphore_mem>>) src(%arg7 : memref<40x512xf32, #tpu.memory_space<vmem>>) dst(%dma_wait3A_445 : memref<40x512xf32, #tpu.memory_space<hbm>>)
    %iota3A_446 = tpu.iota {dimensions = array<i32: 0>} : vector<16xi32>
    %scan3A_447 = arith.constant 0 : i32
    %scan3A_448 = arith.constant 0 : i32
    %scan3A_449 = arith.constant 32 : i32
    %scan3A_450 = arith.addi %scan3A_448, %scan3A_449 : i32
    %scan3A_451 = arith.constant 1 : i32
    scf.for %scan3A_538 = %scan3A_448 to %scan3A_450 step %scan3A_451  : i32 {
      %mul3A_539 = arith.constant 16 : i32
      %mul3A_540 = arith.muli %scan3A_538, %mul3A_539 : i32
      %get3A = arith.index_cast %mul3A_540 : i32 to index
      %get3A_541 = tpu.vector_load %arg5[%get3A] {strides = array<i32>} : memref<512xi32, #tpu.memory_space<vmem>>, vector<16xi32>,
      %ge3A = arith.constant 760 : i32
      %ge3A_542 = vector.broadcast %ge3A : i32 to vector<16xi32>
      %ge3A_543 = arith.cmpi sge, %get3A_541, %ge3A_542 : vector<16xi32>
      %lt3A = arith.constant 800 : i32
      %lt3A_544 = vector.broadcast %lt3A : i32 to vector<16xi32>
      %lt3A_545 = arith.cmpi slt, %get3A_541, %lt3A_544 : vector<16xi32>
      %and3A = arith.andi %ge3A_543, %lt3A_545 : vector<16xi1>
      %sub3A = arith.constant 760 : i32
      %sub3A_546 = vector.broadcast %sub3A : i32 to vector<16xi32>
      %sub3A_547 = arith.subi %get3A_541, %sub3A_546 : vector<16xi32>
      %add3A_548 = vector.broadcast %mul3A_540 : i32 to vector<16xi32>
      %add3A_549 = arith.addi %iota3A_446, %add3A_548 : vector<16xi32>
      tpu.vector_store_idx %arg7[%sub3A_547, %add3A_549], %broadcast_in_dim3A_5 masked %and3A : memref<40x512xf32, #tpu.memory_space<vmem>>[vector<16xi32>, vector<16xi32>], vector<16xf32>, vector<16xi1>
    }
    %scan3A_452 = arith.constant 32 : i32
    %iota3A_453 = tpu.iota {dimensions = array<i32: 0>} : vector<16xi32>
    %scan3A_454 = arith.constant 0 : i32
    %scan3A_455 = arith.constant 0 : i32
    %scan3A_456 = arith.constant 32 : i32
    %scan3A_457 = arith.addi %scan3A_455, %scan3A_456 : i32
    %scan3A_458 = arith.constant 1 : i32
    scf.for %scan3A_538 = %scan3A_455 to %scan3A_457 step %scan3A_458  : i32 {
      %mul3A_539 = arith.constant 16 : i32
      %mul3A_540 = arith.muli %scan3A_538, %mul3A_539 : i32
      %get3A = arith.index_cast %mul3A_540 : i32 to index
      %get3A_541 = tpu.vector_load %arg5[%get3A] {strides = array<i32>} : memref<512xi32, #tpu.memory_space<vmem>>, vector<16xi32>,
      %ge3A = arith.constant 840 : i32
      %ge3A_542 = vector.broadcast %ge3A : i32 to vector<16xi32>
      %ge3A_543 = arith.cmpi sge, %get3A_541, %ge3A_542 : vector<16xi32>
      %lt3A = arith.constant 880 : i32
      %lt3A_544 = vector.broadcast %lt3A : i32 to vector<16xi32>
      %lt3A_545 = arith.cmpi slt, %get3A_541, %lt3A_544 : vector<16xi32>
      %and3A = arith.andi %ge3A_543, %lt3A_545 : vector<16xi1>
      %sub3A = arith.constant 840 : i32
      %sub3A_546 = vector.broadcast %sub3A : i32 to vector<16xi32>
      %sub3A_547 = arith.subi %get3A_541, %sub3A_546 : vector<16xi32>
      %add3A_548 = vector.broadcast %mul3A_540 : i32 to vector<16xi32>
      %add3A_549 = arith.addi %iota3A_453, %add3A_548 : vector<16xi32>
      tpu.vector_store_idx %arg7[%sub3A_547, %add3A_549], %broadcast_in_dim3A_3 masked %and3A : memref<40x512xf32, #tpu.memory_space<vmem>>[vector<16xi32>, vector<16xi32>], vector<16xf32>, vector<16xi1>
    }
    %scan3A_459 = arith.constant 32 : i32
    %dma_start3A_460 = arith.constant 840 : i32
    %dma_start3A_461 = tpu.memref_slice %arg4[%dma_start3A_460, %mul3A_2] : memref<1000x16384xf32, #tpu.memory_space<hbm>> -> memref<40x512xf32, #tpu.memory_space<hbm>>
    %dma_start3A_462 = arith.constant 840 : i32
    %dma_start3A_463 = tpu.memref_slice %arg4[%dma_start3A_462, %mul3A_2] : memref<1000x16384xf32, #tpu.memory_space<hbm>> -> memref<40x512xf32, #tpu.memory_space<hbm>>
    tpu.enqueue_dma source(%arg7 : memref<40x512xf32, #tpu.memory_space<vmem>>) target(%dma_start3A_463 : memref<40x512xf32, #tpu.memory_space<hbm>>) target_semaphore(%arg9 : memref<!tpu.dma_semaphore, #tpu.memory_space<semaphore_mem>>)
    %dma_wait3A_464 = arith.constant 800 : i32
    %dma_wait3A_465 = tpu.memref_slice %arg4[%dma_wait3A_464, %mul3A_2] : memref<1000x16384xf32, #tpu.memory_space<hbm>> -> memref<40x512xf32, #tpu.memory_space<hbm>>
    %dma_wait3A_466 = arith.constant 800 : i32
    %dma_wait3A_467 = tpu.memref_slice %arg4[%dma_wait3A_466, %mul3A_2] : memref<1000x16384xf32, #tpu.memory_space<hbm>> -> memref<40x512xf32, #tpu.memory_space<hbm>>
    tpu.wait_dma2 semaphore(%arg8 : memref<!tpu.dma_semaphore, #tpu.memory_space<semaphore_mem>>) src(%arg6 : memref<40x512xf32, #tpu.memory_space<vmem>>) dst(%dma_wait3A_467 : memref<40x512xf32, #tpu.memory_space<hbm>>)
    %iota3A_468 = tpu.iota {dimensions = array<i32: 0>} : vector<16xi32>
    %scan3A_469 = arith.constant 0 : i32
    %scan3A_470 = arith.constant 0 : i32
    %scan3A_471 = arith.constant 32 : i32
    %scan3A_472 = arith.addi %scan3A_470, %scan3A_471 : i32
    %scan3A_473 = arith.constant 1 : i32
    scf.for %scan3A_538 = %scan3A_470 to %scan3A_472 step %scan3A_473  : i32 {
      %mul3A_539 = arith.constant 16 : i32
      %mul3A_540 = arith.muli %scan3A_538, %mul3A_539 : i32
      %get3A = arith.index_cast %mul3A_540 : i32 to index
      %get3A_541 = tpu.vector_load %arg5[%get3A] {strides = array<i32>} : memref<512xi32, #tpu.memory_space<vmem>>, vector<16xi32>,
      %ge3A = arith.constant 800 : i32
      %ge3A_542 = vector.broadcast %ge3A : i32 to vector<16xi32>
      %ge3A_543 = arith.cmpi sge, %get3A_541, %ge3A_542 : vector<16xi32>
      %lt3A = arith.constant 840 : i32
      %lt3A_544 = vector.broadcast %lt3A : i32 to vector<16xi32>
      %lt3A_545 = arith.cmpi slt, %get3A_541, %lt3A_544 : vector<16xi32>
      %and3A = arith.andi %ge3A_543, %lt3A_545 : vector<16xi1>
      %sub3A = arith.constant 800 : i32
      %sub3A_546 = vector.broadcast %sub3A : i32 to vector<16xi32>
      %sub3A_547 = arith.subi %get3A_541, %sub3A_546 : vector<16xi32>
      %add3A_548 = vector.broadcast %mul3A_540 : i32 to vector<16xi32>
      %add3A_549 = arith.addi %iota3A_468, %add3A_548 : vector<16xi32>
      tpu.vector_store_idx %arg6[%sub3A_547, %add3A_549], %broadcast_in_dim3A_5 masked %and3A : memref<40x512xf32, #tpu.memory_space<vmem>>[vector<16xi32>, vector<16xi32>], vector<16xf32>, vector<16xi1>
    }
    %scan3A_474 = arith.constant 32 : i32
    %iota3A_475 = tpu.iota {dimensions = array<i32: 0>} : vector<16xi32>
    %scan3A_476 = arith.constant 0 : i32
    %scan3A_477 = arith.constant 0 : i32
    %scan3A_478 = arith.constant 32 : i32
    %scan3A_479 = arith.addi %scan3A_477, %scan3A_478 : i32
    %scan3A_480 = arith.constant 1 : i32
    scf.for %scan3A_538 = %scan3A_477 to %scan3A_479 step %scan3A_480  : i32 {
      %mul3A_539 = arith.constant 16 : i32
      %mul3A_540 = arith.muli %scan3A_538, %mul3A_539 : i32
      %get3A = arith.index_cast %mul3A_540 : i32 to index
      %get3A_541 = tpu.vector_load %arg5[%get3A] {strides = array<i32>} : memref<512xi32, #tpu.memory_space<vmem>>, vector<16xi32>,
      %ge3A = arith.constant 880 : i32
      %ge3A_542 = vector.broadcast %ge3A : i32 to vector<16xi32>
      %ge3A_543 = arith.cmpi sge, %get3A_541, %ge3A_542 : vector<16xi32>
      %lt3A = arith.constant 920 : i32
      %lt3A_544 = vector.broadcast %lt3A : i32 to vector<16xi32>
      %lt3A_545 = arith.cmpi slt, %get3A_541, %lt3A_544 : vector<16xi32>
      %and3A = arith.andi %ge3A_543, %lt3A_545 : vector<16xi1>
      %sub3A = arith.constant 880 : i32
      %sub3A_546 = vector.broadcast %sub3A : i32 to vector<16xi32>
      %sub3A_547 = arith.subi %get3A_541, %sub3A_546 : vector<16xi32>
      %add3A_548 = vector.broadcast %mul3A_540 : i32 to vector<16xi32>
      %add3A_549 = arith.addi %iota3A_475, %add3A_548 : vector<16xi32>
      tpu.vector_store_idx %arg6[%sub3A_547, %add3A_549], %broadcast_in_dim3A_3 masked %and3A : memref<40x512xf32, #tpu.memory_space<vmem>>[vector<16xi32>, vector<16xi32>], vector<16xf32>, vector<16xi1>
    }
    %scan3A_481 = arith.constant 32 : i32
    %dma_start3A_482 = arith.constant 880 : i32
    %dma_start3A_483 = tpu.memref_slice %arg4[%dma_start3A_482, %mul3A_2] : memref<1000x16384xf32, #tpu.memory_space<hbm>> -> memref<40x512xf32, #tpu.memory_space<hbm>>
    %dma_start3A_484 = arith.constant 880 : i32
    %dma_start3A_485 = tpu.memref_slice %arg4[%dma_start3A_484, %mul3A_2] : memref<1000x16384xf32, #tpu.memory_space<hbm>> -> memref<40x512xf32, #tpu.memory_space<hbm>>
    tpu.enqueue_dma source(%arg6 : memref<40x512xf32, #tpu.memory_space<vmem>>) target(%dma_start3A_485 : memref<40x512xf32, #tpu.memory_space<hbm>>) target_semaphore(%arg8 : memref<!tpu.dma_semaphore, #tpu.memory_space<semaphore_mem>>)
    %dma_wait3A_486 = arith.constant 840 : i32
    %dma_wait3A_487 = tpu.memref_slice %arg4[%dma_wait3A_486, %mul3A_2] : memref<1000x16384xf32, #tpu.memory_space<hbm>> -> memref<40x512xf32, #tpu.memory_space<hbm>>
    %dma_wait3A_488 = arith.constant 840 : i32
    %dma_wait3A_489 = tpu.memref_slice %arg4[%dma_wait3A_488, %mul3A_2] : memref<1000x16384xf32, #tpu.memory_space<hbm>> -> memref<40x512xf32, #tpu.memory_space<hbm>>
    tpu.wait_dma2 semaphore(%arg9 : memref<!tpu.dma_semaphore, #tpu.memory_space<semaphore_mem>>) src(%arg7 : memref<40x512xf32, #tpu.memory_space<vmem>>) dst(%dma_wait3A_489 : memref<40x512xf32, #tpu.memory_space<hbm>>)
    %iota3A_490 = tpu.iota {dimensions = array<i32: 0>} : vector<16xi32>
    %scan3A_491 = arith.constant 0 : i32
    %scan3A_492 = arith.constant 0 : i32
    %scan3A_493 = arith.constant 32 : i32
    %scan3A_494 = arith.addi %scan3A_492, %scan3A_493 : i32
    %scan3A_495 = arith.constant 1 : i32
    scf.for %scan3A_538 = %scan3A_492 to %scan3A_494 step %scan3A_495  : i32 {
      %mul3A_539 = arith.constant 16 : i32
      %mul3A_540 = arith.muli %scan3A_538, %mul3A_539 : i32
      %get3A = arith.index_cast %mul3A_540 : i32 to index
      %get3A_541 = tpu.vector_load %arg5[%get3A] {strides = array<i32>} : memref<512xi32, #tpu.memory_space<vmem>>, vector<16xi32>,
      %ge3A = arith.constant 840 : i32
      %ge3A_542 = vector.broadcast %ge3A : i32 to vector<16xi32>
      %ge3A_543 = arith.cmpi sge, %get3A_541, %ge3A_542 : vector<16xi32>
      %lt3A = arith.constant 880 : i32
      %lt3A_544 = vector.broadcast %lt3A : i32 to vector<16xi32>
      %lt3A_545 = arith.cmpi slt, %get3A_541, %lt3A_544 : vector<16xi32>
      %and3A = arith.andi %ge3A_543, %lt3A_545 : vector<16xi1>
      %sub3A = arith.constant 840 : i32
      %sub3A_546 = vector.broadcast %sub3A : i32 to vector<16xi32>
      %sub3A_547 = arith.subi %get3A_541, %sub3A_546 : vector<16xi32>
      %add3A_548 = vector.broadcast %mul3A_540 : i32 to vector<16xi32>
      %add3A_549 = arith.addi %iota3A_490, %add3A_548 : vector<16xi32>
      tpu.vector_store_idx %arg7[%sub3A_547, %add3A_549], %broadcast_in_dim3A_5 masked %and3A : memref<40x512xf32, #tpu.memory_space<vmem>>[vector<16xi32>, vector<16xi32>], vector<16xf32>, vector<16xi1>
    }
    %scan3A_496 = arith.constant 32 : i32
    %iota3A_497 = tpu.iota {dimensions = array<i32: 0>} : vector<16xi32>
    %scan3A_498 = arith.constant 0 : i32
    %scan3A_499 = arith.constant 0 : i32
    %scan3A_500 = arith.constant 32 : i32
    %scan3A_501 = arith.addi %scan3A_499, %scan3A_500 : i32
    %scan3A_502 = arith.constant 1 : i32
    scf.for %scan3A_538 = %scan3A_499 to %scan3A_501 step %scan3A_502  : i32 {
      %mul3A_539 = arith.constant 16 : i32
      %mul3A_540 = arith.muli %scan3A_538, %mul3A_539 : i32
      %get3A = arith.index_cast %mul3A_540 : i32 to index
      %get3A_541 = tpu.vector_load %arg5[%get3A] {strides = array<i32>} : memref<512xi32, #tpu.memory_space<vmem>>, vector<16xi32>,
      %ge3A = arith.constant 920 : i32
      %ge3A_542 = vector.broadcast %ge3A : i32 to vector<16xi32>
      %ge3A_543 = arith.cmpi sge, %get3A_541, %ge3A_542 : vector<16xi32>
      %lt3A = arith.constant 960 : i32
      %lt3A_544 = vector.broadcast %lt3A : i32 to vector<16xi32>
      %lt3A_545 = arith.cmpi slt, %get3A_541, %lt3A_544 : vector<16xi32>
      %and3A = arith.andi %ge3A_543, %lt3A_545 : vector<16xi1>
      %sub3A = arith.constant 920 : i32
      %sub3A_546 = vector.broadcast %sub3A : i32 to vector<16xi32>
      %sub3A_547 = arith.subi %get3A_541, %sub3A_546 : vector<16xi32>
      %add3A_548 = vector.broadcast %mul3A_540 : i32 to vector<16xi32>
      %add3A_549 = arith.addi %iota3A_497, %add3A_548 : vector<16xi32>
      tpu.vector_store_idx %arg7[%sub3A_547, %add3A_549], %broadcast_in_dim3A_3 masked %and3A : memref<40x512xf32, #tpu.memory_space<vmem>>[vector<16xi32>, vector<16xi32>], vector<16xf32>, vector<16xi1>
    }
    %scan3A_503 = arith.constant 32 : i32
    %dma_start3A_504 = arith.constant 920 : i32
    %dma_start3A_505 = tpu.memref_slice %arg4[%dma_start3A_504, %mul3A_2] : memref<1000x16384xf32, #tpu.memory_space<hbm>> -> memref<40x512xf32, #tpu.memory_space<hbm>>
    %dma_start3A_506 = arith.constant 920 : i32
    %dma_start3A_507 = tpu.memref_slice %arg4[%dma_start3A_506, %mul3A_2] : memref<1000x16384xf32, #tpu.memory_space<hbm>> -> memref<40x512xf32, #tpu.memory_space<hbm>>
    tpu.enqueue_dma source(%arg7 : memref<40x512xf32, #tpu.memory_space<vmem>>) target(%dma_start3A_507 : memref<40x512xf32, #tpu.memory_space<hbm>>) target_semaphore(%arg9 : memref<!tpu.dma_semaphore, #tpu.memory_space<semaphore_mem>>)
    %dma_wait3A_508 = arith.constant 880 : i32
    %dma_wait3A_509 = tpu.memref_slice %arg4[%dma_wait3A_508, %mul3A_2] : memref<1000x16384xf32, #tpu.memory_space<hbm>> -> memref<40x512xf32, #tpu.memory_space<hbm>>
    %dma_wait3A_510 = arith.constant 880 : i32
    %dma_wait3A_511 = tpu.memref_slice %arg4[%dma_wait3A_510, %mul3A_2] : memref<1000x16384xf32, #tpu.memory_space<hbm>> -> memref<40x512xf32, #tpu.memory_space<hbm>>
    tpu.wait_dma2 semaphore(%arg8 : memref<!tpu.dma_semaphore, #tpu.memory_space<semaphore_mem>>) src(%arg6 : memref<40x512xf32, #tpu.memory_space<vmem>>) dst(%dma_wait3A_511 : memref<40x512xf32, #tpu.memory_space<hbm>>)
    %iota3A_512 = tpu.iota {dimensions = array<i32: 0>} : vector<16xi32>
    %scan3A_513 = arith.constant 0 : i32
    %scan3A_514 = arith.constant 0 : i32
    %scan3A_515 = arith.constant 32 : i32
    %scan3A_516 = arith.addi %scan3A_514, %scan3A_515 : i32
    %scan3A_517 = arith.constant 1 : i32
    scf.for %scan3A_538 = %scan3A_514 to %scan3A_516 step %scan3A_517  : i32 {
      %mul3A_539 = arith.constant 16 : i32
      %mul3A_540 = arith.muli %scan3A_538, %mul3A_539 : i32
      %get3A = arith.index_cast %mul3A_540 : i32 to index
      %get3A_541 = tpu.vector_load %arg5[%get3A] {strides = array<i32>} : memref<512xi32, #tpu.memory_space<vmem>>, vector<16xi32>,
      %ge3A = arith.constant 880 : i32
      %ge3A_542 = vector.broadcast %ge3A : i32 to vector<16xi32>
      %ge3A_543 = arith.cmpi sge, %get3A_541, %ge3A_542 : vector<16xi32>
      %lt3A = arith.constant 920 : i32
      %lt3A_544 = vector.broadcast %lt3A : i32 to vector<16xi32>
      %lt3A_545 = arith.cmpi slt, %get3A_541, %lt3A_544 : vector<16xi32>
      %and3A = arith.andi %ge3A_543, %lt3A_545 : vector<16xi1>
      %sub3A = arith.constant 880 : i32
      %sub3A_546 = vector.broadcast %sub3A : i32 to vector<16xi32>
      %sub3A_547 = arith.subi %get3A_541, %sub3A_546 : vector<16xi32>
      %add3A_548 = vector.broadcast %mul3A_540 : i32 to vector<16xi32>
      %add3A_549 = arith.addi %iota3A_512, %add3A_548 : vector<16xi32>
      tpu.vector_store_idx %arg6[%sub3A_547, %add3A_549], %broadcast_in_dim3A_5 masked %and3A : memref<40x512xf32, #tpu.memory_space<vmem>>[vector<16xi32>, vector<16xi32>], vector<16xf32>, vector<16xi1>
    }
    %scan3A_518 = arith.constant 32 : i32
    %iota3A_519 = tpu.iota {dimensions = array<i32: 0>} : vector<16xi32>
    %scan3A_520 = arith.constant 0 : i32
    %scan3A_521 = arith.constant 0 : i32
    %scan3A_522 = arith.constant 32 : i32
    %scan3A_523 = arith.addi %scan3A_521, %scan3A_522 : i32
    %scan3A_524 = arith.constant 1 : i32
    scf.for %scan3A_538 = %scan3A_521 to %scan3A_523 step %scan3A_524  : i32 {
      %mul3A_539 = arith.constant 16 : i32
      %mul3A_540 = arith.muli %scan3A_538, %mul3A_539 : i32
      %get3A = arith.index_cast %mul3A_540 : i32 to index
      %get3A_541 = tpu.vector_load %arg5[%get3A] {strides = array<i32>} : memref<512xi32, #tpu.memory_space<vmem>>, vector<16xi32>,
      %ge3A = arith.constant 960 : i32
      %ge3A_542 = vector.broadcast %ge3A : i32 to vector<16xi32>
      %ge3A_543 = arith.cmpi sge, %get3A_541, %ge3A_542 : vector<16xi32>
      %lt3A = arith.constant 1000 : i32
      %lt3A_544 = vector.broadcast %lt3A : i32 to vector<16xi32>
      %lt3A_545 = arith.cmpi slt, %get3A_541, %lt3A_544 : vector<16xi32>
      %and3A = arith.andi %ge3A_543, %lt3A_545 : vector<16xi1>
      %sub3A = arith.constant 960 : i32
      %sub3A_546 = vector.broadcast %sub3A : i32 to vector<16xi32>
      %sub3A_547 = arith.subi %get3A_541, %sub3A_546 : vector<16xi32>
      %add3A_548 = vector.broadcast %mul3A_540 : i32 to vector<16xi32>
      %add3A_549 = arith.addi %iota3A_519, %add3A_548 : vector<16xi32>
      tpu.vector_store_idx %arg6[%sub3A_547, %add3A_549], %broadcast_in_dim3A_3 masked %and3A : memref<40x512xf32, #tpu.memory_space<vmem>>[vector<16xi32>, vector<16xi32>], vector<16xf32>, vector<16xi1>
    }
    %scan3A_525 = arith.constant 32 : i32
    %dma_start3A_526 = arith.constant 960 : i32
    %dma_start3A_527 = tpu.memref_slice %arg4[%dma_start3A_526, %mul3A_2] : memref<1000x16384xf32, #tpu.memory_space<hbm>> -> memref<40x512xf32, #tpu.memory_space<hbm>>
    %dma_start3A_528 = arith.constant 960 : i32
    %dma_start3A_529 = tpu.memref_slice %arg4[%dma_start3A_528, %mul3A_2] : memref<1000x16384xf32, #tpu.memory_space<hbm>> -> memref<40x512xf32, #tpu.memory_space<hbm>>
    tpu.enqueue_dma source(%arg6 : memref<40x512xf32, #tpu.memory_space<vmem>>) target(%dma_start3A_529 : memref<40x512xf32, #tpu.memory_space<hbm>>) target_semaphore(%arg8 : memref<!tpu.dma_semaphore, #tpu.memory_space<semaphore_mem>>)
    %dma_wait3A_530 = arith.constant 960 : i32
    %dma_wait3A_531 = tpu.memref_slice %arg4[%dma_wait3A_530, %mul3A_2] : memref<1000x16384xf32, #tpu.memory_space<hbm>> -> memref<40x512xf32, #tpu.memory_space<hbm>>
    %dma_wait3A_532 = arith.constant 960 : i32
    %dma_wait3A_533 = tpu.memref_slice %arg4[%dma_wait3A_532, %mul3A_2] : memref<1000x16384xf32, #tpu.memory_space<hbm>> -> memref<40x512xf32, #tpu.memory_space<hbm>>
    tpu.wait_dma2 semaphore(%arg8 : memref<!tpu.dma_semaphore, #tpu.memory_space<semaphore_mem>>) src(%arg6 : memref<40x512xf32, #tpu.memory_space<vmem>>) dst(%dma_wait3A_533 : memref<40x512xf32, #tpu.memory_space<hbm>>)
    %dma_wait3A_534 = arith.constant 920 : i32
    %dma_wait3A_535 = tpu.memref_slice %arg4[%dma_wait3A_534, %mul3A_2] : memref<1000x16384xf32, #tpu.memory_space<hbm>> -> memref<40x512xf32, #tpu.memory_space<hbm>>
    %dma_wait3A_536 = arith.constant 920 : i32
    %dma_wait3A_537 = tpu.memref_slice %arg4[%dma_wait3A_536, %mul3A_2] : memref<1000x16384xf32, #tpu.memory_space<hbm>> -> memref<40x512xf32, #tpu.memory_space<hbm>>
    tpu.wait_dma2 semaphore(%arg9 : memref<!tpu.dma_semaphore, #tpu.memory_space<semaphore_mem>>) src(%arg7 : memref<40x512xf32, #tpu.memory_space<vmem>>) dst(%dma_wait3A_537 : memref<40x512xf32, #tpu.memory_space<hbm>>)
    return
  }
}

</mosaic_0001>

<sc_bundles>
// kernel: kernel.3.cloned.1.call-start
scs
__scs_entry_jumppad:
0x0: {  	(pc) =	sbr.rel $0x88, $3  }
0x1: {  	(tag) =	ssettag $0x0;
	lr =	simm.s32 $0x1  }
0x2: {  	[smem:$0x3FA0] =	sst lr;
	_ =	strace $0xD0000000  }
0x3: {  	_ = 	snop  }
0x4: {  	_ = 	snop  }
0x5: {  	_ = 	snop  }
0x6: {  	_ = 	snop  }
0x7: {  	_ = 	snop  }
__scs_overlays_trampoline_lowered:
0x8: {  	[smem:$0x3FAF] =	sst s0  }
0x9: {  	[smem:$0x3FB0] =	sst s1  }
0xa: {  	[smem:$0x3FB1] =	sst s2  }
0xb: {  	[smem:$0x3FB2] =	sst s3  }
0xc: {  	[smem:$0x3FB3] =	sst s4  }
0xd: {  	[smem:$0x3FB4] =	sst s5  }
0xe: {  	[smem:$0x3FB5] =	sst s6  }
0xf: {  	[smem:$0x3FB6] =	sst s7  }
0x10: {  	[smem:$0x3FB7] =	sst s8  }
0x11: {  	[smem:$0x3FB8] =	sst s9;
	s0 =	simm.s32 @!p0 $0x0  }
0x12: {  	s1 =	sld [smem:$0x3F9E];
	s0 =	simm.s32 @p0 $0x1  }
0x13: {  	[smem:$0x3FB9] =	sst s0;
	s0 =	simm.s32 @!p1 $0x0  }
0x14: {  	s2 =	sld [smem:$0x3F9D];
	s0 =	simm.s32 @p1 $0x1  }
0x15: {  	[smem:$0x3FBA] =	sst s0;
	s0 =	simm.s32 @!p2 $0x0  }
0x16: {  	s3 =	sld [smem:$0x3FDB];
	s0 =	simm.s32 @p2 $0x1  }
0x17: {  	s4 =	simm.s32 $0x1BF5;
	[smem:$0x3FBC] =	sst s0  }
0x18: {  	s0 =	sld [smem:$0x3F9F];
	_ =	swait.ge [sflag:s4], $0x0  }
0x19: {  	s7 =	sld [smem:$0x3FA0]  }
0x1a: {  	s8 =	sadd.s32 $0xFFFFE003, lr  }
0x1b: {  	s9 =	sadd.s32 $0xFFFFFEF7, lr;
	s5 =	simm.s32 $0xFFFFFFFF;
	p2 =	slt.u32 s8, $0xFFFFF086  }
0x1c: {  	p1 =	slt.u32 s9, $0xF7A;
	s5 =	simm.s32 @!p2 $0x0  }
0x1d: {  	s5 =	simm.s32 @p1 $0x1;
	p0 =	seq.s32 s7, s2  }
0x1e: {  	s7 =	smul.u32 @!p0 $0xF7A, s2;
	p2 =	seq.s32 @!p0 s5, $0x0  }
0x1f: {  	s9 =	smul.u32 $0xF7A, s1;
	s8 =	simm.s32 @!p0 $0x1BF5;
	p2 =	por !p2, p0  }
0x20: {  	[sflag:s8] =	ssyncset.s32 @!p0 $0xFFFFF086;
	s6 =	sadd.s32 @!p0 s3, s7;
	s7 =	simm.s32 @!p0 $0x108  }
0x21: {  	s3 =	sadd.s32 s3, s9;
	s6 =	sadd.s32 @!p0 $0x88, s6;
	s7 =	simm.s32 @p2 $0x1082  }
0x22: {  	[simem:s7], [sflag:s8] =	dma.local @!p0 [hbm:s6], $0xF7A  }
0x23: {  	s9 =	sor.u32 $0xD0000000, s2;
	s6 =	simm.s32 $0x108;
	_ =	swait.ge @!p0 [sflag:s8], $0x0  }
0x24: {  	s3 =	sadd.s32 $0x88, s3;
	s6 =	simm.s32 @!p1 $0x1082;
	[sflag:s4] =	ssyncset.s32 $0xFFFFF086  }
0x25: {  	[simem:s6], [sflag:s4] =	dma.local [hbm:s3], $0xF7A  }
0x26: {  	[smem:$0x3FA0] =	sst s1;
	(tag) =	ssettag s2;
	_ =	strace s9  }
0x27: {  	s1 =	sld [smem:$0x3FB0]  }
0x28: {  	s2 =	sld [smem:$0x3FB1]  }
0x29: {  	s4 =	sld [smem:$0x3FB3]  }
0x2a: {  	p0 =	seq.s32 s5, $0x0;
	s5 =	sld [smem:$0x3FB4]  }
0x2b: {  	s6 =	sld [smem:$0x3FB5]  }
0x2c: {  	s7 =	sld [smem:$0x3FB6]  }
0x2d: {  	s3 =	simm.s32 $0x108;
	s8 =	sld [smem:$0x3FB7]  }
0x2e: {  	s3 =	simm.s32 @!p0 $0x1082;
	s9 =	sld [smem:$0x3FB8]  }
0x2f: {  	lr =	sadd.s32 s0, s3;
	s0 =	sld [smem:$0x3FAF]  }
0x30: {  	s3 =	sld [smem:$0x3FB2]  }
0x31: {  	[smem:$0x3FBB] =	sst s10  }
0x32: {  	s10 =	sld [smem:$0x3FB9];
	_ =	sdelay $0x3  }
0x33: {  	p0 =	seq.s32 s10, $0x1;
	s10 =	sld [smem:$0x3FBB];
	_ =	sdelay $0x3  }
0x34: {  	[smem:$0x3FBB] =	sst s10  }
0x35: {  	s10 =	sld [smem:$0x3FBA];
	_ =	sdelay $0x3  }
0x36: {  	p1 =	seq.s32 s10, $0x1;
	s10 =	sld [smem:$0x3FBB];
	_ =	sdelay $0x3  }
0x37: {  	[smem:$0x3FBB] =	sst s10  }
0x38: {  	s10 =	sld [smem:$0x3FBC]  }
0x39: {  	_ = 	snop;
	(pc) =	sbr.ind lr, $3  }
0x3a: {  	_ = 	snop  }
0x3b: {  	_ = 	snop  }
0x3c: {  	p2 =	seq.s32 s10, $0x1;
	s10 =	sld [smem:$0x3FBB]  }
0x3d: {  	_ =	shalt  }
0x3e: {  	_ =	shalt  }
0x3f: {  	_ =	shalt  }
0x40: {  	_ =	shalt  }
0x41: {  	_ =	shalt  }
0x42: {  	_ =	shalt  }
0x43: {  	_ =	shalt  }
0x44: {  	_ =	shalt  }
0x45: {  	_ =	shalt  }
0x46: {  	_ =	shalt  }
0x47: {  	_ =	shalt  }
0x48: {  	_ =	shalt  }
0x49: {  	_ =	shalt  }
0x4a: {  	_ =	shalt  }
0x4b: {  	_ =	shalt  }
0x4c: {  	_ =	shalt  }
0x4d: {  	_ =	shalt  }
0x4e: {  	_ =	shalt  }
0x4f: {  	_ =	shalt  }
0x50: {  	_ =	shalt  }
0x51: {  	_ =	shalt  }
0x52: {  	_ =	shalt  }
0x53: {  	_ =	shalt  }
0x54: {  	_ =	shalt  }
0x55: {  	_ =	shalt  }
0x56: {  	_ =	shalt  }
0x57: {  	_ =	shalt  }
0x58: {  	_ =	shalt  }
0x59: {  	_ =	shalt  }
0x5a: {  	_ =	shalt  }
0x5b: {  	_ =	shalt  }
0x5c: {  	_ =	shalt  }
0x5d: {  	_ =	shalt  }
0x5e: {  	_ =	shalt  }
0x5f: {  	_ =	shalt  }
0x60: {  	_ =	shalt  }
0x61: {  	_ =	shalt  }
0x62: {  	_ =	shalt  }
0x63: {  	_ =	shalt  }
0x64: {  	_ =	shalt  }
0x65: {  	_ =	shalt  }
0x66: {  	_ =	shalt  }
0x67: {  	_ =	shalt  }
0x68: {  	_ =	shalt  }
0x69: {  	_ =	shalt  }
0x6a: {  	_ =	shalt  }
0x6b: {  	_ =	shalt  }
0x6c: {  	_ =	shalt  }
0x6d: {  	_ =	shalt  }
0x6e: {  	_ =	shalt  }
0x6f: {  	_ =	shalt  }
0x70: {  	_ =	shalt  }
0x71: {  	_ =	shalt  }
0x72: {  	_ =	shalt  }
0x73: {  	_ =	shalt  }
0x74: {  	_ =	shalt  }
0x75: {  	_ =	shalt  }
0x76: {  	_ =	shalt  }
0x77: {  	_ =	shalt  }
0x78: {  	_ =	shalt  }
0x79: {  	_ =	shalt  }
0x7a: {  	_ =	shalt  }
0x7b: {  	_ =	shalt  }
0x7c: {  	_ =	shalt  }
0x7d: {  	_ =	shalt  }
0x7e: {  	_ =	shalt  }
0x7f: {  	_ =	shalt  }
0x80: {  	_ =	shalt  }
0x81: {  	_ =	shalt  }
0x82: {  	_ =	shalt  }
0x83: {  	_ =	shalt  }
0x84: {  	_ =	shalt  }
0x85: {  	_ =	shalt  }
0x86: {  	_ =	shalt  }
0x87: {  	_ =	shalt  }
.Lfunc_end0:
.L_simem_size_0:
called_computation_lowered:
.L_overlay_start_0:
0x88: {  	s2 =	sld [smem:$0x3FD9]  }
0x89: {  	s3 =	sld [smem:$0x3FFE];
	_ =	sdelay $0x1  }
0x8a: {  	s1 =	srdreg.scid  }
0x8b: {  	s0 =	sand.u32 $0x1, s1  }
0x8c: {  	s17 =	sshll.u32 s0, $0xA;
	s2 =	sadd.s32 s3, s2  }
0x8d: {  	s2 =	sadd.s32 s2, s17  }
0x8e: {  	[smem:$0x3FC7] =	sst s2  }
0x8f: {  	_ = 	snop  }
0x90: {  	s2 =	sld [smem:$0x3FC9]  }
0x91: {  	s18 =	sld [smem:$0x3FD0];
	(tm) =	ssettm $0x1  }
0x92: {  	s4 =	sld [smem:$0x3FFB];
	_ =	sdelay $0x3  }
0x93: {  	_ =	strace s4  }
0x94: {  	s4 =	sld [smem:$0x3FFC];
	_ =	sdelay $0x3  }
0x95: {  	_ =	strace s4  }
0x96: {  	s4 =	sld [smem:$0x3FFD];
	_ =	sdelay $0x3  }
0x97: {  	_ =	strace s4  }
0x98: {  	_ =	strace $0x8FFFFFFF  }
0x99: {  	s19 =	sld [smem:$0x3FDB];
	_ =	sdelay $0x1  }
0x9a: {  	s5 =	simm.s32 $_scs_section_size  }
0x9b: {  	s6 =	simm.s32 $_size__tile_overlayer_lowered;
	s7 =	simm.s32 $_tile_overlayer_lowered  }
0x9c: {  	s22 =	simm.s32 $0x1BFF;
	s21 =	sshll.u32 s7, $0x1;
	s4 =	sadd.s32 s5, s19  }
0x9d: {  	s8 =	simm.s32 $0x0;
	s20 =	sshll.u32 s6, $0x1;
	s6 =	sadd.s32 s21, s4  }
0x9e: {  	[timem:s8], [sflag:s22] =	dma.local [hbm:s6], s20  }
0x9f: {  	_ =	swait.ge [sflag:s22], s20  }
0xa0: {  	s5 =	ssub.s32 $0x0, s20;
	[sflag:s22] =	ssyncset.done $0x0  }
0xa1: {  	[sflag:s22] =	ssyncadd.s32 s5;
	_ =	sdelay $0x1  }
0xa2: {  	s23 =	simm.s32 $0x1B8B  }
0xa3: {  	_ =	swait.ge [sflag:s23], $0x1  }
0xa4: {  	[sflag:s23] =	ssyncset.done $0x0  }
0xa5: {  	s25 =	simm.s32 $0x1B8E;
	s24 =	sld [smem:$0x3FFE];
	[sflag:s23] =	ssyncadd.s32 $0xFFFFFFFF  }
0xa6: {  	s26 =	simm.s32 $execute0_lowered;
	[smem:$0x3FD2] =	sst s25  }
0xa7: {  	s6 =	sshll.u32 s26, $0x1;
	_ =	strace $0x80000046;
	[dreg:$0x1] =	wrdreg $0xFFFFFFFF  }
0xa8: {  	s28 =	simm.s32 $_size_execute0_lowered;
	s4 =	sadd.s32 s4, s6;
	[dreg:$0x0] =	wrdreg $0x0  }
0xa9: {  	s6 =	sshll.u32 s28, $0x1;
	[dreg:$0x2] =	wrdreg s4  }
0xaa: {  	[dreg:$0x3] =	wrdreg s6  }
0xab: {  	[dreg:$0x4] =	wrdreg $0xC0  }
0xac: {  	_ =	task [dreg:s8], $0x5FFFF  }
0xad: {  	[dreg:$0x1] =	wrdreg $0xFFFFFFFF  }
0xae: {  	[dreg:$0x0] =	wrdreg $0x60  }
0xaf: {  	[dreg:$0x2] =	wrdreg s2  }
0xb0: {  	[dreg:$0x3] =	wrdreg s24  }
0xb1: {  	[dreg:$0x4] =	wrdreg s18  }
0xb2: {  	[dreg:$0x5] =	wrdreg $0x9  }
0xb3: {  	_ =	task.clear_ibuf [dreg:s8], $0x6FFFF;
	_ =	strace $0x90000046  }
0xb4: {  	s29 =	simm.s32 $0x9;
	_ =	strace $0x80000048  }
0xb5: {  	_ =	swait.ge [sflag:s29], $0x1  }
0xb6: {  	[sflag:s29] =	ssyncadd.s32 $0xFFFFFFFF  }
0xb7: {  	_ =	strace $0x90000048  }
0xb8: {  	_ =	sfence  }
0xb9: {  	s30 =	sld [smem:$0x0];
	_ =	sdelay $0x2  }
0xba: {  	s31 =	sshll.u32 s1, $0xD;
	s1 =	sshrl.u32 s1, $0x2  }
0xbb: {  	s3 =	sand.u32 $0x4000, s31;
	s1 =	sadd.s32 s1, s30  }
0xbc: {  	s0 =	sor.u32 s3, s0;
	s1 =	sshll.u32 s1, $0x11  }
0xbd: {  	s0 =	sor.u32 s1, s0  }
0xbe: {  	s0 =	sadd.s32 $0x8F2B, s0  }
0xbf: {  	[sflag:s0] =	ssyncadd.remote.s32 $0x1  }
0xc0: {  	_ =	sfence.sel $0xFFFF  }
0xc1: {  	[dreg:$0x0] =	wrdreg $0xFFFFFFFF;
	(pc) =	sbr.abs _section_cstart, $3  }
0xc2: {  	[dreg:$0x1] =	wrdreg $0xFFFFFFFF  }
0xc3: {  	_ =	task.clear_ibuf [dreg:s8], $0x2FFFF;
	_ =	strace $0x9FFFFFFF  }
0xc4: {  	(tm) =	ssettm $0x7FFFFFFF  }
0xc5: {  	_ =	shalt  }
tec
execute0_lowered:
.L_overlay_start_1:
0x0: {  	(tag) =	ssettag $0x1  }
0x1: {  	s0 =	rddreg [dreg:$0x0]  }
0x2: {  	s1 =	rddreg [dreg:$0x1]  }
0x3: {  	s4 =	rddreg [dreg:$0x2];
	s3 =	srdreg.scid;
	s2 =	simm.s32 $0x0  }
0x4: {  	s5 =	stileid.u32;
	s8 =	simm.s32 $0x1000;
	s9 =	simm.s32 $0x20000  }
0x5: {  	s10 =	simm.s32 $0x0;
	s3 =	sand.u32 $0x1, s3;
	[smem:$0x7FF] =	sst s2  }
0x6: {  	s5 =	sshll.u32 s5, $0xA;
	s6 =	sshll.u32 s3, $0x9;
	s7 =	ssub.s32 $0x2, s3  }
0x7: {  	_ =	strace $0x80000047;
	s5 =	sor.u32 s6, s5;
	s17 =	sshrl.u32 s7, $0x1  }
0x8: {  	s3 =	sadd.s32 $0x400, s1;
	s6 =	sshrl.u32 s5, $0x3;
	s1 =	ssub.s32 s7, s17  }
0x9: {  	s5 =	sadd.s32 s4, s5;
	s4 =	simm.s32 $0x5200;
	s0 =	sadd.s32 s0, s6  }
0xa: {  	s7 =	simm.s32 $0x2;
	s18 =	sadd.s32 $0x14000, s5;
	[dreg:$0x4] =	wrdreg s0  }
0xb: {  	s19 =	sadd.s32 $0x28000, s5;
	s20 =	sadd.s32 $0x3C000, s5;
	[dreg:$0x5] =	wrdreg s18  }
0xc: {  	s21 =	sadd.s32 $0x50000, s5;
	s22 =	sadd.s32 $0x64000, s5;
	[dreg:$0x6] =	wrdreg s19  }
0xd: {  	s23 =	sadd.s32 $0x78000, s5;
	s24 =	sadd.s32 $0x8C000, s5;
	[dreg:$0x7] =	wrdreg s20  }
0xe: {  	s25 =	sadd.s32 $0xA0000, s5;
	s26 =	sadd.s32 $0xB4000, s5;
	[dreg:$0x8] =	wrdreg s21  }
0xf: {  	s15 =	sadd.s32 $0xC8000, s5;
	s16 =	sadd.s32 $0xDC000, s5;
	[dreg:$0x9] =	wrdreg s22  }
0x10: {  	s17 =	sadd.s32 $0xF0000, s5;
	s28 =	sadd.s32 $0x1A4000, s5;
	[dreg:$0xa] =	wrdreg s23  }
0x11: {  	s29 =	sadd.s32 $0x1B8000, s5;
	s30 =	sadd.s32 $0x1CC000, s5;
	[dreg:$0xb] =	wrdreg s24  }
0x12: {  	s31 =	sadd.s32 $0x1E0000, s5;
	s6 =	simm.s32 $0x1;
	[dreg:$0xc] =	wrdreg s25  }
0x13: {  	[dreg:$0xd] =	wrdreg s26;
	s18 =	sadd.s32 $0x104000, s5;
	s19 =	sadd.s32 $0x118000, s5  }
0x14: {  	s20 =	sadd.s32 $0x12C000, s5;
	s21 =	sadd.s32 $0x140000, s5;
	s22 =	sadd.s32 $0x154000, s5  }
0x15: {  	s23 =	sadd.s32 $0x168000, s5;
	s24 =	sadd.s32 $0x17C000, s5;
	s25 =	smax.u32 s1, $0x1  }
0x16: {  	v0 =	vlaneseq.u32;
	v1 =	vimm.f32 $1.000000000e+00;
	v2 =	vimm.f32 $0.0e+00;
	s26 =	sadd.s32 $0x190000, s5;
	s0 =	simm.s32 $0x3;
	s1 =	simm.s32 $0x200  }
.LBB2_1:
0x17: {  	s11 =	rddreg [dreg:$0x4]  }
0x18: {  	[tilespmem:s2], [sflag:$0x3] =	stream.linear.gather [hbm4b:s11+s2], $0x200, $0x38;
	[tilespmem:$0xA200] =	vst v63  }
0x19: {  	_ =	swait.ge [sflag:s0], $0x200  }
0x1a: {  	[sflag:s0] =	ssyncset.done $0x0  }
0x1b: {  	[sflag:s0] =	ssyncadd.s32 $0xFFFFFE00  }
0x1c: {  	[tilespmem:s1], [sflag:$0x1] =	stream.linear.gather [hbm4b:s3+s2], $0x5000, $0x38;
	[tilespmem:$0xA200] =	vst v63  }
0x1d: {  	_ = 	snop  }
0x1e: {  	[tilespmem:s4], [sflag:$0x2] =	stream.linear.gather [hbm4b:s3+s2], $0x5000, $0x38;
	[tilespmem:$0xA200] =	vst v63  }
0x1f: {  	_ =	swait.ge [sflag:s6], $0x5000  }
0x20: {  	[sflag:s6] =	ssyncset.done $0x0  }
0x21: {  	[sflag:s6] =	ssyncadd.s32 $0xFFFFB000  }
0x22: {  	_ =	swait.ge [sflag:s7], $0x5000  }
0x23: {  	[sflag:s7] =	ssyncset.done $0x0  }
0x24: {  	[sflag:s7] =	ssyncadd.s32 $0xFFFFB000  }
0x25: {  	s12 =	simm.s32 $0x0;
	s13 =	simm.s32 $0x0;
	s11 =	simm.s32 $0x10;
	v3 =	vld [tilespmem:s2+$0x0]  }
.LBB2_2:
0x26: {  	p0 =	sne.s32 s11, $0x1F0;
	_ =	sdelay $0x1  }
0x27: {  	v4 =	vmov s12  }
0x28: {  	v5 =	vor.u32 s12, v0;
	s12 =	smov.u32 s11;
	v4 =	vshll.u32 v4, $0x3  }
0x29: {  	v5 =	vand.u32 $0x7F, v5;
	v4 =	vand.u32 $0xC00, v4;
	v6 =	vshll.u32 v3, $0x9  }
0x2a: {  	v4 =	vor.u32 v4, v5;
	v7 =	vshll.u32 v3, $0x7;
	v6 =	vand.u32 $0xFFFFF000, v6  }
0x2b: {  	vm0 =	vlt.u32 v3, $0x28;
	v3 =	vand.u32 $0x380, v7;
	v4 =	vor.u32 v6, v4  }
0x2c: {  	v3 =	vor.u32 v3, v4;
	_ =	sdelay $0x1  }
.Ltmp0:
0x2d: {  	(pc) =	sbr.rel @p0 .LBB2_2-.Ltmp0, $3  }
0x2e: {  	_ =	sdelay $0x1  }
0x2f: {  	s13 =	sadd.s32 $0x10, s13;
	[tilespmem:v3+s1+$0x0] =	vst.idx.msk vm0, v1  }
0x30: {  	s11 =	sadd.s32 $0x10, s11;
	v3 =	vld [tilespmem:s13+$0x0]  }
0x31: {  	_ =	sdelay $0x1  }
0x32: {  	v4 =	vmov s12  }
0x33: {  	v5 =	vor.u32 s12, v0;
	v4 =	vshll.u32 v4, $0x3  }
0x34: {  	v5 =	vand.u32 $0x7F, v5;
	v4 =	vand.u32 $0xC00, v4;
	v6 =	vshll.u32 v3, $0x9  }
0x35: {  	v4 =	vor.u32 v4, v5;
	v7 =	vshll.u32 v3, $0x7;
	v6 =	vand.u32 $0xFFFFF000, v6  }
0x36: {  	vm0 =	vlt.u32 v3, $0x28;
	v3 =	vand.u32 $0x380, v7;
	v4 =	vor.u32 v6, v4  }
0x37: {  	v3 =	vor.u32 v3, v4;
	_ =	sdelay $0x4  }
0x38: {  	s11 =	simm.s32 $0x0;
	[tilespmem:v3+s1+$0x0] =	vst.idx.msk vm0, v1  }
0x39: {  	[hbm4b:s5+s8] =	stream.strided.scatter [tilespmem:s1], [sflag:$0x1], $0x5000, s9, s8, $0x38;
	[tilespmem:$0xA200] =	vst v63  }
0x3a: {  	s12 =	simm.s32 $0x10;
	s13 =	simm.s32 $0x0;
	v3 =	vld [tilespmem:s11+$0x0]  }
.LBB2_4:
0x3b: {  	p0 =	sne.s32 s12, $0x1F0;
	_ =	sdelay $0x2  }
0x3c: {  	v4 =	vmov s11  }
0x3d: {  	v4 =	vshll.u32 v4, $0x3;
	v5 =	vshll.u32 v3, $0x9  }
0x3e: {  	v4 =	vand.u32 $0xC00, v4;
	v6 =	vshll.u32 v3, $0x7;
	v5 =	vand.u32 $0xFFFFF000, v5  }
0x3f: {  	v7 =	vor.u32 s11, v0;
	s11 =	smov.u32 s12;
	v4 =	vor.u32 v4, v5;
	v5 =	vand.u32 $0x380, v6  }
0x40: {  	v3 =	vadd.s32 $0xFFFFFFD8, v3;
	v6 =	vand.u32 $0x7F, v7;
	v4 =	vor.u32 v5, v4  }
0x41: {  	vm0 =	vlt.u32 v3, $0x28;
	v3 =	vor.u32 v6, v4  }
0x42: {  	v3 =	vadd.s32 $0xFFFFB000, v3;
	_ =	sdelay $0x1  }
.Ltmp1:
0x43: {  	(pc) =	sbr.rel @p0 .LBB2_4-.Ltmp1, $3  }
0x44: {  	_ =	sdelay $0x1  }
0x45: {  	s13 =	sadd.s32 $0x10, s13;
	[tilespmem:v3+s4+$0x0] =	vst.idx.msk vm0, v1  }
0x46: {  	s12 =	sadd.s32 $0x10, s12;
	v3 =	vld [tilespmem:s13+$0x0]  }
0x47: {  	_ =	sdelay $0x2  }
0x48: {  	v4 =	vmov s11  }
0x49: {  	v4 =	vshll.u32 v4, $0x3;
	v5 =	vshll.u32 v3, $0x9  }
0x4a: {  	v4 =	vand.u32 $0xC00, v4;
	v6 =	vshll.u32 v3, $0x7;
	v5 =	vand.u32 $0xFFFFF000, v5  }
0x4b: {  	v7 =	vor.u32 s11, v0;
	v4 =	vor.u32 v4, v5;
	v5 =	vand.u32 $0x380, v6  }
0x4c: {  	v63 =	vand.u32 $0x7F, v7;
	v3 =	vadd.s32 $0xFFFFFFD8, v3;
	v4 =	vor.u32 v5, v4  }
0x4d: {  	vm0 =	vlt.u32 v3, $0x28;
	v3 =	vor.u32 v63, v4  }
0x4e: {  	v3 =	vadd.s32 $0xFFFFB000, v3;
	_ =	sdelay $0x4  }
0x4f: {  	s14 =	rddreg [dreg:$0x5];
	[tilespmem:v3+s4+$0x0] =	vst.idx.msk vm0, v1  }
0x50: {  	[hbm4b:s14+s8] =	stream.strided.scatter [tilespmem:s4], [sflag:$0x2], $0x5000, s9, s8, $0x38;
	[tilespmem:$0xA200] =	vst v63  }
0x51: {  	_ =	swait.ge [sflag:s6], $0x5000  }
0x52: {  	[sflag:s6] =	ssyncset.done $0x0  }
0x53: {  	s11 =	simm.s32 $0x0;
	[sflag:s6] =	ssyncadd.s32 $0xFFFFB000  }
0x54: {  	s12 =	simm.s32 $0x10;
	s13 =	simm.s32 $0x0;
	s14 =	simm.s32 $0x0;
	v3 =	vld [tilespmem:s11+$0x0]  }
.LBB2_6:
0x55: {  	p0 =	sne.s32 s12, $0x1F0;
	_ =	sdelay $0x1  }
0x56: {  	v4 =	vmov s13  }
0x57: {  	v5 =	vor.u32 s13, v0;
	s13 =	smov.u32 s12;
	v4 =	vshll.u32 v4, $0x3  }
0x58: {  	v5 =	vand.u32 $0x7F, v5;
	v4 =	vand.u32 $0xC00, v4;
	v6 =	vshll.u32 v3, $0x9  }
0x59: {  	v4 =	vor.u32 v4, v5;
	v7 =	vshll.u32 v3, $0x7;
	v6 =	vand.u32 $0xFFFFF000, v6  }
0x5a: {  	vm0 =	vlt.u32 v3, $0x28;
	v3 =	vand.u32 $0x380, v7;
	v4 =	vor.u32 v6, v4  }
0x5b: {  	v3 =	vor.u32 v3, v4;
	_ =	sdelay $0x1  }
.Ltmp2:
0x5c: {  	(pc) =	sbr.rel @p0 .LBB2_6-.Ltmp2, $3  }
0x5d: {  	_ =	sdelay $0x1  }
0x5e: {  	s14 =	sadd.s32 $0x10, s14;
	[tilespmem:v3+s1+$0x0] =	vst.idx.msk vm0, v2  }
0x5f: {  	s12 =	sadd.s32 $0x10, s12;
	v3 =	vld [tilespmem:s14+$0x0]  }
0x60: {  	_ =	sdelay $0x1  }
0x61: {  	v4 =	vmov s13  }
0x62: {  	v5 =	vor.u32 s13, v0;
	v4 =	vshll.u32 v4, $0x3  }
0x63: {  	v5 =	vand.u32 $0x7F, v5;
	v4 =	vand.u32 $0xC00, v4;
	v6 =	vshll.u32 v3, $0x9  }
0x64: {  	v4 =	vor.u32 v4, v5;
	v7 =	vshll.u32 v3, $0x7;
	v6 =	vand.u32 $0xFFFFF000, v6  }
0x65: {  	vm0 =	vlt.u32 v3, $0x28;
	v3 =	vand.u32 $0x380, v7;
	v4 =	vor.u32 v6, v4  }
0x66: {  	v3 =	vor.u32 v3, v4;
	_ =	sdelay $0x4  }
0x67: {  	[tilespmem:v3+s1+$0x0] =	vst.idx.msk vm0, v2  }
0x68: {  	s12 =	simm.s32 $0x10;
	s13 =	simm.s32 $0x0;
	v3 =	vld [tilespmem:s11+$0x0]  }
.LBB2_8:
0x69: {  	p0 =	sne.s32 s12, $0x1F0;
	_ =	sdelay $0x2  }
0x6a: {  	v4 =	vmov s11  }
0x6b: {  	v4 =	vshll.u32 v4, $0x3;
	v5 =	vshll.u32 v3, $0x9  }
0x6c: {  	v4 =	vand.u32 $0xC00, v4;
	v6 =	vshll.u32 v3, $0x7;
	v5 =	vand.u32 $0xFFFFF000, v5  }
0x6d: {  	v7 =	vor.u32 s11, v0;
	s11 =	smov.u32 s12;
	v4 =	vor.u32 v4, v5;
	v5 =	vand.u32 $0x380, v6  }
0x6e: {  	v3 =	vadd.s32 $0xFFFFFFB0, v3;
	v6 =	vand.u32 $0x7F, v7;
	v4 =	vor.u32 v5, v4  }
0x6f: {  	vm0 =	vlt.u32 v3, $0x28;
	v3 =	vor.u32 v6, v4  }
0x70: {  	v3 =	vadd.s32 $0xFFFF6000, v3;
	_ =	sdelay $0x1  }
.Ltmp3:
0x71: {  	(pc) =	sbr.rel @p0 .LBB2_8-.Ltmp3, $3  }
0x72: {  	_ =	sdelay $0x1  }
0x73: {  	s13 =	sadd.s32 $0x10, s13;
	[tilespmem:v3+s1+$0x0] =	vst.idx.msk vm0, v1  }
0x74: {  	s12 =	sadd.s32 $0x10, s12;
	v3 =	vld [tilespmem:s13+$0x0]  }
0x75: {  	_ =	sdelay $0x2  }
0x76: {  	v4 =	vmov s11  }
0x77: {  	v4 =	vshll.u32 v4, $0x3;
	v5 =	vshll.u32 v3, $0x9  }
0x78: {  	v4 =	vand.u32 $0xC00, v4;
	v6 =	vshll.u32 v3, $0x7;
	v5 =	vand.u32 $0xFFFFF000, v5  }
0x79: {  	v7 =	vor.u32 s11, v0;
	v4 =	vor.u32 v4, v5;
	v5 =	vand.u32 $0x380, v6  }
0x7a: {  	v63 =	vand.u32 $0x7F, v7;
	v3 =	vadd.s32 $0xFFFFFFB0, v3;
	v4 =	vor.u32 v5, v4  }
0x7b: {  	vm0 =	vlt.u32 v3, $0x28;
	v3 =	vor.u32 v63, v4  }
0x7c: {  	v3 =	vadd.s32 $0xFFFF6000, v3;
	_ =	sdelay $0x4  }
0x7d: {  	s14 =	rddreg [dreg:$0x6];
	[tilespmem:v3+s1+$0x0] =	vst.idx.msk vm0, v1  }
0x7e: {  	[hbm4b:s14+s8] =	stream.strided.scatter [tilespmem:s1], [sflag:$0x1], $0x5000, s9, s8, $0x38;
	[tilespmem:$0xA200] =	vst v63  }
0x7f: {  	_ =	swait.ge [sflag:s7], $0x5000  }
0x80: {  	[sflag:s7] =	ssyncset.done $0x0  }
0x81: {  	s11 =	simm.s32 $0x0;
	[sflag:s7] =	ssyncadd.s32 $0xFFFFB000  }
0x82: {  	s13 =	simm.s32 $0x10;
	s12 =	simm.s32 $0x0;
	s14 =	simm.s32 $0x0;
	v3 =	vld [tilespmem:s11+$0x0]  }
.LBB2_10:
0x83: {  	p0 =	sne.s32 s13, $0x1F0;
	_ =	sdelay $0x2  }
0x84: {  	v4 =	vmov s12  }
0x85: {  	v4 =	vshll.u32 v4, $0x3;
	v5 =	vshll.u32 v3, $0x9  }
0x86: {  	v4 =	vand.u32 $0xC00, v4;
	v6 =	vshll.u32 v3, $0x7;
	v5 =	vand.u32 $0xFFFFF000, v5  }
0x87: {  	v7 =	vor.u32 s12, v0;
	s12 =	smov.u32 s13;
	v4 =	vor.u32 v4, v5;
	v5 =	vand.u32 $0x380, v6  }
0x88: {  	v3 =	vadd.s32 $0xFFFFFFD8, v3;
	v6 =	vand.u32 $0x7F, v7;
	v4 =	vor.u32 v5, v4  }
0x89: {  	vm0 =	vlt.u32 v3, $0x28;
	v3 =	vor.u32 v6, v4  }
0x8a: {  	v3 =	vadd.s32 $0xFFFFB000, v3;
	_ =	sdelay $0x1  }
.Ltmp4:
0x8b: {  	(pc) =	sbr.rel @p0 .LBB2_10-.Ltmp4, $3  }
0x8c: {  	_ =	sdelay $0x1  }
0x8d: {  	s14 =	sadd.s32 $0x10, s14;
	[tilespmem:v3+s4+$0x0] =	vst.idx.msk vm0, v2  }
0x8e: {  	s13 =	sadd.s32 $0x10, s13;
	v3 =	vld [tilespmem:s14+$0x0]  }
0x8f: {  	_ =	sdelay $0x2  }
0x90: {  	v4 =	vmov s12  }
0x91: {  	v4 =	vshll.u32 v4, $0x3;
	v5 =	vshll.u32 v3, $0x9  }
0x92: {  	v4 =	vand.u32 $0xC00, v4;
	v6 =	vshll.u32 v3, $0x7;
	v5 =	vand.u32 $0xFFFFF000, v5  }
0x93: {  	v7 =	vor.u32 s12, v0;
	v4 =	vor.u32 v4, v5;
	v5 =	vand.u32 $0x380, v6  }
0x94: {  	v63 =	vand.u32 $0x7F, v7;
	v3 =	vadd.s32 $0xFFFFFFD8, v3;
	v4 =	vor.u32 v5, v4  }
0x95: {  	vm0 =	vlt.u32 v3, $0x28;
	v3 =	vor.u32 v63, v4  }
0x96: {  	v3 =	vadd.s32 $0xFFFFB000, v3;
	_ =	sdelay $0x4  }
0x97: {  	[tilespmem:v3+s4+$0x0] =	vst.idx.msk vm0, v2  }
0x98: {  	s12 =	simm.s32 $0x10;
	s13 =	simm.s32 $0x0;
	v3 =	vld [tilespmem:s11+$0x0]  }
.LBB2_12:
0x99: {  	p0 =	sne.s32 s12, $0x1F0;
	_ =	sdelay $0x2  }
0x9a: {  	v4 =	vmov s11  }
0x9b: {  	v4 =	vshll.u32 v4, $0x3;
	v5 =	vshll.u32 v3, $0x9  }
0x9c: {  	v4 =	vand.u32 $0xC00, v4;
	v6 =	vshll.u32 v3, $0x7;
	v5 =	vand.u32 $0xFFFFF000, v5  }
0x9d: {  	v7 =	vor.u32 s11, v0;
	s11 =	smov.u32 s12;
	v4 =	vor.u32 v4, v5;
	v5 =	vand.u32 $0x380, v6  }
0x9e: {  	v3 =	vadd.s32 $0xFFFFFF88, v3;
	v6 =	vand.u32 $0x7F, v7;
	v4 =	vor.u32 v5, v4  }
0x9f: {  	vm0 =	vlt.u32 v3, $0x28;
	v3 =	vor.u32 v6, v4  }
0xa0: {  	v3 =	vadd.s32 $0xFFFF1000, v3;
	_ =	sdelay $0x1  }
.Ltmp5:
0xa1: {  	(pc) =	sbr.rel @p0 .LBB2_12-.Ltmp5, $3  }
0xa2: {  	_ =	sdelay $0x1  }
0xa3: {  	s13 =	sadd.s32 $0x10, s13;
	[tilespmem:v3+s4+$0x0] =	vst.idx.msk vm0, v1  }
0xa4: {  	s12 =	sadd.s32 $0x10, s12;
	v3 =	vld [tilespmem:s13+$0x0]  }
0xa5: {  	_ =	sdelay $0x2  }
0xa6: {  	v4 =	vmov s11  }
0xa7: {  	v4 =	vshll.u32 v4, $0x3;
	v5 =	vshll.u32 v3, $0x9  }
0xa8: {  	v4 =	vand.u32 $0xC00, v4;
	v6 =	vshll.u32 v3, $0x7;
	v5 =	vand.u32 $0xFFFFF000, v5  }
0xa9: {  	v7 =	vor.u32 s11, v0;
	v4 =	vor.u32 v4, v5;
	v5 =	vand.u32 $0x380, v6  }
0xaa: {  	v63 =	vand.u32 $0x7F, v7;
	v3 =	vadd.s32 $0xFFFFFF88, v3;
	v4 =	vor.u32 v5, v4  }
0xab: {  	vm0 =	vlt.u32 v3, $0x28;
	v3 =	vor.u32 v63, v4  }
0xac: {  	v3 =	vadd.s32 $0xFFFF1000, v3;
	_ =	sdelay $0x4  }
0xad: {  	s14 =	rddreg [dreg:$0x7];
	[tilespmem:v3+s4+$0x0] =	vst.idx.msk vm0, v1  }
0xae: {  	[hbm4b:s14+s8] =	stream.strided.scatter [tilespmem:s4], [sflag:$0x2], $0x5000, s9, s8, $0x38;
	[tilespmem:$0xA200] =	vst v63  }
0xaf: {  	_ =	swait.ge [sflag:s6], $0x5000  }
0xb0: {  	[sflag:s6] =	ssyncset.done $0x0  }
0xb1: {  	s11 =	simm.s32 $0x0;
	[sflag:s6] =	ssyncadd.s32 $0xFFFFB000  }
0xb2: {  	s13 =	simm.s32 $0x10;
	s12 =	simm.s32 $0x0;
	s14 =	simm.s32 $0x0;
	v3 =	vld [tilespmem:s11+$0x0]  }
.LBB2_14:
0xb3: {  	p0 =	sne.s32 s13, $0x1F0;
	_ =	sdelay $0x2  }
0xb4: {  	v4 =	vmov s12  }
0xb5: {  	v4 =	vshll.u32 v4, $0x3;
	v5 =	vshll.u32 v3, $0x9  }
0xb6: {  	v4 =	vand.u32 $0xC00, v4;
	v6 =	vshll.u32 v3, $0x7;
	v5 =	vand.u32 $0xFFFFF000, v5  }
0xb7: {  	v7 =	vor.u32 s12, v0;
	s12 =	smov.u32 s13;
	v4 =	vor.u32 v4, v5;
	v5 =	vand.u32 $0x380, v6  }
0xb8: {  	v3 =	vadd.s32 $0xFFFFFFB0, v3;
	v6 =	vand.u32 $0x7F, v7;
	v4 =	vor.u32 v5, v4  }
0xb9: {  	vm0 =	vlt.u32 v3, $0x28;
	v3 =	vor.u32 v6, v4  }
0xba: {  	v3 =	vadd.s32 $0xFFFF6000, v3;
	_ =	sdelay $0x1  }
.Ltmp6:
0xbb: {  	(pc) =	sbr.rel @p0 .LBB2_14-.Ltmp6, $3  }
0xbc: {  	_ =	sdelay $0x1  }
0xbd: {  	s14 =	sadd.s32 $0x10, s14;
	[tilespmem:v3+s1+$0x0] =	vst.idx.msk vm0, v2  }
0xbe: {  	s13 =	sadd.s32 $0x10, s13;
	v3 =	vld [tilespmem:s14+$0x0]  }
0xbf: {  	_ =	sdelay $0x2  }
0xc0: {  	v4 =	vmov s12  }
0xc1: {  	v4 =	vshll.u32 v4, $0x3;
	v5 =	vshll.u32 v3, $0x9  }
0xc2: {  	v4 =	vand.u32 $0xC00, v4;
	v6 =	vshll.u32 v3, $0x7;
	v5 =	vand.u32 $0xFFFFF000, v5  }
0xc3: {  	v7 =	vor.u32 s12, v0;
	v4 =	vor.u32 v4, v5;
	v5 =	vand.u32 $0x380, v6  }
0xc4: {  	v63 =	vand.u32 $0x7F, v7;
	v3 =	vadd.s32 $0xFFFFFFB0, v3;
	v4 =	vor.u32 v5, v4  }
0xc5: {  	vm0 =	vlt.u32 v3, $0x28;
	v3 =	vor.u32 v63, v4  }
0xc6: {  	v3 =	vadd.s32 $0xFFFF6000, v3;
	_ =	sdelay $0x4  }
0xc7: {  	[tilespmem:v3+s1+$0x0] =	vst.idx.msk vm0, v2  }
0xc8: {  	s12 =	simm.s32 $0x10;
	s13 =	simm.s32 $0x0;
	v3 =	vld [tilespmem:s11+$0x0]  }
.LBB2_16:
0xc9: {  	p0 =	sne.s32 s12, $0x1F0;
	_ =	sdelay $0x2  }
0xca: {  	v4 =	vmov s11  }
0xcb: {  	v4 =	vshll.u32 v4, $0x3;
	v5 =	vshll.u32 v3, $0x9  }
0xcc: {  	v4 =	vand.u32 $0xC00, v4;
	v6 =	vshll.u32 v3, $0x7;
	v5 =	vand.u32 $0xFFFFF000, v5  }
0xcd: {  	v7 =	vor.u32 s11, v0;
	s11 =	smov.u32 s12;
	v4 =	vor.u32 v4, v5;
	v5 =	vand.u32 $0x380, v6  }
0xce: {  	v3 =	vadd.s32 $0xFFFFFF60, v3;
	v6 =	vand.u32 $0x7F, v7;
	v4 =	vor.u32 v5, v4  }
0xcf: {  	vm0 =	vlt.u32 v3, $0x28;
	v3 =	vor.u32 v6, v4  }
0xd0: {  	v3 =	vadd.s32 $0xFFFEC000, v3;
	_ =	sdelay $0x1  }
.Ltmp7:
0xd1: {  	(pc) =	sbr.rel @p0 .LBB2_16-.Ltmp7, $3  }
0xd2: {  	_ =	sdelay $0x1  }
0xd3: {  	s13 =	sadd.s32 $0x10, s13;
	[tilespmem:v3+s1+$0x0] =	vst.idx.msk vm0, v1  }
0xd4: {  	s12 =	sadd.s32 $0x10, s12;
	v3 =	vld [tilespmem:s13+$0x0]  }
0xd5: {  	_ =	sdelay $0x2  }
0xd6: {  	v4 =	vmov s11  }
0xd7: {  	v4 =	vshll.u32 v4, $0x3;
	v5 =	vshll.u32 v3, $0x9  }
0xd8: {  	v4 =	vand.u32 $0xC00, v4;
	v6 =	vshll.u32 v3, $0x7;
	v5 =	vand.u32 $0xFFFFF000, v5  }
0xd9: {  	v7 =	vor.u32 s11, v0;
	v4 =	vor.u32 v4, v5;
	v5 =	vand.u32 $0x380, v6  }
0xda: {  	v63 =	vand.u32 $0x7F, v7;
	v3 =	vadd.s32 $0xFFFFFF60, v3;
	v4 =	vor.u32 v5, v4  }
0xdb: {  	vm0 =	vlt.u32 v3, $0x28;
	v3 =	vor.u32 v63, v4  }
0xdc: {  	v3 =	vadd.s32 $0xFFFEC000, v3;
	_ =	sdelay $0x4  }
0xdd: {  	s14 =	rddreg [dreg:$0x8];
	[tilespmem:v3+s1+$0x0] =	vst.idx.msk vm0, v1  }
0xde: {  	[hbm4b:s14+s8] =	stream.strided.scatter [tilespmem:s1], [sflag:$0x1], $0x5000, s9, s8, $0x38;
	[tilespmem:$0xA200] =	vst v63  }
0xdf: {  	_ =	swait.ge [sflag:s7], $0x5000  }
0xe0: {  	[sflag:s7] =	ssyncset.done $0x0  }
0xe1: {  	s11 =	simm.s32 $0x0;
	[sflag:s7] =	ssyncadd.s32 $0xFFFFB000  }
0xe2: {  	s13 =	simm.s32 $0x10;
	s12 =	simm.s32 $0x0;
	s14 =	simm.s32 $0x0;
	v3 =	vld [tilespmem:s11+$0x0]  }
.LBB2_18:
0xe3: {  	p0 =	sne.s32 s13, $0x1F0;
	_ =	sdelay $0x2  }
0xe4: {  	v4 =	vmov s12  }
0xe5: {  	v4 =	vshll.u32 v4, $0x3;
	v5 =	vshll.u32 v3, $0x9  }
0xe6: {  	v4 =	vand.u32 $0xC00, v4;
	v6 =	vshll.u32 v3, $0x7;
	v5 =	vand.u32 $0xFFFFF000, v5  }
0xe7: {  	v7 =	vor.u32 s12, v0;
	s12 =	smov.u32 s13;
	v4 =	vor.u32 v4, v5;
	v5 =	vand.u32 $0x380, v6  }
0xe8: {  	v3 =	vadd.s32 $0xFFFFFF88, v3;
	v6 =	vand.u32 $0x7F, v7;
	v4 =	vor.u32 v5, v4  }
0xe9: {  	vm0 =	vlt.u32 v3, $0x28;
	v3 =	vor.u32 v6, v4  }
0xea: {  	v3 =	vadd.s32 $0xFFFF1000, v3;
	_ =	sdelay $0x1  }
.Ltmp8:
0xeb: {  	(pc) =	sbr.rel @p0 .LBB2_18-.Ltmp8, $3  }
0xec: {  	_ =	sdelay $0x1  }
0xed: {  	s14 =	sadd.s32 $0x10, s14;
	[tilespmem:v3+s4+$0x0] =	vst.idx.msk vm0, v2  }
0xee: {  	s13 =	sadd.s32 $0x10, s13;
	v3 =	vld [tilespmem:s14+$0x0]  }
0xef: {  	_ =	sdelay $0x2  }
0xf0: {  	v4 =	vmov s12  }
0xf1: {  	v4 =	vshll.u32 v4, $0x3;
	v5 =	vshll.u32 v3, $0x9  }
0xf2: {  	v4 =	vand.u32 $0xC00, v4;
	v6 =	vshll.u32 v3, $0x7;
	v5 =	vand.u32 $0xFFFFF000, v5  }
0xf3: {  	v7 =	vor.u32 s12, v0;
	v4 =	vor.u32 v4, v5;
	v5 =	vand.u32 $0x380, v6  }
0xf4: {  	v63 =	vand.u32 $0x7F, v7;
	v3 =	vadd.s32 $0xFFFFFF88, v3;
	v4 =	vor.u32 v5, v4  }
0xf5: {  	vm0 =	vlt.u32 v3, $0x28;
	v3 =	vor.u32 v63, v4  }
0xf6: {  	v3 =	vadd.s32 $0xFFFF1000, v3;
	_ =	sdelay $0x4  }
0xf7: {  	[tilespmem:v3+s4+$0x0] =	vst.idx.msk vm0, v2  }
0xf8: {  	s12 =	simm.s32 $0x10;
	s13 =	simm.s32 $0x0;
	v3 =	vld [tilespmem:s11+$0x0]  }
.LBB2_20:
0xf9: {  	p0 =	sne.s32 s12, $0x1F0;
	_ =	sdelay $0x2  }
0xfa: {  	v4 =	vmov s11  }
0xfb: {  	v4 =	vshll.u32 v4, $0x3;
	v5 =	vshll.u32 v3, $0x9  }
0xfc: {  	v4 =	vand.u32 $0xC00, v4;
	v6 =	vshll.u32 v3, $0x7;
	v5 =	vand.u32 $0xFFFFF000, v5  }
0xfd: {  	v7 =	vor.u32 s11, v0;
	s11 =	smov.u32 s12;
	v4 =	vor.u32 v4, v5;
	v5 =	vand.u32 $0x380, v6  }
0xfe: {  	v3 =	vadd.s32 $0xFFFFFF38, v3;
	v6 =	vand.u32 $0x7F, v7;
	v4 =	vor.u32 v5, v4  }
0xff: {  	vm0 =	vlt.u32 v3, $0x28;
	v3 =	vor.u32 v6, v4  }
0x100: {  	v3 =	vadd.s32 $0xFFFE7000, v3;
	_ =	sdelay $0x1  }
.Ltmp9:
0x101: {  	(pc) =	sbr.rel @p0 .LBB2_20-.Ltmp9, $3  }
0x102: {  	_ =	sdelay $0x1  }
0x103: {  	s13 =	sadd.s32 $0x10, s13;
	[tilespmem:v3+s4+$0x0] =	vst.idx.msk vm0, v1  }
0x104: {  	s12 =	sadd.s32 $0x10, s12;
	v3 =	vld [tilespmem:s13+$0x0]  }
0x105: {  	_ =	sdelay $0x2  }
0x106: {  	v4 =	vmov s11  }
0x107: {  	v4 =	vshll.u32 v4, $0x3;
	v5 =	vshll.u32 v3, $0x9  }
0x108: {  	v4 =	vand.u32 $0xC00, v4;
	v6 =	vshll.u32 v3, $0x7;
	v5 =	vand.u32 $0xFFFFF000, v5  }
0x109: {  	v7 =	vor.u32 s11, v0;
	v4 =	vor.u32 v4, v5;
	v5 =	vand.u32 $0x380, v6  }
0x10a: {  	v63 =	vand.u32 $0x7F, v7;
	v3 =	vadd.s32 $0xFFFFFF38, v3;
	v4 =	vor.u32 v5, v4  }
0x10b: {  	vm0 =	vlt.u32 v3, $0x28;
	v3 =	vor.u32 v63, v4  }
0x10c: {  	v3 =	vadd.s32 $0xFFFE7000, v3;
	_ =	sdelay $0x4  }
0x10d: {  	s14 =	rddreg [dreg:$0x9];
	[tilespmem:v3+s4+$0x0] =	vst.idx.msk vm0, v1  }
0x10e: {  	[hbm4b:s14+s8] =	stream.strided.scatter [tilespmem:s4], [sflag:$0x2], $0x5000, s9, s8, $0x38;
	[tilespmem:$0xA200] =	vst v63  }
0x10f: {  	_ =	swait.ge [sflag:s6], $0x5000  }
0x110: {  	[sflag:s6] =	ssyncset.done $0x0  }
0x111: {  	s11 =	simm.s32 $0x0;
	[sflag:s6] =	ssyncadd.s32 $0xFFFFB000  }
0x112: {  	s13 =	simm.s32 $0x10;
	s12 =	simm.s32 $0x0;
	s14 =	simm.s32 $0x0;
	v3 =	vld [tilespmem:s11+$0x0]  }
.LBB2_22:
0x113: {  	p0 =	sne.s32 s13, $0x1F0;
	_ =	sdelay $0x2  }
0x114: {  	v4 =	vmov s12  }
0x115: {  	v4 =	vshll.u32 v4, $0x3;
	v5 =	vshll.u32 v3, $0x9  }
0x116: {  	v4 =	vand.u32 $0xC00, v4;
	v6 =	vshll.u32 v3, $0x7;
	v5 =	vand.u32 $0xFFFFF000, v5  }
0x117: {  	v7 =	vor.u32 s12, v0;
	s12 =	smov.u32 s13;
	v4 =	vor.u32 v4, v5;
	v5 =	vand.u32 $0x380, v6  }
0x118: {  	v3 =	vadd.s32 $0xFFFFFF60, v3;
	v6 =	vand.u32 $0x7F, v7;
	v4 =	vor.u32 v5, v4  }
0x119: {  	vm0 =	vlt.u32 v3, $0x28;
	v3 =	vor.u32 v6, v4  }
0x11a: {  	v3 =	vadd.s32 $0xFFFEC000, v3;
	_ =	sdelay $0x1  }
.Ltmp10:
0x11b: {  	(pc) =	sbr.rel @p0 .LBB2_22-.Ltmp10, $3  }
0x11c: {  	_ =	sdelay $0x1  }
0x11d: {  	s14 =	sadd.s32 $0x10, s14;
	[tilespmem:v3+s1+$0x0] =	vst.idx.msk vm0, v2  }
0x11e: {  	s13 =	sadd.s32 $0x10, s13;
	v3 =	vld [tilespmem:s14+$0x0]  }
0x11f: {  	_ =	sdelay $0x2  }
0x120: {  	v4 =	vmov s12  }
0x121: {  	v4 =	vshll.u32 v4, $0x3;
	v5 =	vshll.u32 v3, $0x9  }
0x122: {  	v4 =	vand.u32 $0xC00, v4;
	v6 =	vshll.u32 v3, $0x7;
	v5 =	vand.u32 $0xFFFFF000, v5  }
0x123: {  	v7 =	vor.u32 s12, v0;
	v4 =	vor.u32 v4, v5;
	v5 =	vand.u32 $0x380, v6  }
0x124: {  	v63 =	vand.u32 $0x7F, v7;
	v3 =	vadd.s32 $0xFFFFFF60, v3;
	v4 =	vor.u32 v5, v4  }
0x125: {  	vm0 =	vlt.u32 v3, $0x28;
	v3 =	vor.u32 v63, v4  }
0x126: {  	v3 =	vadd.s32 $0xFFFEC000, v3;
	_ =	sdelay $0x4  }
0x127: {  	[tilespmem:v3+s1+$0x0] =	vst.idx.msk vm0, v2  }
0x128: {  	s12 =	simm.s32 $0x10;
	s13 =	simm.s32 $0x0;
	v3 =	vld [tilespmem:s11+$0x0]  }
.LBB2_24:
0x129: {  	p0 =	sne.s32 s12, $0x1F0;
	_ =	sdelay $0x2  }
0x12a: {  	v4 =	vmov s11  }
0x12b: {  	v4 =	vshll.u32 v4, $0x3;
	v5 =	vshll.u32 v3, $0x9  }
0x12c: {  	v4 =	vand.u32 $0xC00, v4;
	v6 =	vshll.u32 v3, $0x7;
	v5 =	vand.u32 $0xFFFFF000, v5  }
0x12d: {  	v7 =	vor.u32 s11, v0;
	s11 =	smov.u32 s12;
	v4 =	vor.u32 v4, v5;
	v5 =	vand.u32 $0x380, v6  }
0x12e: {  	v3 =	vadd.s32 $0xFFFFFF10, v3;
	v6 =	vand.u32 $0x7F, v7;
	v4 =	vor.u32 v5, v4  }
0x12f: {  	vm0 =	vlt.u32 v3, $0x28;
	v3 =	vor.u32 v6, v4  }
0x130: {  	v3 =	vadd.s32 $0xFFFE2000, v3;
	_ =	sdelay $0x1  }
.Ltmp11:
0x131: {  	(pc) =	sbr.rel @p0 .LBB2_24-.Ltmp11, $3  }
0x132: {  	_ =	sdelay $0x1  }
0x133: {  	s13 =	sadd.s32 $0x10, s13;
	[tilespmem:v3+s1+$0x0] =	vst.idx.msk vm0, v1  }
0x134: {  	s12 =	sadd.s32 $0x10, s12;
	v3 =	vld [tilespmem:s13+$0x0]  }
0x135: {  	_ =	sdelay $0x2  }
0x136: {  	v4 =	vmov s11  }
0x137: {  	v4 =	vshll.u32 v4, $0x3;
	v5 =	vshll.u32 v3, $0x9  }
0x138: {  	v4 =	vand.u32 $0xC00, v4;
	v6 =	vshll.u32 v3, $0x7;
	v5 =	vand.u32 $0xFFFFF000, v5  }
0x139: {  	v7 =	vor.u32 s11, v0;
	v4 =	vor.u32 v4, v5;
	v5 =	vand.u32 $0x380, v6  }
0x13a: {  	v63 =	vand.u32 $0x7F, v7;
	v3 =	vadd.s32 $0xFFFFFF10, v3;
	v4 =	vor.u32 v5, v4  }
0x13b: {  	vm0 =	vlt.u32 v3, $0x28;
	v3 =	vor.u32 v63, v4  }
0x13c: {  	v3 =	vadd.s32 $0xFFFE2000, v3;
	_ =	sdelay $0x4  }
0x13d: {  	s14 =	rddreg [dreg:$0xa];
	[tilespmem:v3+s1+$0x0] =	vst.idx.msk vm0, v1  }
0x13e: {  	[hbm4b:s14+s8] =	stream.strided.scatter [tilespmem:s1], [sflag:$0x1], $0x5000, s9, s8, $0x38;
	[tilespmem:$0xA200] =	vst v63  }
0x13f: {  	_ =	swait.ge [sflag:s7], $0x5000  }
0x140: {  	[sflag:s7] =	ssyncset.done $0x0  }
0x141: {  	s11 =	simm.s32 $0x0;
	[sflag:s7] =	ssyncadd.s32 $0xFFFFB000  }
0x142: {  	s13 =	simm.s32 $0x10;
	s12 =	simm.s32 $0x0;
	s14 =	simm.s32 $0x0;
	v3 =	vld [tilespmem:s11+$0x0]  }
.LBB2_26:
0x143: {  	p0 =	sne.s32 s13, $0x1F0;
	_ =	sdelay $0x2  }
0x144: {  	v4 =	vmov s12  }
0x145: {  	v4 =	vshll.u32 v4, $0x3;
	v5 =	vshll.u32 v3, $0x9  }
0x146: {  	v4 =	vand.u32 $0xC00, v4;
	v6 =	vshll.u32 v3, $0x7;
	v5 =	vand.u32 $0xFFFFF000, v5  }
0x147: {  	v7 =	vor.u32 s12, v0;
	s12 =	smov.u32 s13;
	v4 =	vor.u32 v4, v5;
	v5 =	vand.u32 $0x380, v6  }
0x148: {  	v3 =	vadd.s32 $0xFFFFFF38, v3;
	v6 =	vand.u32 $0x7F, v7;
	v4 =	vor.u32 v5, v4  }
0x149: {  	vm0 =	vlt.u32 v3, $0x28;
	v3 =	vor.u32 v6, v4  }
0x14a: {  	v3 =	vadd.s32 $0xFFFE7000, v3;
	_ =	sdelay $0x1  }
.Ltmp12:
0x14b: {  	(pc) =	sbr.rel @p0 .LBB2_26-.Ltmp12, $3  }
0x14c: {  	_ =	sdelay $0x1  }
0x14d: {  	s14 =	sadd.s32 $0x10, s14;
	[tilespmem:v3+s4+$0x0] =	vst.idx.msk vm0, v2  }
0x14e: {  	s13 =	sadd.s32 $0x10, s13;
	v3 =	vld [tilespmem:s14+$0x0]  }
0x14f: {  	_ =	sdelay $0x2  }
0x150: {  	v4 =	vmov s12  }
0x151: {  	v4 =	vshll.u32 v4, $0x3;
	v5 =	vshll.u32 v3, $0x9  }
0x152: {  	v4 =	vand.u32 $0xC00, v4;
	v6 =	vshll.u32 v3, $0x7;
	v5 =	vand.u32 $0xFFFFF000, v5  }
0x153: {  	v7 =	vor.u32 s12, v0;
	v4 =	vor.u32 v4, v5;
	v5 =	vand.u32 $0x380, v6  }
0x154: {  	v63 =	vand.u32 $0x7F, v7;
	v3 =	vadd.s32 $0xFFFFFF38, v3;
	v4 =	vor.u32 v5, v4  }
0x155: {  	vm0 =	vlt.u32 v3, $0x28;
	v3 =	vor.u32 v63, v4  }
0x156: {  	v3 =	vadd.s32 $0xFFFE7000, v3;
	_ =	sdelay $0x4  }
0x157: {  	[tilespmem:v3+s4+$0x0] =	vst.idx.msk vm0, v2  }
0x158: {  	s12 =	simm.s32 $0x10;
	s13 =	simm.s32 $0x0;
	v3 =	vld [tilespmem:s11+$0x0]  }
.LBB2_28:
0x159: {  	p0 =	sne.s32 s12, $0x1F0;
	_ =	sdelay $0x2  }
0x15a: {  	v4 =	vmov s11  }
0x15b: {  	v4 =	vshll.u32 v4, $0x3;
	v5 =	vshll.u32 v3, $0x9  }
0x15c: {  	v4 =	vand.u32 $0xC00, v4;
	v6 =	vshll.u32 v3, $0x7;
	v5 =	vand.u32 $0xFFFFF000, v5  }
0x15d: {  	v7 =	vor.u32 s11, v0;
	s11 =	smov.u32 s12;
	v4 =	vor.u32 v4, v5;
	v5 =	vand.u32 $0x380, v6  }
0x15e: {  	v3 =	vadd.s32 $0xFFFFFEE8, v3;
	v6 =	vand.u32 $0x7F, v7;
	v4 =	vor.u32 v5, v4  }
0x15f: {  	vm0 =	vlt.u32 v3, $0x28;
	v3 =	vor.u32 v6, v4  }
0x160: {  	v3 =	vadd.s32 $0xFFFDD000, v3;
	_ =	sdelay $0x1  }
.Ltmp13:
0x161: {  	(pc) =	sbr.rel @p0 .LBB2_28-.Ltmp13, $3  }
0x162: {  	_ =	sdelay $0x1  }
0x163: {  	s13 =	sadd.s32 $0x10, s13;
	[tilespmem:v3+s4+$0x0] =	vst.idx.msk vm0, v1  }
0x164: {  	s12 =	sadd.s32 $0x10, s12;
	v3 =	vld [tilespmem:s13+$0x0]  }
0x165: {  	_ =	sdelay $0x2  }
0x166: {  	v4 =	vmov s11  }
0x167: {  	v4 =	vshll.u32 v4, $0x3;
	v5 =	vshll.u32 v3, $0x9  }
0x168: {  	v4 =	vand.u32 $0xC00, v4;
	v6 =	vshll.u32 v3, $0x7;
	v5 =	vand.u32 $0xFFFFF000, v5  }
0x169: {  	v7 =	vor.u32 s11, v0;
	v4 =	vor.u32 v4, v5;
	v5 =	vand.u32 $0x380, v6  }
0x16a: {  	v63 =	vand.u32 $0x7F, v7;
	v3 =	vadd.s32 $0xFFFFFEE8, v3;
	v4 =	vor.u32 v5, v4  }
0x16b: {  	vm0 =	vlt.u32 v3, $0x28;
	v3 =	vor.u32 v63, v4  }
0x16c: {  	v3 =	vadd.s32 $0xFFFDD000, v3;
	_ =	sdelay $0x4  }
0x16d: {  	s14 =	rddreg [dreg:$0xb];
	[tilespmem:v3+s4+$0x0] =	vst.idx.msk vm0, v1  }
0x16e: {  	[hbm4b:s14+s8] =	stream.strided.scatter [tilespmem:s4], [sflag:$0x2], $0x5000, s9, s8, $0x38;
	[tilespmem:$0xA200] =	vst v63  }
0x16f: {  	_ =	swait.ge [sflag:s6], $0x5000  }
0x170: {  	[sflag:s6] =	ssyncset.done $0x0  }
0x171: {  	s11 =	simm.s32 $0x0;
	[sflag:s6] =	ssyncadd.s32 $0xFFFFB000  }
0x172: {  	s13 =	simm.s32 $0x10;
	s12 =	simm.s32 $0x0;
	s14 =	simm.s32 $0x0;
	v3 =	vld [tilespmem:s11+$0x0]  }
.LBB2_30:
0x173: {  	p0 =	sne.s32 s13, $0x1F0;
	_ =	sdelay $0x2  }
0x174: {  	v4 =	vmov s12  }
0x175: {  	v4 =	vshll.u32 v4, $0x3;
	v5 =	vshll.u32 v3, $0x9  }
0x176: {  	v4 =	vand.u32 $0xC00, v4;
	v6 =	vshll.u32 v3, $0x7;
	v5 =	vand.u32 $0xFFFFF000, v5  }
0x177: {  	v7 =	vor.u32 s12, v0;
	s12 =	smov.u32 s13;
	v4 =	vor.u32 v4, v5;
	v5 =	vand.u32 $0x380, v6  }
0x178: {  	v3 =	vadd.s32 $0xFFFFFF10, v3;
	v6 =	vand.u32 $0x7F, v7;
	v4 =	vor.u32 v5, v4  }
0x179: {  	vm0 =	vlt.u32 v3, $0x28;
	v3 =	vor.u32 v6, v4  }
0x17a: {  	v3 =	vadd.s32 $0xFFFE2000, v3;
	_ =	sdelay $0x1  }
.Ltmp14:
0x17b: {  	(pc) =	sbr.rel @p0 .LBB2_30-.Ltmp14, $3  }
0x17c: {  	_ =	sdelay $0x1  }
0x17d: {  	s14 =	sadd.s32 $0x10, s14;
	[tilespmem:v3+s1+$0x0] =	vst.idx.msk vm0, v2  }
0x17e: {  	s13 =	sadd.s32 $0x10, s13;
	v3 =	vld [tilespmem:s14+$0x0]  }
0x17f: {  	_ =	sdelay $0x2  }
0x180: {  	v4 =	vmov s12  }
0x181: {  	v4 =	vshll.u32 v4, $0x3;
	v5 =	vshll.u32 v3, $0x9  }
0x182: {  	v4 =	vand.u32 $0xC00, v4;
	v6 =	vshll.u32 v3, $0x7;
	v5 =	vand.u32 $0xFFFFF000, v5  }
0x183: {  	v7 =	vor.u32 s12, v0;
	v4 =	vor.u32 v4, v5;
	v5 =	vand.u32 $0x380, v6  }
0x184: {  	v63 =	vand.u32 $0x7F, v7;
	v3 =	vadd.s32 $0xFFFFFF10, v3;
	v4 =	vor.u32 v5, v4  }
0x185: {  	vm0 =	vlt.u32 v3, $0x28;
	v3 =	vor.u32 v63, v4  }
0x186: {  	v3 =	vadd.s32 $0xFFFE2000, v3;
	_ =	sdelay $0x4  }
0x187: {  	[tilespmem:v3+s1+$0x0] =	vst.idx.msk vm0, v2  }
0x188: {  	s12 =	simm.s32 $0x10;
	s13 =	simm.s32 $0x0;
	v3 =	vld [tilespmem:s11+$0x0]  }
.LBB2_32:
0x189: {  	p0 =	sne.s32 s12, $0x1F0;
	_ =	sdelay $0x2  }
0x18a: {  	v4 =	vmov s11  }
0x18b: {  	v4 =	vshll.u32 v4, $0x3;
	v5 =	vshll.u32 v3, $0x9  }
0x18c: {  	v4 =	vand.u32 $0xC00, v4;
	v6 =	vshll.u32 v3, $0x7;
	v5 =	vand.u32 $0xFFFFF000, v5  }
0x18d: {  	v7 =	vor.u32 s11, v0;
	s11 =	smov.u32 s12;
	v4 =	vor.u32 v4, v5;
	v5 =	vand.u32 $0x380, v6  }
0x18e: {  	v3 =	vadd.s32 $0xFFFFFEC0, v3;
	v6 =	vand.u32 $0x7F, v7;
	v4 =	vor.u32 v5, v4  }
0x18f: {  	vm0 =	vlt.u32 v3, $0x28;
	v3 =	vor.u32 v6, v4  }
0x190: {  	v3 =	vadd.s32 $0xFFFD8000, v3;
	_ =	sdelay $0x1  }
.Ltmp15:
0x191: {  	(pc) =	sbr.rel @p0 .LBB2_32-.Ltmp15, $3  }
0x192: {  	_ =	sdelay $0x1  }
0x193: {  	s13 =	sadd.s32 $0x10, s13;
	[tilespmem:v3+s1+$0x0] =	vst.idx.msk vm0, v1  }
0x194: {  	s12 =	sadd.s32 $0x10, s12;
	v3 =	vld [tilespmem:s13+$0x0]  }
0x195: {  	_ =	sdelay $0x2  }
0x196: {  	v4 =	vmov s11  }
0x197: {  	v4 =	vshll.u32 v4, $0x3;
	v5 =	vshll.u32 v3, $0x9  }
0x198: {  	v4 =	vand.u32 $0xC00, v4;
	v6 =	vshll.u32 v3, $0x7;
	v5 =	vand.u32 $0xFFFFF000, v5  }
0x199: {  	v7 =	vor.u32 s11, v0;
	v4 =	vor.u32 v4, v5;
	v5 =	vand.u32 $0x380, v6  }
0x19a: {  	v63 =	vand.u32 $0x7F, v7;
	v3 =	vadd.s32 $0xFFFFFEC0, v3;
	v4 =	vor.u32 v5, v4  }
0x19b: {  	vm0 =	vlt.u32 v3, $0x28;
	v3 =	vor.u32 v63, v4  }
0x19c: {  	v3 =	vadd.s32 $0xFFFD8000, v3;
	_ =	sdelay $0x4  }
0x19d: {  	s14 =	rddreg [dreg:$0xc];
	[tilespmem:v3+s1+$0x0] =	vst.idx.msk vm0, v1  }
0x19e: {  	[hbm4b:s14+s8] =	stream.strided.scatter [tilespmem:s1], [sflag:$0x1], $0x5000, s9, s8, $0x38;
	[tilespmem:$0xA200] =	vst v63  }
0x19f: {  	_ =	swait.ge [sflag:s7], $0x5000  }
0x1a0: {  	[sflag:s7] =	ssyncset.done $0x0  }
0x1a1: {  	s11 =	simm.s32 $0x0;
	[sflag:s7] =	ssyncadd.s32 $0xFFFFB000  }
0x1a2: {  	s13 =	simm.s32 $0x10;
	s12 =	simm.s32 $0x0;
	s14 =	simm.s32 $0x0;
	v3 =	vld [tilespmem:s11+$0x0]  }
.LBB2_34:
0x1a3: {  	p0 =	sne.s32 s13, $0x1F0;
	_ =	sdelay $0x2  }
0x1a4: {  	v4 =	vmov s12  }
0x1a5: {  	v4 =	vshll.u32 v4, $0x3;
	v5 =	vshll.u32 v3, $0x9  }
0x1a6: {  	v4 =	vand.u32 $0xC00, v4;
	v6 =	vshll.u32 v3, $0x7;
	v5 =	vand.u32 $0xFFFFF000, v5  }
0x1a7: {  	v7 =	vor.u32 s12, v0;
	s12 =	smov.u32 s13;
	v4 =	vor.u32 v4, v5;
	v5 =	vand.u32 $0x380, v6  }
0x1a8: {  	v3 =	vadd.s32 $0xFFFFFEE8, v3;
	v6 =	vand.u32 $0x7F, v7;
	v4 =	vor.u32 v5, v4  }
0x1a9: {  	vm0 =	vlt.u32 v3, $0x28;
	v3 =	vor.u32 v6, v4  }
0x1aa: {  	v3 =	vadd.s32 $0xFFFDD000, v3;
	_ =	sdelay $0x1  }
.Ltmp16:
0x1ab: {  	(pc) =	sbr.rel @p0 .LBB2_34-.Ltmp16, $3  }
0x1ac: {  	_ =	sdelay $0x1  }
0x1ad: {  	s14 =	sadd.s32 $0x10, s14;
	[tilespmem:v3+s4+$0x0] =	vst.idx.msk vm0, v2  }
0x1ae: {  	s13 =	sadd.s32 $0x10, s13;
	v3 =	vld [tilespmem:s14+$0x0]  }
0x1af: {  	_ =	sdelay $0x2  }
0x1b0: {  	v4 =	vmov s12  }
0x1b1: {  	v4 =	vshll.u32 v4, $0x3;
	v5 =	vshll.u32 v3, $0x9  }
0x1b2: {  	v4 =	vand.u32 $0xC00, v4;
	v6 =	vshll.u32 v3, $0x7;
	v5 =	vand.u32 $0xFFFFF000, v5  }
0x1b3: {  	v7 =	vor.u32 s12, v0;
	v4 =	vor.u32 v4, v5;
	v5 =	vand.u32 $0x380, v6  }
0x1b4: {  	v63 =	vand.u32 $0x7F, v7;
	v3 =	vadd.s32 $0xFFFFFEE8, v3;
	v4 =	vor.u32 v5, v4  }
0x1b5: {  	vm0 =	vlt.u32 v3, $0x28;
	v3 =	vor.u32 v63, v4  }
0x1b6: {  	v3 =	vadd.s32 $0xFFFDD000, v3;
	_ =	sdelay $0x4  }
0x1b7: {  	[tilespmem:v3+s4+$0x0] =	vst.idx.msk vm0, v2  }
0x1b8: {  	s12 =	simm.s32 $0x10;
	s13 =	simm.s32 $0x0;
	v3 =	vld [tilespmem:s11+$0x0]  }
.LBB2_36:
0x1b9: {  	p0 =	sne.s32 s12, $0x1F0;
	_ =	sdelay $0x2  }
0x1ba: {  	v4 =	vmov s11  }
0x1bb: {  	v4 =	vshll.u32 v4, $0x3;
	v5 =	vshll.u32 v3, $0x9  }
0x1bc: {  	v4 =	vand.u32 $0xC00, v4;
	v6 =	vshll.u32 v3, $0x7;
	v5 =	vand.u32 $0xFFFFF000, v5  }
0x1bd: {  	v7 =	vor.u32 s11, v0;
	s11 =	smov.u32 s12;
	v4 =	vor.u32 v4, v5;
	v5 =	vand.u32 $0x380, v6  }
0x1be: {  	v3 =	vadd.s32 $0xFFFFFE98, v3;
	v6 =	vand.u32 $0x7F, v7;
	v4 =	vor.u32 v5, v4  }
0x1bf: {  	vm0 =	vlt.u32 v3, $0x28;
	v3 =	vor.u32 v6, v4  }
0x1c0: {  	v3 =	vadd.s32 $0xFFFD3000, v3;
	_ =	sdelay $0x1  }
.Ltmp17:
0x1c1: {  	(pc) =	sbr.rel @p0 .LBB2_36-.Ltmp17, $3  }
0x1c2: {  	_ =	sdelay $0x1  }
0x1c3: {  	s13 =	sadd.s32 $0x10, s13;
	[tilespmem:v3+s4+$0x0] =	vst.idx.msk vm0, v1  }
0x1c4: {  	s12 =	sadd.s32 $0x10, s12;
	v3 =	vld [tilespmem:s13+$0x0]  }
0x1c5: {  	_ =	sdelay $0x2  }
0x1c6: {  	v4 =	vmov s11  }
0x1c7: {  	v4 =	vshll.u32 v4, $0x3;
	v5 =	vshll.u32 v3, $0x9  }
0x1c8: {  	v4 =	vand.u32 $0xC00, v4;
	v6 =	vshll.u32 v3, $0x7;
	v5 =	vand.u32 $0xFFFFF000, v5  }
0x1c9: {  	v7 =	vor.u32 s11, v0;
	v4 =	vor.u32 v4, v5;
	v5 =	vand.u32 $0x380, v6  }
0x1ca: {  	v63 =	vand.u32 $0x7F, v7;
	v3 =	vadd.s32 $0xFFFFFE98, v3;
	v4 =	vor.u32 v5, v4  }
0x1cb: {  	vm0 =	vlt.u32 v3, $0x28;
	v3 =	vor.u32 v63, v4  }
0x1cc: {  	v3 =	vadd.s32 $0xFFFD3000, v3;
	_ =	sdelay $0x4  }
0x1cd: {  	s14 =	rddreg [dreg:$0xd];
	[tilespmem:v3+s4+$0x0] =	vst.idx.msk vm0, v1  }
0x1ce: {  	[hbm4b:s14+s8] =	stream.strided.scatter [tilespmem:s4], [sflag:$0x2], $0x5000, s9, s8, $0x38;
	[tilespmem:$0xA200] =	vst v63  }
0x1cf: {  	_ =	swait.ge [sflag:s6], $0x5000  }
0x1d0: {  	[sflag:s6] =	ssyncset.done $0x0  }
0x1d1: {  	s11 =	simm.s32 $0x0;
	[sflag:s6] =	ssyncadd.s32 $0xFFFFB000  }
0x1d2: {  	s13 =	simm.s32 $0x10;
	s12 =	simm.s32 $0x0;
	s14 =	simm.s32 $0x0;
	v3 =	vld [tilespmem:s11+$0x0]  }
.LBB2_38:
0x1d3: {  	p0 =	sne.s32 s13, $0x1F0;
	_ =	sdelay $0x2  }
0x1d4: {  	v4 =	vmov s12  }
0x1d5: {  	v4 =	vshll.u32 v4, $0x3;
	v5 =	vshll.u32 v3, $0x9  }
0x1d6: {  	v4 =	vand.u32 $0xC00, v4;
	v6 =	vshll.u32 v3, $0x7;
	v5 =	vand.u32 $0xFFFFF000, v5  }
0x1d7: {  	v7 =	vor.u32 s12, v0;
	s12 =	smov.u32 s13;
	v4 =	vor.u32 v4, v5;
	v5 =	vand.u32 $0x380, v6  }
0x1d8: {  	v3 =	vadd.s32 $0xFFFFFEC0, v3;
	v6 =	vand.u32 $0x7F, v7;
	v4 =	vor.u32 v5, v4  }
0x1d9: {  	vm0 =	vlt.u32 v3, $0x28;
	v3 =	vor.u32 v6, v4  }
0x1da: {  	v3 =	vadd.s32 $0xFFFD8000, v3;
	_ =	sdelay $0x1  }
.Ltmp18:
0x1db: {  	(pc) =	sbr.rel @p0 .LBB2_38-.Ltmp18, $3  }
0x1dc: {  	_ =	sdelay $0x1  }
0x1dd: {  	s14 =	sadd.s32 $0x10, s14;
	[tilespmem:v3+s1+$0x0] =	vst.idx.msk vm0, v2  }
0x1de: {  	s13 =	sadd.s32 $0x10, s13;
	v3 =	vld [tilespmem:s14+$0x0]  }
0x1df: {  	_ =	sdelay $0x2  }
0x1e0: {  	v4 =	vmov s12  }
0x1e1: {  	v4 =	vshll.u32 v4, $0x3;
	v5 =	vshll.u32 v3, $0x9  }
0x1e2: {  	v4 =	vand.u32 $0xC00, v4;
	v6 =	vshll.u32 v3, $0x7;
	v5 =	vand.u32 $0xFFFFF000, v5  }
0x1e3: {  	v7 =	vor.u32 s12, v0;
	v4 =	vor.u32 v4, v5;
	v5 =	vand.u32 $0x380, v6  }
0x1e4: {  	v63 =	vand.u32 $0x7F, v7;
	v3 =	vadd.s32 $0xFFFFFEC0, v3;
	v4 =	vor.u32 v5, v4  }
0x1e5: {  	vm0 =	vlt.u32 v3, $0x28;
	v3 =	vor.u32 v63, v4  }
0x1e6: {  	v3 =	vadd.s32 $0xFFFD8000, v3;
	_ =	sdelay $0x4  }
0x1e7: {  	[tilespmem:v3+s1+$0x0] =	vst.idx.msk vm0, v2  }
0x1e8: {  	s12 =	simm.s32 $0x10;
	s13 =	simm.s32 $0x0;
	v3 =	vld [tilespmem:s11+$0x0]  }
.LBB2_40:
0x1e9: {  	p0 =	sne.s32 s12, $0x1F0;
	_ =	sdelay $0x2  }
0x1ea: {  	v4 =	vmov s11  }
0x1eb: {  	v4 =	vshll.u32 v4, $0x3;
	v5 =	vshll.u32 v3, $0x9  }
0x1ec: {  	v4 =	vand.u32 $0xC00, v4;
	v6 =	vshll.u32 v3, $0x7;
	v5 =	vand.u32 $0xFFFFF000, v5  }
0x1ed: {  	v7 =	vor.u32 s11, v0;
	s11 =	smov.u32 s12;
	v4 =	vor.u32 v4, v5;
	v5 =	vand.u32 $0x380, v6  }
0x1ee: {  	v3 =	vadd.s32 $0xFFFFFE70, v3;
	v6 =	vand.u32 $0x7F, v7;
	v4 =	vor.u32 v5, v4  }
0x1ef: {  	vm0 =	vlt.u32 v3, $0x28;
	v3 =	vor.u32 v6, v4  }
0x1f0: {  	v3 =	vadd.s32 $0xFFFCE000, v3;
	_ =	sdelay $0x1  }
.Ltmp19:
0x1f1: {  	(pc) =	sbr.rel @p0 .LBB2_40-.Ltmp19, $3  }
0x1f2: {  	_ =	sdelay $0x1  }
0x1f3: {  	s13 =	sadd.s32 $0x10, s13;
	[tilespmem:v3+s1+$0x0] =	vst.idx.msk vm0, v1  }
0x1f4: {  	s12 =	sadd.s32 $0x10, s12;
	v3 =	vld [tilespmem:s13+$0x0]  }
0x1f5: {  	_ =	sdelay $0x2  }
0x1f6: {  	v4 =	vmov s11  }
0x1f7: {  	v4 =	vshll.u32 v4, $0x3;
	v5 =	vshll.u32 v3, $0x9  }
0x1f8: {  	v4 =	vand.u32 $0xC00, v4;
	v6 =	vshll.u32 v3, $0x7;
	v5 =	vand.u32 $0xFFFFF000, v5  }
0x1f9: {  	v7 =	vor.u32 s11, v0;
	v4 =	vor.u32 v4, v5;
	v5 =	vand.u32 $0x380, v6  }
0x1fa: {  	v63 =	vand.u32 $0x7F, v7;
	v3 =	vadd.s32 $0xFFFFFE70, v3;
	v4 =	vor.u32 v5, v4  }
0x1fb: {  	vm0 =	vlt.u32 v3, $0x28;
	v3 =	vor.u32 v63, v4  }
0x1fc: {  	v3 =	vadd.s32 $0xFFFCE000, v3;
	_ =	sdelay $0x4  }
0x1fd: {  	[tilespmem:v3+s1+$0x0] =	vst.idx.msk vm0, v1  }
0x1fe: {  	[hbm4b:s15+s8] =	stream.strided.scatter [tilespmem:s1], [sflag:$0x1], $0x5000, s9, s8, $0x38;
	[tilespmem:$0xA200] =	vst v63  }
0x1ff: {  	_ =	swait.ge [sflag:s7], $0x5000  }
0x200: {  	[sflag:s7] =	ssyncset.done $0x0  }
0x201: {  	s11 =	simm.s32 $0x0;
	[sflag:s7] =	ssyncadd.s32 $0xFFFFB000  }
0x202: {  	s13 =	simm.s32 $0x10;
	s12 =	simm.s32 $0x0;
	s14 =	simm.s32 $0x0;
	v3 =	vld [tilespmem:s11+$0x0]  }
.LBB2_42:
0x203: {  	p0 =	sne.s32 s13, $0x1F0;
	_ =	sdelay $0x2  }
0x204: {  	v4 =	vmov s12  }
0x205: {  	v4 =	vshll.u32 v4, $0x3;
	v5 =	vshll.u32 v3, $0x9  }
0x206: {  	v4 =	vand.u32 $0xC00, v4;
	v6 =	vshll.u32 v3, $0x7;
	v5 =	vand.u32 $0xFFFFF000, v5  }
0x207: {  	v7 =	vor.u32 s12, v0;
	s12 =	smov.u32 s13;
	v4 =	vor.u32 v4, v5;
	v5 =	vand.u32 $0x380, v6  }
0x208: {  	v3 =	vadd.s32 $0xFFFFFE98, v3;
	v6 =	vand.u32 $0x7F, v7;
	v4 =	vor.u32 v5, v4  }
0x209: {  	vm0 =	vlt.u32 v3, $0x28;
	v3 =	vor.u32 v6, v4  }
0x20a: {  	v3 =	vadd.s32 $0xFFFD3000, v3;
	_ =	sdelay $0x1  }
.Ltmp20:
0x20b: {  	(pc) =	sbr.rel @p0 .LBB2_42-.Ltmp20, $3  }
0x20c: {  	_ =	sdelay $0x1  }
0x20d: {  	s14 =	sadd.s32 $0x10, s14;
	[tilespmem:v3+s4+$0x0] =	vst.idx.msk vm0, v2  }
0x20e: {  	s13 =	sadd.s32 $0x10, s13;
	v3 =	vld [tilespmem:s14+$0x0]  }
0x20f: {  	_ =	sdelay $0x2  }
0x210: {  	v4 =	vmov s12  }
0x211: {  	v4 =	vshll.u32 v4, $0x3;
	v5 =	vshll.u32 v3, $0x9  }
0x212: {  	v4 =	vand.u32 $0xC00, v4;
	v6 =	vshll.u32 v3, $0x7;
	v5 =	vand.u32 $0xFFFFF000, v5  }
0x213: {  	v7 =	vor.u32 s12, v0;
	v4 =	vor.u32 v4, v5;
	v5 =	vand.u32 $0x380, v6  }
0x214: {  	v63 =	vand.u32 $0x7F, v7;
	v3 =	vadd.s32 $0xFFFFFE98, v3;
	v4 =	vor.u32 v5, v4  }
0x215: {  	vm0 =	vlt.u32 v3, $0x28;
	v3 =	vor.u32 v63, v4  }
0x216: {  	v3 =	vadd.s32 $0xFFFD3000, v3;
	_ =	sdelay $0x4  }
0x217: {  	[tilespmem:v3+s4+$0x0] =	vst.idx.msk vm0, v2  }
0x218: {  	s12 =	simm.s32 $0x10;
	s13 =	simm.s32 $0x0;
	v3 =	vld [tilespmem:s11+$0x0]  }
.LBB2_44:
0x219: {  	p0 =	sne.s32 s12, $0x1F0;
	_ =	sdelay $0x2  }
0x21a: {  	v4 =	vmov s11  }
0x21b: {  	v4 =	vshll.u32 v4, $0x3;
	v5 =	vshll.u32 v3, $0x9  }
0x21c: {  	v4 =	vand.u32 $0xC00, v4;
	v6 =	vshll.u32 v3, $0x7;
	v5 =	vand.u32 $0xFFFFF000, v5  }
0x21d: {  	v7 =	vor.u32 s11, v0;
	s11 =	smov.u32 s12;
	v4 =	vor.u32 v4, v5;
	v5 =	vand.u32 $0x380, v6  }
0x21e: {  	v3 =	vadd.s32 $0xFFFFFE48, v3;
	v6 =	vand.u32 $0x7F, v7;
	v4 =	vor.u32 v5, v4  }
0x21f: {  	vm0 =	vlt.u32 v3, $0x28;
	v3 =	vor.u32 v6, v4  }
0x220: {  	v3 =	vadd.s32 $0xFFFC9000, v3;
	_ =	sdelay $0x1  }
.Ltmp21:
0x221: {  	(pc) =	sbr.rel @p0 .LBB2_44-.Ltmp21, $3  }
0x222: {  	_ =	sdelay $0x1  }
0x223: {  	s13 =	sadd.s32 $0x10, s13;
	[tilespmem:v3+s4+$0x0] =	vst.idx.msk vm0, v1  }
0x224: {  	s12 =	sadd.s32 $0x10, s12;
	v3 =	vld [tilespmem:s13+$0x0]  }
0x225: {  	_ =	sdelay $0x2  }
0x226: {  	v4 =	vmov s11  }
0x227: {  	v4 =	vshll.u32 v4, $0x3;
	v5 =	vshll.u32 v3, $0x9  }
0x228: {  	v4 =	vand.u32 $0xC00, v4;
	v6 =	vshll.u32 v3, $0x7;
	v5 =	vand.u32 $0xFFFFF000, v5  }
0x229: {  	v7 =	vor.u32 s11, v0;
	v4 =	vor.u32 v4, v5;
	v5 =	vand.u32 $0x380, v6  }
0x22a: {  	v63 =	vand.u32 $0x7F, v7;
	v3 =	vadd.s32 $0xFFFFFE48, v3;
	v4 =	vor.u32 v5, v4  }
0x22b: {  	vm0 =	vlt.u32 v3, $0x28;
	v3 =	vor.u32 v63, v4  }
0x22c: {  	v3 =	vadd.s32 $0xFFFC9000, v3;
	_ =	sdelay $0x4  }
0x22d: {  	[tilespmem:v3+s4+$0x0] =	vst.idx.msk vm0, v1  }
0x22e: {  	[hbm4b:s16+s8] =	stream.strided.scatter [tilespmem:s4], [sflag:$0x2], $0x5000, s9, s8, $0x38;
	[tilespmem:$0xA200] =	vst v63  }
0x22f: {  	_ =	swait.ge [sflag:s6], $0x5000  }
0x230: {  	[sflag:s6] =	ssyncset.done $0x0  }
0x231: {  	s11 =	simm.s32 $0x0;
	[sflag:s6] =	ssyncadd.s32 $0xFFFFB000  }
0x232: {  	s13 =	simm.s32 $0x10;
	s12 =	simm.s32 $0x0;
	s14 =	simm.s32 $0x0;
	v3 =	vld [tilespmem:s11+$0x0]  }
.LBB2_46:
0x233: {  	p0 =	sne.s32 s13, $0x1F0;
	_ =	sdelay $0x2  }
0x234: {  	v4 =	vmov s12  }
0x235: {  	v4 =	vshll.u32 v4, $0x3;
	v5 =	vshll.u32 v3, $0x9  }
0x236: {  	v4 =	vand.u32 $0xC00, v4;
	v6 =	vshll.u32 v3, $0x7;
	v5 =	vand.u32 $0xFFFFF000, v5  }
0x237: {  	v7 =	vor.u32 s12, v0;
	s12 =	smov.u32 s13;
	v4 =	vor.u32 v4, v5;
	v5 =	vand.u32 $0x380, v6  }
0x238: {  	v3 =	vadd.s32 $0xFFFFFE70, v3;
	v6 =	vand.u32 $0x7F, v7;
	v4 =	vor.u32 v5, v4  }
0x239: {  	vm0 =	vlt.u32 v3, $0x28;
	v3 =	vor.u32 v6, v4  }
0x23a: {  	v3 =	vadd.s32 $0xFFFCE000, v3;
	_ =	sdelay $0x1  }
.Ltmp22:
0x23b: {  	(pc) =	sbr.rel @p0 .LBB2_46-.Ltmp22, $3  }
0x23c: {  	_ =	sdelay $0x1  }
0x23d: {  	s14 =	sadd.s32 $0x10, s14;
	[tilespmem:v3+s1+$0x0] =	vst.idx.msk vm0, v2  }
0x23e: {  	s13 =	sadd.s32 $0x10, s13;
	v3 =	vld [tilespmem:s14+$0x0]  }
0x23f: {  	_ =	sdelay $0x2  }
0x240: {  	v4 =	vmov s12  }
0x241: {  	v4 =	vshll.u32 v4, $0x3;
	v5 =	vshll.u32 v3, $0x9  }
0x242: {  	v4 =	vand.u32 $0xC00, v4;
	v6 =	vshll.u32 v3, $0x7;
	v5 =	vand.u32 $0xFFFFF000, v5  }
0x243: {  	v7 =	vor.u32 s12, v0;
	v4 =	vor.u32 v4, v5;
	v5 =	vand.u32 $0x380, v6  }
0x244: {  	v63 =	vand.u32 $0x7F, v7;
	v3 =	vadd.s32 $0xFFFFFE70, v3;
	v4 =	vor.u32 v5, v4  }
0x245: {  	vm0 =	vlt.u32 v3, $0x28;
	v3 =	vor.u32 v63, v4  }
0x246: {  	v3 =	vadd.s32 $0xFFFCE000, v3;
	_ =	sdelay $0x4  }
0x247: {  	[tilespmem:v3+s1+$0x0] =	vst.idx.msk vm0, v2  }
0x248: {  	s12 =	simm.s32 $0x10;
	s13 =	simm.s32 $0x0;
	v3 =	vld [tilespmem:s11+$0x0]  }
.LBB2_48:
0x249: {  	p0 =	sne.s32 s12, $0x1F0;
	_ =	sdelay $0x2  }
0x24a: {  	v4 =	vmov s11  }
0x24b: {  	v4 =	vshll.u32 v4, $0x3;
	v5 =	vshll.u32 v3, $0x9  }
0x24c: {  	v4 =	vand.u32 $0xC00, v4;
	v6 =	vshll.u32 v3, $0x7;
	v5 =	vand.u32 $0xFFFFF000, v5  }
0x24d: {  	v7 =	vor.u32 s11, v0;
	s11 =	smov.u32 s12;
	v4 =	vor.u32 v4, v5;
	v5 =	vand.u32 $0x380, v6  }
0x24e: {  	v3 =	vadd.s32 $0xFFFFFE20, v3;
	v6 =	vand.u32 $0x7F, v7;
	v4 =	vor.u32 v5, v4  }
0x24f: {  	vm0 =	vlt.u32 v3, $0x28;
	v3 =	vor.u32 v6, v4  }
0x250: {  	v3 =	vadd.s32 $0xFFFC4000, v3;
	_ =	sdelay $0x1  }
.Ltmp23:
0x251: {  	(pc) =	sbr.rel @p0 .LBB2_48-.Ltmp23, $3  }
0x252: {  	_ =	sdelay $0x1  }
0x253: {  	s13 =	sadd.s32 $0x10, s13;
	[tilespmem:v3+s1+$0x0] =	vst.idx.msk vm0, v1  }
0x254: {  	s12 =	sadd.s32 $0x10, s12;
	v3 =	vld [tilespmem:s13+$0x0]  }
0x255: {  	_ =	sdelay $0x2  }
0x256: {  	v4 =	vmov s11  }
0x257: {  	v4 =	vshll.u32 v4, $0x3;
	v5 =	vshll.u32 v3, $0x9  }
0x258: {  	v4 =	vand.u32 $0xC00, v4;
	v6 =	vshll.u32 v3, $0x7;
	v5 =	vand.u32 $0xFFFFF000, v5  }
0x259: {  	v7 =	vor.u32 s11, v0;
	v4 =	vor.u32 v4, v5;
	v5 =	vand.u32 $0x380, v6  }
0x25a: {  	v63 =	vand.u32 $0x7F, v7;
	v3 =	vadd.s32 $0xFFFFFE20, v3;
	v4 =	vor.u32 v5, v4  }
0x25b: {  	vm0 =	vlt.u32 v3, $0x28;
	v3 =	vor.u32 v63, v4  }
0x25c: {  	v3 =	vadd.s32 $0xFFFC4000, v3;
	_ =	sdelay $0x4  }
0x25d: {  	[tilespmem:v3+s1+$0x0] =	vst.idx.msk vm0, v1  }
0x25e: {  	[hbm4b:s17+s8] =	stream.strided.scatter [tilespmem:s1], [sflag:$0x1], $0x5000, s9, s8, $0x38;
	[tilespmem:$0xA200] =	vst v63  }
0x25f: {  	_ =	swait.ge [sflag:s7], $0x5000  }
0x260: {  	[sflag:s7] =	ssyncset.done $0x0  }
0x261: {  	s11 =	simm.s32 $0x0;
	[sflag:s7] =	ssyncadd.s32 $0xFFFFB000  }
0x262: {  	s13 =	simm.s32 $0x10;
	s12 =	simm.s32 $0x0;
	s14 =	simm.s32 $0x0;
	v3 =	vld [tilespmem:s11+$0x0]  }
.LBB2_50:
0x263: {  	p0 =	sne.s32 s13, $0x1F0;
	_ =	sdelay $0x2  }
0x264: {  	v4 =	vmov s12  }
0x265: {  	v4 =	vshll.u32 v4, $0x3;
	v5 =	vshll.u32 v3, $0x9  }
0x266: {  	v4 =	vand.u32 $0xC00, v4;
	v6 =	vshll.u32 v3, $0x7;
	v5 =	vand.u32 $0xFFFFF000, v5  }
0x267: {  	v7 =	vor.u32 s12, v0;
	s12 =	smov.u32 s13;
	v4 =	vor.u32 v4, v5;
	v5 =	vand.u32 $0x380, v6  }
0x268: {  	v3 =	vadd.s32 $0xFFFFFE48, v3;
	v6 =	vand.u32 $0x7F, v7;
	v4 =	vor.u32 v5, v4  }
0x269: {  	vm0 =	vlt.u32 v3, $0x28;
	v3 =	vor.u32 v6, v4  }
0x26a: {  	v3 =	vadd.s32 $0xFFFC9000, v3;
	_ =	sdelay $0x1  }
.Ltmp24:
0x26b: {  	(pc) =	sbr.rel @p0 .LBB2_50-.Ltmp24, $3  }
0x26c: {  	_ =	sdelay $0x1  }
0x26d: {  	s14 =	sadd.s32 $0x10, s14;
	[tilespmem:v3+s4+$0x0] =	vst.idx.msk vm0, v2  }
0x26e: {  	s13 =	sadd.s32 $0x10, s13;
	v3 =	vld [tilespmem:s14+$0x0]  }
0x26f: {  	_ =	sdelay $0x2  }
0x270: {  	v4 =	vmov s12  }
0x271: {  	v4 =	vshll.u32 v4, $0x3;
	v5 =	vshll.u32 v3, $0x9  }
0x272: {  	v4 =	vand.u32 $0xC00, v4;
	v6 =	vshll.u32 v3, $0x7;
	v5 =	vand.u32 $0xFFFFF000, v5  }
0x273: {  	v7 =	vor.u32 s12, v0;
	v4 =	vor.u32 v4, v5;
	v5 =	vand.u32 $0x380, v6  }
0x274: {  	v63 =	vand.u32 $0x7F, v7;
	v3 =	vadd.s32 $0xFFFFFE48, v3;
	v4 =	vor.u32 v5, v4  }
0x275: {  	vm0 =	vlt.u32 v3, $0x28;
	v3 =	vor.u32 v63, v4  }
0x276: {  	v3 =	vadd.s32 $0xFFFC9000, v3;
	_ =	sdelay $0x4  }
0x277: {  	[tilespmem:v3+s4+$0x0] =	vst.idx.msk vm0, v2  }
0x278: {  	s12 =	simm.s32 $0x10;
	s13 =	simm.s32 $0x0;
	v3 =	vld [tilespmem:s11+$0x0]  }
.LBB2_52:
0x279: {  	p0 =	sne.s32 s12, $0x1F0;
	_ =	sdelay $0x2  }
0x27a: {  	v4 =	vmov s11  }
0x27b: {  	v4 =	vshll.u32 v4, $0x3;
	v5 =	vshll.u32 v3, $0x9  }
0x27c: {  	v4 =	vand.u32 $0xC00, v4;
	v6 =	vshll.u32 v3, $0x7;
	v5 =	vand.u32 $0xFFFFF000, v5  }
0x27d: {  	v7 =	vor.u32 s11, v0;
	s11 =	smov.u32 s12;
	v4 =	vor.u32 v4, v5;
	v5 =	vand.u32 $0x380, v6  }
0x27e: {  	v3 =	vadd.s32 $0xFFFFFDF8, v3;
	v6 =	vand.u32 $0x7F, v7;
	v4 =	vor.u32 v5, v4  }
0x27f: {  	vm0 =	vlt.u32 v3, $0x28;
	v3 =	vor.u32 v6, v4  }
0x280: {  	v3 =	vadd.s32 $0xFFFBF000, v3;
	_ =	sdelay $0x1  }
.Ltmp25:
0x281: {  	(pc) =	sbr.rel @p0 .LBB2_52-.Ltmp25, $3  }
0x282: {  	_ =	sdelay $0x1  }
0x283: {  	s13 =	sadd.s32 $0x10, s13;
	[tilespmem:v3+s4+$0x0] =	vst.idx.msk vm0, v1  }
0x284: {  	s12 =	sadd.s32 $0x10, s12;
	v3 =	vld [tilespmem:s13+$0x0]  }
0x285: {  	_ =	sdelay $0x2  }
0x286: {  	v4 =	vmov s11  }
0x287: {  	v4 =	vshll.u32 v4, $0x3;
	v5 =	vshll.u32 v3, $0x9  }
0x288: {  	v4 =	vand.u32 $0xC00, v4;
	v6 =	vshll.u32 v3, $0x7;
	v5 =	vand.u32 $0xFFFFF000, v5  }
0x289: {  	v7 =	vor.u32 s11, v0;
	v4 =	vor.u32 v4, v5;
	v5 =	vand.u32 $0x380, v6  }
0x28a: {  	v63 =	vand.u32 $0x7F, v7;
	v3 =	vadd.s32 $0xFFFFFDF8, v3;
	v4 =	vor.u32 v5, v4  }
0x28b: {  	vm0 =	vlt.u32 v3, $0x28;
	v3 =	vor.u32 v63, v4  }
0x28c: {  	v3 =	vadd.s32 $0xFFFBF000, v3;
	_ =	sdelay $0x4  }
0x28d: {  	[tilespmem:v3+s4+$0x0] =	vst.idx.msk vm0, v1  }
0x28e: {  	[hbm4b:s18+s8] =	stream.strided.scatter [tilespmem:s4], [sflag:$0x2], $0x5000, s9, s8, $0x38;
	[tilespmem:$0xA200] =	vst v63  }
0x28f: {  	_ =	swait.ge [sflag:s6], $0x5000  }
0x290: {  	[sflag:s6] =	ssyncset.done $0x0  }
0x291: {  	s11 =	simm.s32 $0x0;
	[sflag:s6] =	ssyncadd.s32 $0xFFFFB000  }
0x292: {  	s13 =	simm.s32 $0x10;
	s12 =	simm.s32 $0x0;
	s14 =	simm.s32 $0x0;
	v3 =	vld [tilespmem:s11+$0x0]  }
.LBB2_54:
0x293: {  	p0 =	sne.s32 s13, $0x1F0;
	_ =	sdelay $0x2  }
0x294: {  	v4 =	vmov s12  }
0x295: {  	v4 =	vshll.u32 v4, $0x3;
	v5 =	vshll.u32 v3, $0x9  }
0x296: {  	v4 =	vand.u32 $0xC00, v4;
	v6 =	vshll.u32 v3, $0x7;
	v5 =	vand.u32 $0xFFFFF000, v5  }
0x297: {  	v7 =	vor.u32 s12, v0;
	s12 =	smov.u32 s13;
	v4 =	vor.u32 v4, v5;
	v5 =	vand.u32 $0x380, v6  }
0x298: {  	v3 =	vadd.s32 $0xFFFFFE20, v3;
	v6 =	vand.u32 $0x7F, v7;
	v4 =	vor.u32 v5, v4  }
0x299: {  	vm0 =	vlt.u32 v3, $0x28;
	v3 =	vor.u32 v6, v4  }
0x29a: {  	v3 =	vadd.s32 $0xFFFC4000, v3;
	_ =	sdelay $0x1  }
.Ltmp26:
0x29b: {  	(pc) =	sbr.rel @p0 .LBB2_54-.Ltmp26, $3  }
0x29c: {  	_ =	sdelay $0x1  }
0x29d: {  	s14 =	sadd.s32 $0x10, s14;
	[tilespmem:v3+s1+$0x0] =	vst.idx.msk vm0, v2  }
0x29e: {  	s13 =	sadd.s32 $0x10, s13;
	v3 =	vld [tilespmem:s14+$0x0]  }
0x29f: {  	_ =	sdelay $0x2  }
0x2a0: {  	v4 =	vmov s12  }
0x2a1: {  	v4 =	vshll.u32 v4, $0x3;
	v5 =	vshll.u32 v3, $0x9  }
0x2a2: {  	v4 =	vand.u32 $0xC00, v4;
	v6 =	vshll.u32 v3, $0x7;
	v5 =	vand.u32 $0xFFFFF000, v5  }
0x2a3: {  	v7 =	vor.u32 s12, v0;
	v4 =	vor.u32 v4, v5;
	v5 =	vand.u32 $0x380, v6  }
0x2a4: {  	v63 =	vand.u32 $0x7F, v7;
	v3 =	vadd.s32 $0xFFFFFE20, v3;
	v4 =	vor.u32 v5, v4  }
0x2a5: {  	vm0 =	vlt.u32 v3, $0x28;
	v3 =	vor.u32 v63, v4  }
0x2a6: {  	v3 =	vadd.s32 $0xFFFC4000, v3;
	_ =	sdelay $0x4  }
0x2a7: {  	[tilespmem:v3+s1+$0x0] =	vst.idx.msk vm0, v2  }
0x2a8: {  	s12 =	simm.s32 $0x10;
	s13 =	simm.s32 $0x0;
	v3 =	vld [tilespmem:s11+$0x0]  }
.LBB2_56:
0x2a9: {  	p0 =	sne.s32 s12, $0x1F0;
	_ =	sdelay $0x2  }
0x2aa: {  	v4 =	vmov s11  }
0x2ab: {  	v4 =	vshll.u32 v4, $0x3;
	v5 =	vshll.u32 v3, $0x9  }
0x2ac: {  	v4 =	vand.u32 $0xC00, v4;
	v6 =	vshll.u32 v3, $0x7;
	v5 =	vand.u32 $0xFFFFF000, v5  }
0x2ad: {  	v7 =	vor.u32 s11, v0;
	s11 =	smov.u32 s12;
	v4 =	vor.u32 v4, v5;
	v5 =	vand.u32 $0x380, v6  }
0x2ae: {  	v3 =	vadd.s32 $0xFFFFFDD0, v3;
	v6 =	vand.u32 $0x7F, v7;
	v4 =	vor.u32 v5, v4  }
0x2af: {  	vm0 =	vlt.u32 v3, $0x28;
	v3 =	vor.u32 v6, v4  }
0x2b0: {  	v3 =	vadd.s32 $0xFFFBA000, v3;
	_ =	sdelay $0x1  }
.Ltmp27:
0x2b1: {  	(pc) =	sbr.rel @p0 .LBB2_56-.Ltmp27, $3  }
0x2b2: {  	_ =	sdelay $0x1  }
0x2b3: {  	s13 =	sadd.s32 $0x10, s13;
	[tilespmem:v3+s1+$0x0] =	vst.idx.msk vm0, v1  }
0x2b4: {  	s12 =	sadd.s32 $0x10, s12;
	v3 =	vld [tilespmem:s13+$0x0]  }
0x2b5: {  	_ =	sdelay $0x2  }
0x2b6: {  	v4 =	vmov s11  }
0x2b7: {  	v4 =	vshll.u32 v4, $0x3;
	v5 =	vshll.u32 v3, $0x9  }
0x2b8: {  	v4 =	vand.u32 $0xC00, v4;
	v6 =	vshll.u32 v3, $0x7;
	v5 =	vand.u32 $0xFFFFF000, v5  }
0x2b9: {  	v7 =	vor.u32 s11, v0;
	v4 =	vor.u32 v4, v5;
	v5 =	vand.u32 $0x380, v6  }
0x2ba: {  	v63 =	vand.u32 $0x7F, v7;
	v3 =	vadd.s32 $0xFFFFFDD0, v3;
	v4 =	vor.u32 v5, v4  }
0x2bb: {  	vm0 =	vlt.u32 v3, $0x28;
	v3 =	vor.u32 v63, v4  }
0x2bc: {  	v3 =	vadd.s32 $0xFFFBA000, v3;
	_ =	sdelay $0x4  }
0x2bd: {  	[tilespmem:v3+s1+$0x0] =	vst.idx.msk vm0, v1  }
0x2be: {  	[hbm4b:s19+s8] =	stream.strided.scatter [tilespmem:s1], [sflag:$0x1], $0x5000, s9, s8, $0x38;
	[tilespmem:$0xA200] =	vst v63  }
0x2bf: {  	_ =	swait.ge [sflag:s7], $0x5000  }
0x2c0: {  	[sflag:s7] =	ssyncset.done $0x0  }
0x2c1: {  	s11 =	simm.s32 $0x0;
	[sflag:s7] =	ssyncadd.s32 $0xFFFFB000  }
0x2c2: {  	s13 =	simm.s32 $0x10;
	s12 =	simm.s32 $0x0;
	s14 =	simm.s32 $0x0;
	v3 =	vld [tilespmem:s11+$0x0]  }
.LBB2_58:
0x2c3: {  	p0 =	sne.s32 s13, $0x1F0;
	_ =	sdelay $0x2  }
0x2c4: {  	v4 =	vmov s12  }
0x2c5: {  	v4 =	vshll.u32 v4, $0x3;
	v5 =	vshll.u32 v3, $0x9  }
0x2c6: {  	v4 =	vand.u32 $0xC00, v4;
	v6 =	vshll.u32 v3, $0x7;
	v5 =	vand.u32 $0xFFFFF000, v5  }
0x2c7: {  	v7 =	vor.u32 s12, v0;
	s12 =	smov.u32 s13;
	v4 =	vor.u32 v4, v5;
	v5 =	vand.u32 $0x380, v6  }
0x2c8: {  	v3 =	vadd.s32 $0xFFFFFDF8, v3;
	v6 =	vand.u32 $0x7F, v7;
	v4 =	vor.u32 v5, v4  }
0x2c9: {  	vm0 =	vlt.u32 v3, $0x28;
	v3 =	vor.u32 v6, v4  }
0x2ca: {  	v3 =	vadd.s32 $0xFFFBF000, v3;
	_ =	sdelay $0x1  }
.Ltmp28:
0x2cb: {  	(pc) =	sbr.rel @p0 .LBB2_58-.Ltmp28, $3  }
0x2cc: {  	_ =	sdelay $0x1  }
0x2cd: {  	s14 =	sadd.s32 $0x10, s14;
	[tilespmem:v3+s4+$0x0] =	vst.idx.msk vm0, v2  }
0x2ce: {  	s13 =	sadd.s32 $0x10, s13;
	v3 =	vld [tilespmem:s14+$0x0]  }
0x2cf: {  	_ =	sdelay $0x2  }
0x2d0: {  	v4 =	vmov s12  }
0x2d1: {  	v4 =	vshll.u32 v4, $0x3;
	v5 =	vshll.u32 v3, $0x9  }
0x2d2: {  	v4 =	vand.u32 $0xC00, v4;
	v6 =	vshll.u32 v3, $0x7;
	v5 =	vand.u32 $0xFFFFF000, v5  }
0x2d3: {  	v7 =	vor.u32 s12, v0;
	v4 =	vor.u32 v4, v5;
	v5 =	vand.u32 $0x380, v6  }
0x2d4: {  	v63 =	vand.u32 $0x7F, v7;
	v3 =	vadd.s32 $0xFFFFFDF8, v3;
	v4 =	vor.u32 v5, v4  }
0x2d5: {  	vm0 =	vlt.u32 v3, $0x28;
	v3 =	vor.u32 v63, v4  }
0x2d6: {  	v3 =	vadd.s32 $0xFFFBF000, v3;
	_ =	sdelay $0x4  }
0x2d7: {  	[tilespmem:v3+s4+$0x0] =	vst.idx.msk vm0, v2  }
0x2d8: {  	s12 =	simm.s32 $0x10;
	s13 =	simm.s32 $0x0;
	v3 =	vld [tilespmem:s11+$0x0]  }
.LBB2_60:
0x2d9: {  	p0 =	sne.s32 s12, $0x1F0;
	_ =	sdelay $0x2  }
0x2da: {  	v4 =	vmov s11  }
0x2db: {  	v4 =	vshll.u32 v4, $0x3;
	v5 =	vshll.u32 v3, $0x9  }
0x2dc: {  	v4 =	vand.u32 $0xC00, v4;
	v6 =	vshll.u32 v3, $0x7;
	v5 =	vand.u32 $0xFFFFF000, v5  }
0x2dd: {  	v7 =	vor.u32 s11, v0;
	s11 =	smov.u32 s12;
	v4 =	vor.u32 v4, v5;
	v5 =	vand.u32 $0x380, v6  }
0x2de: {  	v3 =	vadd.s32 $0xFFFFFDA8, v3;
	v6 =	vand.u32 $0x7F, v7;
	v4 =	vor.u32 v5, v4  }
0x2df: {  	vm0 =	vlt.u32 v3, $0x28;
	v3 =	vor.u32 v6, v4  }
0x2e0: {  	v3 =	vadd.s32 $0xFFFB5000, v3;
	_ =	sdelay $0x1  }
.Ltmp29:
0x2e1: {  	(pc) =	sbr.rel @p0 .LBB2_60-.Ltmp29, $3  }
0x2e2: {  	_ =	sdelay $0x1  }
0x2e3: {  	s13 =	sadd.s32 $0x10, s13;
	[tilespmem:v3+s4+$0x0] =	vst.idx.msk vm0, v1  }
0x2e4: {  	s12 =	sadd.s32 $0x10, s12;
	v3 =	vld [tilespmem:s13+$0x0]  }
0x2e5: {  	_ =	sdelay $0x2  }
0x2e6: {  	v4 =	vmov s11  }
0x2e7: {  	v4 =	vshll.u32 v4, $0x3;
	v5 =	vshll.u32 v3, $0x9  }
0x2e8: {  	v4 =	vand.u32 $0xC00, v4;
	v6 =	vshll.u32 v3, $0x7;
	v5 =	vand.u32 $0xFFFFF000, v5  }
0x2e9: {  	v7 =	vor.u32 s11, v0;
	v4 =	vor.u32 v4, v5;
	v5 =	vand.u32 $0x380, v6  }
0x2ea: {  	v63 =	vand.u32 $0x7F, v7;
	v3 =	vadd.s32 $0xFFFFFDA8, v3;
	v4 =	vor.u32 v5, v4  }
0x2eb: {  	vm0 =	vlt.u32 v3, $0x28;
	v3 =	vor.u32 v63, v4  }
0x2ec: {  	v3 =	vadd.s32 $0xFFFB5000, v3;
	_ =	sdelay $0x4  }
0x2ed: {  	[tilespmem:v3+s4+$0x0] =	vst.idx.msk vm0, v1  }
0x2ee: {  	[hbm4b:s20+s8] =	stream.strided.scatter [tilespmem:s4], [sflag:$0x2], $0x5000, s9, s8, $0x38;
	[tilespmem:$0xA200] =	vst v63  }
0x2ef: {  	_ =	swait.ge [sflag:s6], $0x5000  }
0x2f0: {  	[sflag:s6] =	ssyncset.done $0x0  }
0x2f1: {  	s11 =	simm.s32 $0x0;
	[sflag:s6] =	ssyncadd.s32 $0xFFFFB000  }
0x2f2: {  	s13 =	simm.s32 $0x10;
	s12 =	simm.s32 $0x0;
	s14 =	simm.s32 $0x0;
	v3 =	vld [tilespmem:s11+$0x0]  }
.LBB2_62:
0x2f3: {  	p0 =	sne.s32 s13, $0x1F0;
	_ =	sdelay $0x2  }
0x2f4: {  	v4 =	vmov s12  }
0x2f5: {  	v4 =	vshll.u32 v4, $0x3;
	v5 =	vshll.u32 v3, $0x9  }
0x2f6: {  	v4 =	vand.u32 $0xC00, v4;
	v6 =	vshll.u32 v3, $0x7;
	v5 =	vand.u32 $0xFFFFF000, v5  }
0x2f7: {  	v7 =	vor.u32 s12, v0;
	s12 =	smov.u32 s13;
	v4 =	vor.u32 v4, v5;
	v5 =	vand.u32 $0x380, v6  }
0x2f8: {  	v3 =	vadd.s32 $0xFFFFFDD0, v3;
	v6 =	vand.u32 $0x7F, v7;
	v4 =	vor.u32 v5, v4  }
0x2f9: {  	vm0 =	vlt.u32 v3, $0x28;
	v3 =	vor.u32 v6, v4  }
0x2fa: {  	v3 =	vadd.s32 $0xFFFBA000, v3;
	_ =	sdelay $0x1  }
.Ltmp30:
0x2fb: {  	(pc) =	sbr.rel @p0 .LBB2_62-.Ltmp30, $3  }
0x2fc: {  	_ =	sdelay $0x1  }
0x2fd: {  	s14 =	sadd.s32 $0x10, s14;
	[tilespmem:v3+s1+$0x0] =	vst.idx.msk vm0, v2  }
0x2fe: {  	s13 =	sadd.s32 $0x10, s13;
	v3 =	vld [tilespmem:s14+$0x0]  }
0x2ff: {  	_ =	sdelay $0x2  }
0x300: {  	v4 =	vmov s12  }
0x301: {  	v4 =	vshll.u32 v4, $0x3;
	v5 =	vshll.u32 v3, $0x9  }
0x302: {  	v4 =	vand.u32 $0xC00, v4;
	v6 =	vshll.u32 v3, $0x7;
	v5 =	vand.u32 $0xFFFFF000, v5  }
0x303: {  	v7 =	vor.u32 s12, v0;
	v4 =	vor.u32 v4, v5;
	v5 =	vand.u32 $0x380, v6  }
0x304: {  	v63 =	vand.u32 $0x7F, v7;
	v3 =	vadd.s32 $0xFFFFFDD0, v3;
	v4 =	vor.u32 v5, v4  }
0x305: {  	vm0 =	vlt.u32 v3, $0x28;
	v3 =	vor.u32 v63, v4  }
0x306: {  	v3 =	vadd.s32 $0xFFFBA000, v3;
	_ =	sdelay $0x4  }
0x307: {  	[tilespmem:v3+s1+$0x0] =	vst.idx.msk vm0, v2  }
0x308: {  	s12 =	simm.s32 $0x10;
	s13 =	simm.s32 $0x0;
	v3 =	vld [tilespmem:s11+$0x0]  }
.LBB2_64:
0x309: {  	p0 =	sne.s32 s12, $0x1F0;
	_ =	sdelay $0x2  }
0x30a: {  	v4 =	vmov s11  }
0x30b: {  	v4 =	vshll.u32 v4, $0x3;
	v5 =	vshll.u32 v3, $0x9  }
0x30c: {  	v4 =	vand.u32 $0xC00, v4;
	v6 =	vshll.u32 v3, $0x7;
	v5 =	vand.u32 $0xFFFFF000, v5  }
0x30d: {  	v7 =	vor.u32 s11, v0;
	s11 =	smov.u32 s12;
	v4 =	vor.u32 v4, v5;
	v5 =	vand.u32 $0x380, v6  }
0x30e: {  	v3 =	vadd.s32 $0xFFFFFD80, v3;
	v6 =	vand.u32 $0x7F, v7;
	v4 =	vor.u32 v5, v4  }
0x30f: {  	vm0 =	vlt.u32 v3, $0x28;
	v3 =	vor.u32 v6, v4  }
0x310: {  	v3 =	vadd.s32 $0xFFFB0000, v3;
	_ =	sdelay $0x1  }
.Ltmp31:
0x311: {  	(pc) =	sbr.rel @p0 .LBB2_64-.Ltmp31, $3  }
0x312: {  	_ =	sdelay $0x1  }
0x313: {  	s13 =	sadd.s32 $0x10, s13;
	[tilespmem:v3+s1+$0x0] =	vst.idx.msk vm0, v1  }
0x314: {  	s12 =	sadd.s32 $0x10, s12;
	v3 =	vld [tilespmem:s13+$0x0]  }
0x315: {  	_ =	sdelay $0x2  }
0x316: {  	v4 =	vmov s11  }
0x317: {  	v4 =	vshll.u32 v4, $0x3;
	v5 =	vshll.u32 v3, $0x9  }
0x318: {  	v4 =	vand.u32 $0xC00, v4;
	v6 =	vshll.u32 v3, $0x7;
	v5 =	vand.u32 $0xFFFFF000, v5  }
0x319: {  	v7 =	vor.u32 s11, v0;
	v4 =	vor.u32 v4, v5;
	v5 =	vand.u32 $0x380, v6  }
0x31a: {  	v63 =	vand.u32 $0x7F, v7;
	v3 =	vadd.s32 $0xFFFFFD80, v3;
	v4 =	vor.u32 v5, v4  }
0x31b: {  	vm0 =	vlt.u32 v3, $0x28;
	v3 =	vor.u32 v63, v4  }
0x31c: {  	v3 =	vadd.s32 $0xFFFB0000, v3;
	_ =	sdelay $0x4  }
0x31d: {  	[tilespmem:v3+s1+$0x0] =	vst.idx.msk vm0, v1  }
0x31e: {  	[hbm4b:s21+s8] =	stream.strided.scatter [tilespmem:s1], [sflag:$0x1], $0x5000, s9, s8, $0x38;
	[tilespmem:$0xA200] =	vst v63  }
0x31f: {  	_ =	swait.ge [sflag:s7], $0x5000  }
0x320: {  	[sflag:s7] =	ssyncset.done $0x0  }
0x321: {  	s11 =	simm.s32 $0x0;
	[sflag:s7] =	ssyncadd.s32 $0xFFFFB000  }
0x322: {  	s13 =	simm.s32 $0x10;
	s12 =	simm.s32 $0x0;
	s14 =	simm.s32 $0x0;
	v3 =	vld [tilespmem:s11+$0x0]  }
.LBB2_66:
0x323: {  	p0 =	sne.s32 s13, $0x1F0;
	_ =	sdelay $0x2  }
0x324: {  	v4 =	vmov s12  }
0x325: {  	v4 =	vshll.u32 v4, $0x3;
	v5 =	vshll.u32 v3, $0x9  }
0x326: {  	v4 =	vand.u32 $0xC00, v4;
	v6 =	vshll.u32 v3, $0x7;
	v5 =	vand.u32 $0xFFFFF000, v5  }
0x327: {  	v7 =	vor.u32 s12, v0;
	s12 =	smov.u32 s13;
	v4 =	vor.u32 v4, v5;
	v5 =	vand.u32 $0x380, v6  }
0x328: {  	v3 =	vadd.s32 $0xFFFFFDA8, v3;
	v6 =	vand.u32 $0x7F, v7;
	v4 =	vor.u32 v5, v4  }
0x329: {  	vm0 =	vlt.u32 v3, $0x28;
	v3 =	vor.u32 v6, v4  }
0x32a: {  	v3 =	vadd.s32 $0xFFFB5000, v3;
	_ =	sdelay $0x1  }
.Ltmp32:
0x32b: {  	(pc) =	sbr.rel @p0 .LBB2_66-.Ltmp32, $3  }
0x32c: {  	_ =	sdelay $0x1  }
0x32d: {  	s14 =	sadd.s32 $0x10, s14;
	[tilespmem:v3+s4+$0x0] =	vst.idx.msk vm0, v2  }
0x32e: {  	s13 =	sadd.s32 $0x10, s13;
	v3 =	vld [tilespmem:s14+$0x0]  }
0x32f: {  	_ =	sdelay $0x2  }
0x330: {  	v4 =	vmov s12  }
0x331: {  	v4 =	vshll.u32 v4, $0x3;
	v5 =	vshll.u32 v3, $0x9  }
0x332: {  	v4 =	vand.u32 $0xC00, v4;
	v6 =	vshll.u32 v3, $0x7;
	v5 =	vand.u32 $0xFFFFF000, v5  }
0x333: {  	v7 =	vor.u32 s12, v0;
	v4 =	vor.u32 v4, v5;
	v5 =	vand.u32 $0x380, v6  }
0x334: {  	v63 =	vand.u32 $0x7F, v7;
	v3 =	vadd.s32 $0xFFFFFDA8, v3;
	v4 =	vor.u32 v5, v4  }
0x335: {  	vm0 =	vlt.u32 v3, $0x28;
	v3 =	vor.u32 v63, v4  }
0x336: {  	v3 =	vadd.s32 $0xFFFB5000, v3;
	_ =	sdelay $0x4  }
0x337: {  	[tilespmem:v3+s4+$0x0] =	vst.idx.msk vm0, v2  }
0x338: {  	s12 =	simm.s32 $0x10;
	s13 =	simm.s32 $0x0;
	v3 =	vld [tilespmem:s11+$0x0]  }
.LBB2_68:
0x339: {  	p0 =	sne.s32 s12, $0x1F0;
	_ =	sdelay $0x2  }
0x33a: {  	v4 =	vmov s11  }
0x33b: {  	v4 =	vshll.u32 v4, $0x3;
	v5 =	vshll.u32 v3, $0x9  }
0x33c: {  	v4 =	vand.u32 $0xC00, v4;
	v6 =	vshll.u32 v3, $0x7;
	v5 =	vand.u32 $0xFFFFF000, v5  }
0x33d: {  	v7 =	vor.u32 s11, v0;
	s11 =	smov.u32 s12;
	v4 =	vor.u32 v4, v5;
	v5 =	vand.u32 $0x380, v6  }
0x33e: {  	v3 =	vadd.s32 $0xFFFFFD58, v3;
	v6 =	vand.u32 $0x7F, v7;
	v4 =	vor.u32 v5, v4  }
0x33f: {  	vm0 =	vlt.u32 v3, $0x28;
	v3 =	vor.u32 v6, v4  }
0x340: {  	v3 =	vadd.s32 $0xFFFAB000, v3;
	_ =	sdelay $0x1  }
.Ltmp33:
0x341: {  	(pc) =	sbr.rel @p0 .LBB2_68-.Ltmp33, $3  }
0x342: {  	_ =	sdelay $0x1  }
0x343: {  	s13 =	sadd.s32 $0x10, s13;
	[tilespmem:v3+s4+$0x0] =	vst.idx.msk vm0, v1  }
0x344: {  	s12 =	sadd.s32 $0x10, s12;
	v3 =	vld [tilespmem:s13+$0x0]  }
0x345: {  	_ =	sdelay $0x2  }
0x346: {  	v4 =	vmov s11  }
0x347: {  	v4 =	vshll.u32 v4, $0x3;
	v5 =	vshll.u32 v3, $0x9  }
0x348: {  	v4 =	vand.u32 $0xC00, v4;
	v6 =	vshll.u32 v3, $0x7;
	v5 =	vand.u32 $0xFFFFF000, v5  }
0x349: {  	v7 =	vor.u32 s11, v0;
	v4 =	vor.u32 v4, v5;
	v5 =	vand.u32 $0x380, v6  }
0x34a: {  	v63 =	vand.u32 $0x7F, v7;
	v3 =	vadd.s32 $0xFFFFFD58, v3;
	v4 =	vor.u32 v5, v4  }
0x34b: {  	vm0 =	vlt.u32 v3, $0x28;
	v3 =	vor.u32 v63, v4  }
0x34c: {  	v3 =	vadd.s32 $0xFFFAB000, v3;
	_ =	sdelay $0x4  }
0x34d: {  	[tilespmem:v3+s4+$0x0] =	vst.idx.msk vm0, v1  }
0x34e: {  	[hbm4b:s22+s8] =	stream.strided.scatter [tilespmem:s4], [sflag:$0x2], $0x5000, s9, s8, $0x38;
	[tilespmem:$0xA200] =	vst v63  }
0x34f: {  	_ =	swait.ge [sflag:s6], $0x5000  }
0x350: {  	[sflag:s6] =	ssyncset.done $0x0  }
0x351: {  	s11 =	simm.s32 $0x0;
	[sflag:s6] =	ssyncadd.s32 $0xFFFFB000  }
0x352: {  	s13 =	simm.s32 $0x10;
	s12 =	simm.s32 $0x0;
	s14 =	simm.s32 $0x0;
	v3 =	vld [tilespmem:s11+$0x0]  }
.LBB2_70:
0x353: {  	p0 =	sne.s32 s13, $0x1F0;
	_ =	sdelay $0x2  }
0x354: {  	v4 =	vmov s12  }
0x355: {  	v4 =	vshll.u32 v4, $0x3;
	v5 =	vshll.u32 v3, $0x9  }
0x356: {  	v4 =	vand.u32 $0xC00, v4;
	v6 =	vshll.u32 v3, $0x7;
	v5 =	vand.u32 $0xFFFFF000, v5  }
0x357: {  	v7 =	vor.u32 s12, v0;
	s12 =	smov.u32 s13;
	v4 =	vor.u32 v4, v5;
	v5 =	vand.u32 $0x380, v6  }
0x358: {  	v3 =	vadd.s32 $0xFFFFFD80, v3;
	v6 =	vand.u32 $0x7F, v7;
	v4 =	vor.u32 v5, v4  }
0x359: {  	vm0 =	vlt.u32 v3, $0x28;
	v3 =	vor.u32 v6, v4  }
0x35a: {  	v3 =	vadd.s32 $0xFFFB0000, v3;
	_ =	sdelay $0x1  }
.Ltmp34:
0x35b: {  	(pc) =	sbr.rel @p0 .LBB2_70-.Ltmp34, $3  }
0x35c: {  	_ =	sdelay $0x1  }
0x35d: {  	s14 =	sadd.s32 $0x10, s14;
	[tilespmem:v3+s1+$0x0] =	vst.idx.msk vm0, v2  }
0x35e: {  	s13 =	sadd.s32 $0x10, s13;
	v3 =	vld [tilespmem:s14+$0x0]  }
0x35f: {  	_ =	sdelay $0x2  }
0x360: {  	v4 =	vmov s12  }
0x361: {  	v4 =	vshll.u32 v4, $0x3;
	v5 =	vshll.u32 v3, $0x9  }
0x362: {  	v4 =	vand.u32 $0xC00, v4;
	v6 =	vshll.u32 v3, $0x7;
	v5 =	vand.u32 $0xFFFFF000, v5  }
0x363: {  	v7 =	vor.u32 s12, v0;
	v4 =	vor.u32 v4, v5;
	v5 =	vand.u32 $0x380, v6  }
0x364: {  	v63 =	vand.u32 $0x7F, v7;
	v3 =	vadd.s32 $0xFFFFFD80, v3;
	v4 =	vor.u32 v5, v4  }
0x365: {  	vm0 =	vlt.u32 v3, $0x28;
	v3 =	vor.u32 v63, v4  }
0x366: {  	v3 =	vadd.s32 $0xFFFB0000, v3;
	_ =	sdelay $0x4  }
0x367: {  	[tilespmem:v3+s1+$0x0] =	vst.idx.msk vm0, v2  }
0x368: {  	s12 =	simm.s32 $0x10;
	s13 =	simm.s32 $0x0;
	v3 =	vld [tilespmem:s11+$0x0]  }
.LBB2_72:
0x369: {  	p0 =	sne.s32 s12, $0x1F0;
	_ =	sdelay $0x2  }
0x36a: {  	v4 =	vmov s11  }
0x36b: {  	v4 =	vshll.u32 v4, $0x3;
	v5 =	vshll.u32 v3, $0x9  }
0x36c: {  	v4 =	vand.u32 $0xC00, v4;
	v6 =	vshll.u32 v3, $0x7;
	v5 =	vand.u32 $0xFFFFF000, v5  }
0x36d: {  	v7 =	vor.u32 s11, v0;
	s11 =	smov.u32 s12;
	v4 =	vor.u32 v4, v5;
	v5 =	vand.u32 $0x380, v6  }
0x36e: {  	v3 =	vadd.s32 $0xFFFFFD30, v3;
	v6 =	vand.u32 $0x7F, v7;
	v4 =	vor.u32 v5, v4  }
0x36f: {  	vm0 =	vlt.u32 v3, $0x28;
	v3 =	vor.u32 v6, v4  }
0x370: {  	v3 =	vadd.s32 $0xFFFA6000, v3;
	_ =	sdelay $0x1  }
.Ltmp35:
0x371: {  	(pc) =	sbr.rel @p0 .LBB2_72-.Ltmp35, $3  }
0x372: {  	_ =	sdelay $0x1  }
0x373: {  	s13 =	sadd.s32 $0x10, s13;
	[tilespmem:v3+s1+$0x0] =	vst.idx.msk vm0, v1  }
0x374: {  	s12 =	sadd.s32 $0x10, s12;
	v3 =	vld [tilespmem:s13+$0x0]  }
0x375: {  	_ =	sdelay $0x2  }
0x376: {  	v4 =	vmov s11  }
0x377: {  	v4 =	vshll.u32 v4, $0x3;
	v5 =	vshll.u32 v3, $0x9  }
0x378: {  	v4 =	vand.u32 $0xC00, v4;
	v6 =	vshll.u32 v3, $0x7;
	v5 =	vand.u32 $0xFFFFF000, v5  }
0x379: {  	v7 =	vor.u32 s11, v0;
	v4 =	vor.u32 v4, v5;
	v5 =	vand.u32 $0x380, v6  }
0x37a: {  	v63 =	vand.u32 $0x7F, v7;
	v3 =	vadd.s32 $0xFFFFFD30, v3;
	v4 =	vor.u32 v5, v4  }
0x37b: {  	vm0 =	vlt.u32 v3, $0x28;
	v3 =	vor.u32 v63, v4  }
0x37c: {  	v3 =	vadd.s32 $0xFFFA6000, v3;
	_ =	sdelay $0x4  }
0x37d: {  	[tilespmem:v3+s1+$0x0] =	vst.idx.msk vm0, v1  }
0x37e: {  	[hbm4b:s23+s8] =	stream.strided.scatter [tilespmem:s1], [sflag:$0x1], $0x5000, s9, s8, $0x38;
	[tilespmem:$0xA200] =	vst v63  }
0x37f: {  	_ =	swait.ge [sflag:s7], $0x5000  }
0x380: {  	[sflag:s7] =	ssyncset.done $0x0  }
0x381: {  	s11 =	simm.s32 $0x0;
	[sflag:s7] =	ssyncadd.s32 $0xFFFFB000  }
0x382: {  	s13 =	simm.s32 $0x10;
	s12 =	simm.s32 $0x0;
	s14 =	simm.s32 $0x0;
	v3 =	vld [tilespmem:s11+$0x0]  }
.LBB2_74:
0x383: {  	p0 =	sne.s32 s13, $0x1F0;
	_ =	sdelay $0x2  }
0x384: {  	v4 =	vmov s12  }
0x385: {  	v4 =	vshll.u32 v4, $0x3;
	v5 =	vshll.u32 v3, $0x9  }
0x386: {  	v4 =	vand.u32 $0xC00, v4;
	v6 =	vshll.u32 v3, $0x7;
	v5 =	vand.u32 $0xFFFFF000, v5  }
0x387: {  	v7 =	vor.u32 s12, v0;
	s12 =	smov.u32 s13;
	v4 =	vor.u32 v4, v5;
	v5 =	vand.u32 $0x380, v6  }
0x388: {  	v3 =	vadd.s32 $0xFFFFFD58, v3;
	v6 =	vand.u32 $0x7F, v7;
	v4 =	vor.u32 v5, v4  }
0x389: {  	vm0 =	vlt.u32 v3, $0x28;
	v3 =	vor.u32 v6, v4  }
0x38a: {  	v3 =	vadd.s32 $0xFFFAB000, v3;
	_ =	sdelay $0x1  }
.Ltmp36:
0x38b: {  	(pc) =	sbr.rel @p0 .LBB2_74-.Ltmp36, $3  }
0x38c: {  	_ =	sdelay $0x1  }
0x38d: {  	s14 =	sadd.s32 $0x10, s14;
	[tilespmem:v3+s4+$0x0] =	vst.idx.msk vm0, v2  }
0x38e: {  	s13 =	sadd.s32 $0x10, s13;
	v3 =	vld [tilespmem:s14+$0x0]  }
0x38f: {  	_ =	sdelay $0x2  }
0x390: {  	v4 =	vmov s12  }
0x391: {  	v4 =	vshll.u32 v4, $0x3;
	v5 =	vshll.u32 v3, $0x9  }
0x392: {  	v4 =	vand.u32 $0xC00, v4;
	v6 =	vshll.u32 v3, $0x7;
	v5 =	vand.u32 $0xFFFFF000, v5  }
0x393: {  	v7 =	vor.u32 s12, v0;
	v4 =	vor.u32 v4, v5;
	v5 =	vand.u32 $0x380, v6  }
0x394: {  	v63 =	vand.u32 $0x7F, v7;
	v3 =	vadd.s32 $0xFFFFFD58, v3;
	v4 =	vor.u32 v5, v4  }
0x395: {  	vm0 =	vlt.u32 v3, $0x28;
	v3 =	vor.u32 v63, v4  }
0x396: {  	v3 =	vadd.s32 $0xFFFAB000, v3;
	_ =	sdelay $0x4  }
0x397: {  	[tilespmem:v3+s4+$0x0] =	vst.idx.msk vm0, v2  }
0x398: {  	s12 =	simm.s32 $0x10;
	s13 =	simm.s32 $0x0;
	v3 =	vld [tilespmem:s11+$0x0]  }
.LBB2_76:
0x399: {  	p0 =	sne.s32 s12, $0x1F0;
	_ =	sdelay $0x2  }
0x39a: {  	v4 =	vmov s11  }
0x39b: {  	v4 =	vshll.u32 v4, $0x3;
	v5 =	vshll.u32 v3, $0x9  }
0x39c: {  	v4 =	vand.u32 $0xC00, v4;
	v6 =	vshll.u32 v3, $0x7;
	v5 =	vand.u32 $0xFFFFF000, v5  }
0x39d: {  	v7 =	vor.u32 s11, v0;
	s11 =	smov.u32 s12;
	v4 =	vor.u32 v4, v5;
	v5 =	vand.u32 $0x380, v6  }
0x39e: {  	v3 =	vadd.s32 $0xFFFFFD08, v3;
	v6 =	vand.u32 $0x7F, v7;
	v4 =	vor.u32 v5, v4  }
0x39f: {  	vm0 =	vlt.u32 v3, $0x28;
	v3 =	vor.u32 v6, v4  }
0x3a0: {  	v3 =	vadd.s32 $0xFFFA1000, v3;
	_ =	sdelay $0x1  }
.Ltmp37:
0x3a1: {  	(pc) =	sbr.rel @p0 .LBB2_76-.Ltmp37, $3  }
0x3a2: {  	_ =	sdelay $0x1  }
0x3a3: {  	s13 =	sadd.s32 $0x10, s13;
	[tilespmem:v3+s4+$0x0] =	vst.idx.msk vm0, v1  }
0x3a4: {  	s12 =	sadd.s32 $0x10, s12;
	v3 =	vld [tilespmem:s13+$0x0]  }
0x3a5: {  	_ =	sdelay $0x2  }
0x3a6: {  	v4 =	vmov s11  }
0x3a7: {  	v4 =	vshll.u32 v4, $0x3;
	v5 =	vshll.u32 v3, $0x9  }
0x3a8: {  	v4 =	vand.u32 $0xC00, v4;
	v6 =	vshll.u32 v3, $0x7;
	v5 =	vand.u32 $0xFFFFF000, v5  }
0x3a9: {  	v7 =	vor.u32 s11, v0;
	v4 =	vor.u32 v4, v5;
	v5 =	vand.u32 $0x380, v6  }
0x3aa: {  	v63 =	vand.u32 $0x7F, v7;
	v3 =	vadd.s32 $0xFFFFFD08, v3;
	v4 =	vor.u32 v5, v4  }
0x3ab: {  	vm0 =	vlt.u32 v3, $0x28;
	v3 =	vor.u32 v63, v4  }
0x3ac: {  	v3 =	vadd.s32 $0xFFFA1000, v3;
	_ =	sdelay $0x4  }
0x3ad: {  	[tilespmem:v3+s4+$0x0] =	vst.idx.msk vm0, v1  }
0x3ae: {  	[hbm4b:s24+s8] =	stream.strided.scatter [tilespmem:s4], [sflag:$0x2], $0x5000, s9, s8, $0x38;
	[tilespmem:$0xA200] =	vst v63  }
0x3af: {  	_ =	swait.ge [sflag:s6], $0x5000  }
0x3b0: {  	[sflag:s6] =	ssyncset.done $0x0  }
0x3b1: {  	s11 =	simm.s32 $0x0;
	[sflag:s6] =	ssyncadd.s32 $0xFFFFB000  }
0x3b2: {  	s13 =	simm.s32 $0x10;
	s12 =	simm.s32 $0x0;
	s14 =	simm.s32 $0x0;
	v3 =	vld [tilespmem:s11+$0x0]  }
.LBB2_78:
0x3b3: {  	p0 =	sne.s32 s13, $0x1F0;
	_ =	sdelay $0x2  }
0x3b4: {  	v4 =	vmov s12  }
0x3b5: {  	v4 =	vshll.u32 v4, $0x3;
	v5 =	vshll.u32 v3, $0x9  }
0x3b6: {  	v4 =	vand.u32 $0xC00, v4;
	v6 =	vshll.u32 v3, $0x7;
	v5 =	vand.u32 $0xFFFFF000, v5  }
0x3b7: {  	v7 =	vor.u32 s12, v0;
	s12 =	smov.u32 s13;
	v4 =	vor.u32 v4, v5;
	v5 =	vand.u32 $0x380, v6  }
0x3b8: {  	v3 =	vadd.s32 $0xFFFFFD30, v3;
	v6 =	vand.u32 $0x7F, v7;
	v4 =	vor.u32 v5, v4  }
0x3b9: {  	vm0 =	vlt.u32 v3, $0x28;
	v3 =	vor.u32 v6, v4  }
0x3ba: {  	v3 =	vadd.s32 $0xFFFA6000, v3;
	_ =	sdelay $0x1  }
.Ltmp38:
0x3bb: {  	(pc) =	sbr.rel @p0 .LBB2_78-.Ltmp38, $3  }
0x3bc: {  	_ =	sdelay $0x1  }
0x3bd: {  	s14 =	sadd.s32 $0x10, s14;
	[tilespmem:v3+s1+$0x0] =	vst.idx.msk vm0, v2  }
0x3be: {  	s13 =	sadd.s32 $0x10, s13;
	v3 =	vld [tilespmem:s14+$0x0]  }
0x3bf: {  	_ =	sdelay $0x2  }
0x3c0: {  	v4 =	vmov s12  }
0x3c1: {  	v4 =	vshll.u32 v4, $0x3;
	v5 =	vshll.u32 v3, $0x9  }
0x3c2: {  	v4 =	vand.u32 $0xC00, v4;
	v6 =	vshll.u32 v3, $0x7;
	v5 =	vand.u32 $0xFFFFF000, v5  }
0x3c3: {  	v7 =	vor.u32 s12, v0;
	v4 =	vor.u32 v4, v5;
	v5 =	vand.u32 $0x380, v6  }
0x3c4: {  	v63 =	vand.u32 $0x7F, v7;
	v3 =	vadd.s32 $0xFFFFFD30, v3;
	v4 =	vor.u32 v5, v4  }
0x3c5: {  	vm0 =	vlt.u32 v3, $0x28;
	v3 =	vor.u32 v63, v4  }
0x3c6: {  	v3 =	vadd.s32 $0xFFFA6000, v3;
	_ =	sdelay $0x4  }
0x3c7: {  	[tilespmem:v3+s1+$0x0] =	vst.idx.msk vm0, v2  }
0x3c8: {  	s12 =	simm.s32 $0x10;
	s13 =	simm.s32 $0x0;
	v3 =	vld [tilespmem:s11+$0x0]  }
.LBB2_80:
0x3c9: {  	p0 =	sne.s32 s12, $0x1F0;
	_ =	sdelay $0x2  }
0x3ca: {  	v4 =	vmov s11  }
0x3cb: {  	v4 =	vshll.u32 v4, $0x3;
	v5 =	vshll.u32 v3, $0x9  }
0x3cc: {  	v4 =	vand.u32 $0xC00, v4;
	v6 =	vshll.u32 v3, $0x7;
	v5 =	vand.u32 $0xFFFFF000, v5  }
0x3cd: {  	v7 =	vor.u32 s11, v0;
	s11 =	smov.u32 s12;
	v4 =	vor.u32 v4, v5;
	v5 =	vand.u32 $0x380, v6  }
0x3ce: {  	v3 =	vadd.s32 $0xFFFFFCE0, v3;
	v6 =	vand.u32 $0x7F, v7;
	v4 =	vor.u32 v5, v4  }
0x3cf: {  	vm0 =	vlt.u32 v3, $0x28;
	v3 =	vor.u32 v6, v4  }
0x3d0: {  	v3 =	vadd.s32 $0xFFF9C000, v3;
	_ =	sdelay $0x1  }
.Ltmp39:
0x3d1: {  	(pc) =	sbr.rel @p0 .LBB2_80-.Ltmp39, $3  }
0x3d2: {  	_ =	sdelay $0x1  }
0x3d3: {  	s13 =	sadd.s32 $0x10, s13;
	[tilespmem:v3+s1+$0x0] =	vst.idx.msk vm0, v1  }
0x3d4: {  	s12 =	sadd.s32 $0x10, s12;
	v3 =	vld [tilespmem:s13+$0x0]  }
0x3d5: {  	_ =	sdelay $0x2  }
0x3d6: {  	v4 =	vmov s11  }
0x3d7: {  	v4 =	vshll.u32 v4, $0x3;
	v5 =	vshll.u32 v3, $0x9  }
0x3d8: {  	v4 =	vand.u32 $0xC00, v4;
	v6 =	vshll.u32 v3, $0x7;
	v5 =	vand.u32 $0xFFFFF000, v5  }
0x3d9: {  	v7 =	vor.u32 s11, v0;
	v4 =	vor.u32 v4, v5;
	v5 =	vand.u32 $0x380, v6  }
0x3da: {  	v63 =	vand.u32 $0x7F, v7;
	v3 =	vadd.s32 $0xFFFFFCE0, v3;
	v4 =	vor.u32 v5, v4  }
0x3db: {  	vm0 =	vlt.u32 v3, $0x28;
	v3 =	vor.u32 v63, v4  }
0x3dc: {  	v3 =	vadd.s32 $0xFFF9C000, v3;
	_ =	sdelay $0x4  }
0x3dd: {  	[tilespmem:v3+s1+$0x0] =	vst.idx.msk vm0, v1  }
0x3de: {  	[hbm4b:s26+s8] =	stream.strided.scatter [tilespmem:s1], [sflag:$0x1], $0x5000, s9, s8, $0x38;
	[tilespmem:$0xA200] =	vst v63  }
0x3df: {  	_ =	swait.ge [sflag:s7], $0x5000  }
0x3e0: {  	[sflag:s7] =	ssyncset.done $0x0  }
0x3e1: {  	s11 =	simm.s32 $0x0;
	[sflag:s7] =	ssyncadd.s32 $0xFFFFB000  }
0x3e2: {  	s13 =	simm.s32 $0x10;
	s12 =	simm.s32 $0x0;
	s14 =	simm.s32 $0x0;
	v3 =	vld [tilespmem:s11+$0x0]  }
.LBB2_82:
0x3e3: {  	p0 =	sne.s32 s13, $0x1F0;
	_ =	sdelay $0x2  }
0x3e4: {  	v4 =	vmov s12  }
0x3e5: {  	v4 =	vshll.u32 v4, $0x3;
	v5 =	vshll.u32 v3, $0x9  }
0x3e6: {  	v4 =	vand.u32 $0xC00, v4;
	v6 =	vshll.u32 v3, $0x7;
	v5 =	vand.u32 $0xFFFFF000, v5  }
0x3e7: {  	v7 =	vor.u32 s12, v0;
	s12 =	smov.u32 s13;
	v4 =	vor.u32 v4, v5;
	v5 =	vand.u32 $0x380, v6  }
0x3e8: {  	v3 =	vadd.s32 $0xFFFFFD08, v3;
	v6 =	vand.u32 $0x7F, v7;
	v4 =	vor.u32 v5, v4  }
0x3e9: {  	vm0 =	vlt.u32 v3, $0x28;
	v3 =	vor.u32 v6, v4  }
0x3ea: {  	v3 =	vadd.s32 $0xFFFA1000, v3;
	_ =	sdelay $0x1  }
.Ltmp40:
0x3eb: {  	(pc) =	sbr.rel @p0 .LBB2_82-.Ltmp40, $3  }
0x3ec: {  	_ =	sdelay $0x1  }
0x3ed: {  	s14 =	sadd.s32 $0x10, s14;
	[tilespmem:v3+s4+$0x0] =	vst.idx.msk vm0, v2  }
0x3ee: {  	s13 =	sadd.s32 $0x10, s13;
	v3 =	vld [tilespmem:s14+$0x0]  }
0x3ef: {  	_ =	sdelay $0x2  }
0x3f0: {  	v4 =	vmov s12  }
0x3f1: {  	v4 =	vshll.u32 v4, $0x3;
	v5 =	vshll.u32 v3, $0x9  }
0x3f2: {  	v4 =	vand.u32 $0xC00, v4;
	v6 =	vshll.u32 v3, $0x7;
	v5 =	vand.u32 $0xFFFFF000, v5  }
0x3f3: {  	v7 =	vor.u32 s12, v0;
	v4 =	vor.u32 v4, v5;
	v5 =	vand.u32 $0x380, v6  }
0x3f4: {  	v63 =	vand.u32 $0x7F, v7;
	v3 =	vadd.s32 $0xFFFFFD08, v3;
	v4 =	vor.u32 v5, v4  }
0x3f5: {  	vm0 =	vlt.u32 v3, $0x28;
	v3 =	vor.u32 v63, v4  }
0x3f6: {  	v3 =	vadd.s32 $0xFFFA1000, v3;
	_ =	sdelay $0x4  }
0x3f7: {  	[tilespmem:v3+s4+$0x0] =	vst.idx.msk vm0, v2  }
0x3f8: {  	s12 =	simm.s32 $0x10;
	s13 =	simm.s32 $0x0;
	v3 =	vld [tilespmem:s11+$0x0]  }
.LBB2_84:
0x3f9: {  	p0 =	sne.s32 s12, $0x1F0;
	_ =	sdelay $0x2  }
0x3fa: {  	v4 =	vmov s11  }
0x3fb: {  	v4 =	vshll.u32 v4, $0x3;
	v5 =	vshll.u32 v3, $0x9  }
0x3fc: {  	v4 =	vand.u32 $0xC00, v4;
	v6 =	vshll.u32 v3, $0x7;
	v5 =	vand.u32 $0xFFFFF000, v5  }
0x3fd: {  	v7 =	vor.u32 s11, v0;
	s11 =	smov.u32 s12;
	v4 =	vor.u32 v4, v5;
	v5 =	vand.u32 $0x380, v6  }
0x3fe: {  	v3 =	vadd.s32 $0xFFFFFCB8, v3;
	v6 =	vand.u32 $0x7F, v7;
	v4 =	vor.u32 v5, v4  }
0x3ff: {  	vm0 =	vlt.u32 v3, $0x28;
	v3 =	vor.u32 v6, v4  }
0x400: {  	v3 =	vadd.s32 $0xFFF97000, v3;
	_ =	sdelay $0x1  }
.Ltmp41:
0x401: {  	(pc) =	sbr.rel @p0 .LBB2_84-.Ltmp41, $3  }
0x402: {  	_ =	sdelay $0x1  }
0x403: {  	s13 =	sadd.s32 $0x10, s13;
	[tilespmem:v3+s4+$0x0] =	vst.idx.msk vm0, v1  }
0x404: {  	s12 =	sadd.s32 $0x10, s12;
	v3 =	vld [tilespmem:s13+$0x0]  }
0x405: {  	_ =	sdelay $0x2  }
0x406: {  	v4 =	vmov s11  }
0x407: {  	v4 =	vshll.u32 v4, $0x3;
	v5 =	vshll.u32 v3, $0x9  }
0x408: {  	v4 =	vand.u32 $0xC00, v4;
	v6 =	vshll.u32 v3, $0x7;
	v5 =	vand.u32 $0xFFFFF000, v5  }
0x409: {  	v7 =	vor.u32 s11, v0;
	v4 =	vor.u32 v4, v5;
	v5 =	vand.u32 $0x380, v6  }
0x40a: {  	v63 =	vand.u32 $0x7F, v7;
	v3 =	vadd.s32 $0xFFFFFCB8, v3;
	v4 =	vor.u32 v5, v4  }
0x40b: {  	vm0 =	vlt.u32 v3, $0x28;
	v3 =	vor.u32 v63, v4  }
0x40c: {  	v3 =	vadd.s32 $0xFFF97000, v3;
	_ =	sdelay $0x4  }
0x40d: {  	[tilespmem:v3+s4+$0x0] =	vst.idx.msk vm0, v1  }
0x40e: {  	[hbm4b:s28+s8] =	stream.strided.scatter [tilespmem:s4], [sflag:$0x2], $0x5000, s9, s8, $0x38;
	[tilespmem:$0xA200] =	vst v63  }
0x40f: {  	_ =	swait.ge [sflag:s6], $0x5000  }
0x410: {  	[sflag:s6] =	ssyncset.done $0x0  }
0x411: {  	s11 =	simm.s32 $0x0;
	[sflag:s6] =	ssyncadd.s32 $0xFFFFB000  }
0x412: {  	s13 =	simm.s32 $0x10;
	s12 =	simm.s32 $0x0;
	s14 =	simm.s32 $0x0;
	v3 =	vld [tilespmem:s11+$0x0]  }
.LBB2_86:
0x413: {  	p0 =	sne.s32 s13, $0x1F0;
	_ =	sdelay $0x2  }
0x414: {  	v4 =	vmov s12  }
0x415: {  	v4 =	vshll.u32 v4, $0x3;
	v5 =	vshll.u32 v3, $0x9  }
0x416: {  	v4 =	vand.u32 $0xC00, v4;
	v6 =	vshll.u32 v3, $0x7;
	v5 =	vand.u32 $0xFFFFF000, v5  }
0x417: {  	v7 =	vor.u32 s12, v0;
	s12 =	smov.u32 s13;
	v4 =	vor.u32 v4, v5;
	v5 =	vand.u32 $0x380, v6  }
0x418: {  	v3 =	vadd.s32 $0xFFFFFCE0, v3;
	v6 =	vand.u32 $0x7F, v7;
	v4 =	vor.u32 v5, v4  }
0x419: {  	vm0 =	vlt.u32 v3, $0x28;
	v3 =	vor.u32 v6, v4  }
0x41a: {  	v3 =	vadd.s32 $0xFFF9C000, v3;
	_ =	sdelay $0x1  }
.Ltmp42:
0x41b: {  	(pc) =	sbr.rel @p0 .LBB2_86-.Ltmp42, $3  }
0x41c: {  	_ =	sdelay $0x1  }
0x41d: {  	s14 =	sadd.s32 $0x10, s14;
	[tilespmem:v3+s1+$0x0] =	vst.idx.msk vm0, v2  }
0x41e: {  	s13 =	sadd.s32 $0x10, s13;
	v3 =	vld [tilespmem:s14+$0x0]  }
0x41f: {  	_ =	sdelay $0x2  }
0x420: {  	v4 =	vmov s12  }
0x421: {  	v4 =	vshll.u32 v4, $0x3;
	v5 =	vshll.u32 v3, $0x9  }
0x422: {  	v4 =	vand.u32 $0xC00, v4;
	v6 =	vshll.u32 v3, $0x7;
	v5 =	vand.u32 $0xFFFFF000, v5  }
0x423: {  	v7 =	vor.u32 s12, v0;
	v4 =	vor.u32 v4, v5;
	v5 =	vand.u32 $0x380, v6  }
0x424: {  	v63 =	vand.u32 $0x7F, v7;
	v3 =	vadd.s32 $0xFFFFFCE0, v3;
	v4 =	vor.u32 v5, v4  }
0x425: {  	vm0 =	vlt.u32 v3, $0x28;
	v3 =	vor.u32 v63, v4  }
0x426: {  	v3 =	vadd.s32 $0xFFF9C000, v3;
	_ =	sdelay $0x4  }
0x427: {  	[tilespmem:v3+s1+$0x0] =	vst.idx.msk vm0, v2  }
0x428: {  	s12 =	simm.s32 $0x10;
	s13 =	simm.s32 $0x0;
	v3 =	vld [tilespmem:s11+$0x0]  }
.LBB2_88:
0x429: {  	p0 =	sne.s32 s12, $0x1F0;
	_ =	sdelay $0x2  }
0x42a: {  	v4 =	vmov s11  }
0x42b: {  	v4 =	vshll.u32 v4, $0x3;
	v5 =	vshll.u32 v3, $0x9  }
0x42c: {  	v4 =	vand.u32 $0xC00, v4;
	v6 =	vshll.u32 v3, $0x7;
	v5 =	vand.u32 $0xFFFFF000, v5  }
0x42d: {  	v7 =	vor.u32 s11, v0;
	s11 =	smov.u32 s12;
	v4 =	vor.u32 v4, v5;
	v5 =	vand.u32 $0x380, v6  }
0x42e: {  	v3 =	vadd.s32 $0xFFFFFC90, v3;
	v6 =	vand.u32 $0x7F, v7;
	v4 =	vor.u32 v5, v4  }
0x42f: {  	vm0 =	vlt.u32 v3, $0x28;
	v3 =	vor.u32 v6, v4  }
0x430: {  	v3 =	vadd.s32 $0xFFF92000, v3;
	_ =	sdelay $0x1  }
.Ltmp43:
0x431: {  	(pc) =	sbr.rel @p0 .LBB2_88-.Ltmp43, $3  }
0x432: {  	_ =	sdelay $0x1  }
0x433: {  	s13 =	sadd.s32 $0x10, s13;
	[tilespmem:v3+s1+$0x0] =	vst.idx.msk vm0, v1  }
0x434: {  	s12 =	sadd.s32 $0x10, s12;
	v3 =	vld [tilespmem:s13+$0x0]  }
0x435: {  	_ =	sdelay $0x2  }
0x436: {  	v4 =	vmov s11  }
0x437: {  	v4 =	vshll.u32 v4, $0x3;
	v5 =	vshll.u32 v3, $0x9  }
0x438: {  	v4 =	vand.u32 $0xC00, v4;
	v6 =	vshll.u32 v3, $0x7;
	v5 =	vand.u32 $0xFFFFF000, v5  }
0x439: {  	v7 =	vor.u32 s11, v0;
	v4 =	vor.u32 v4, v5;
	v5 =	vand.u32 $0x380, v6  }
0x43a: {  	v63 =	vand.u32 $0x7F, v7;
	v3 =	vadd.s32 $0xFFFFFC90, v3;
	v4 =	vor.u32 v5, v4  }
0x43b: {  	vm0 =	vlt.u32 v3, $0x28;
	v3 =	vor.u32 v63, v4  }
0x43c: {  	v3 =	vadd.s32 $0xFFF92000, v3;
	_ =	sdelay $0x4  }
0x43d: {  	[tilespmem:v3+s1+$0x0] =	vst.idx.msk vm0, v1  }
0x43e: {  	[hbm4b:s29+s8] =	stream.strided.scatter [tilespmem:s1], [sflag:$0x1], $0x5000, s9, s8, $0x38;
	[tilespmem:$0xA200] =	vst v63  }
0x43f: {  	_ =	swait.ge [sflag:s7], $0x5000  }
0x440: {  	[sflag:s7] =	ssyncset.done $0x0  }
0x441: {  	s11 =	simm.s32 $0x0;
	[sflag:s7] =	ssyncadd.s32 $0xFFFFB000  }
0x442: {  	s13 =	simm.s32 $0x10;
	s12 =	simm.s32 $0x0;
	s14 =	simm.s32 $0x0;
	v3 =	vld [tilespmem:s11+$0x0]  }
.LBB2_90:
0x443: {  	p0 =	sne.s32 s13, $0x1F0;
	_ =	sdelay $0x2  }
0x444: {  	v4 =	vmov s12  }
0x445: {  	v4 =	vshll.u32 v4, $0x3;
	v5 =	vshll.u32 v3, $0x9  }
0x446: {  	v4 =	vand.u32 $0xC00, v4;
	v6 =	vshll.u32 v3, $0x7;
	v5 =	vand.u32 $0xFFFFF000, v5  }
0x447: {  	v7 =	vor.u32 s12, v0;
	s12 =	smov.u32 s13;
	v4 =	vor.u32 v4, v5;
	v5 =	vand.u32 $0x380, v6  }
0x448: {  	v3 =	vadd.s32 $0xFFFFFCB8, v3;
	v6 =	vand.u32 $0x7F, v7;
	v4 =	vor.u32 v5, v4  }
0x449: {  	vm0 =	vlt.u32 v3, $0x28;
	v3 =	vor.u32 v6, v4  }
0x44a: {  	v3 =	vadd.s32 $0xFFF97000, v3;
	_ =	sdelay $0x1  }
.Ltmp44:
0x44b: {  	(pc) =	sbr.rel @p0 .LBB2_90-.Ltmp44, $3  }
0x44c: {  	_ =	sdelay $0x1  }
0x44d: {  	s14 =	sadd.s32 $0x10, s14;
	[tilespmem:v3+s4+$0x0] =	vst.idx.msk vm0, v2  }
0x44e: {  	s13 =	sadd.s32 $0x10, s13;
	v3 =	vld [tilespmem:s14+$0x0]  }
0x44f: {  	_ =	sdelay $0x2  }
0x450: {  	v4 =	vmov s12  }
0x451: {  	v4 =	vshll.u32 v4, $0x3;
	v5 =	vshll.u32 v3, $0x9  }
0x452: {  	v4 =	vand.u32 $0xC00, v4;
	v6 =	vshll.u32 v3, $0x7;
	v5 =	vand.u32 $0xFFFFF000, v5  }
0x453: {  	v7 =	vor.u32 s12, v0;
	v4 =	vor.u32 v4, v5;
	v5 =	vand.u32 $0x380, v6  }
0x454: {  	v63 =	vand.u32 $0x7F, v7;
	v3 =	vadd.s32 $0xFFFFFCB8, v3;
	v4 =	vor.u32 v5, v4  }
0x455: {  	vm0 =	vlt.u32 v3, $0x28;
	v3 =	vor.u32 v63, v4  }
0x456: {  	v3 =	vadd.s32 $0xFFF97000, v3;
	_ =	sdelay $0x4  }
0x457: {  	[tilespmem:v3+s4+$0x0] =	vst.idx.msk vm0, v2  }
0x458: {  	s12 =	simm.s32 $0x10;
	s13 =	simm.s32 $0x0;
	v3 =	vld [tilespmem:s11+$0x0]  }
.LBB2_92:
0x459: {  	p0 =	sne.s32 s12, $0x1F0;
	_ =	sdelay $0x2  }
0x45a: {  	v4 =	vmov s11  }
0x45b: {  	v4 =	vshll.u32 v4, $0x3;
	v5 =	vshll.u32 v3, $0x9  }
0x45c: {  	v4 =	vand.u32 $0xC00, v4;
	v6 =	vshll.u32 v3, $0x7;
	v5 =	vand.u32 $0xFFFFF000, v5  }
0x45d: {  	v7 =	vor.u32 s11, v0;
	s11 =	smov.u32 s12;
	v4 =	vor.u32 v4, v5;
	v5 =	vand.u32 $0x380, v6  }
0x45e: {  	v3 =	vadd.s32 $0xFFFFFC68, v3;
	v6 =	vand.u32 $0x7F, v7;
	v4 =	vor.u32 v5, v4  }
0x45f: {  	vm0 =	vlt.u32 v3, $0x28;
	v3 =	vor.u32 v6, v4  }
0x460: {  	v3 =	vadd.s32 $0xFFF8D000, v3;
	_ =	sdelay $0x1  }
.Ltmp45:
0x461: {  	(pc) =	sbr.rel @p0 .LBB2_92-.Ltmp45, $3  }
0x462: {  	_ =	sdelay $0x1  }
0x463: {  	s13 =	sadd.s32 $0x10, s13;
	[tilespmem:v3+s4+$0x0] =	vst.idx.msk vm0, v1  }
0x464: {  	s12 =	sadd.s32 $0x10, s12;
	v3 =	vld [tilespmem:s13+$0x0]  }
0x465: {  	_ =	sdelay $0x2  }
0x466: {  	v4 =	vmov s11  }
0x467: {  	v4 =	vshll.u32 v4, $0x3;
	v5 =	vshll.u32 v3, $0x9  }
0x468: {  	v4 =	vand.u32 $0xC00, v4;
	v6 =	vshll.u32 v3, $0x7;
	v5 =	vand.u32 $0xFFFFF000, v5  }
0x469: {  	v7 =	vor.u32 s11, v0;
	v4 =	vor.u32 v4, v5;
	v5 =	vand.u32 $0x380, v6  }
0x46a: {  	v63 =	vand.u32 $0x7F, v7;
	v3 =	vadd.s32 $0xFFFFFC68, v3;
	v4 =	vor.u32 v5, v4  }
0x46b: {  	vm0 =	vlt.u32 v3, $0x28;
	v3 =	vor.u32 v63, v4  }
0x46c: {  	v3 =	vadd.s32 $0xFFF8D000, v3;
	_ =	sdelay $0x4  }
0x46d: {  	[tilespmem:v3+s4+$0x0] =	vst.idx.msk vm0, v1  }
0x46e: {  	[hbm4b:s30+s8] =	stream.strided.scatter [tilespmem:s4], [sflag:$0x2], $0x5000, s9, s8, $0x38;
	[tilespmem:$0xA200] =	vst v63  }
0x46f: {  	_ =	swait.ge [sflag:s6], $0x5000  }
0x470: {  	[sflag:s6] =	ssyncset.done $0x0  }
0x471: {  	s11 =	simm.s32 $0x0;
	[sflag:s6] =	ssyncadd.s32 $0xFFFFB000  }
0x472: {  	s13 =	simm.s32 $0x10;
	s12 =	simm.s32 $0x0;
	s14 =	simm.s32 $0x0;
	v3 =	vld [tilespmem:s11+$0x0]  }
.LBB2_94:
0x473: {  	p0 =	sne.s32 s13, $0x1F0;
	_ =	sdelay $0x2  }
0x474: {  	v4 =	vmov s12  }
0x475: {  	v4 =	vshll.u32 v4, $0x3;
	v5 =	vshll.u32 v3, $0x9  }
0x476: {  	v4 =	vand.u32 $0xC00, v4;
	v6 =	vshll.u32 v3, $0x7;
	v5 =	vand.u32 $0xFFFFF000, v5  }
0x477: {  	v7 =	vor.u32 s12, v0;
	s12 =	smov.u32 s13;
	v4 =	vor.u32 v4, v5;
	v5 =	vand.u32 $0x380, v6  }
0x478: {  	v3 =	vadd.s32 $0xFFFFFC90, v3;
	v6 =	vand.u32 $0x7F, v7;
	v4 =	vor.u32 v5, v4  }
0x479: {  	vm0 =	vlt.u32 v3, $0x28;
	v3 =	vor.u32 v6, v4  }
0x47a: {  	v3 =	vadd.s32 $0xFFF92000, v3;
	_ =	sdelay $0x1  }
.Ltmp46:
0x47b: {  	(pc) =	sbr.rel @p0 .LBB2_94-.Ltmp46, $3  }
0x47c: {  	_ =	sdelay $0x1  }
0x47d: {  	s14 =	sadd.s32 $0x10, s14;
	[tilespmem:v3+s1+$0x0] =	vst.idx.msk vm0, v2  }
0x47e: {  	s13 =	sadd.s32 $0x10, s13;
	v3 =	vld [tilespmem:s14+$0x0]  }
0x47f: {  	_ =	sdelay $0x2  }
0x480: {  	v4 =	vmov s12  }
0x481: {  	v4 =	vshll.u32 v4, $0x3;
	v5 =	vshll.u32 v3, $0x9  }
0x482: {  	v4 =	vand.u32 $0xC00, v4;
	v6 =	vshll.u32 v3, $0x7;
	v5 =	vand.u32 $0xFFFFF000, v5  }
0x483: {  	v7 =	vor.u32 s12, v0;
	v4 =	vor.u32 v4, v5;
	v5 =	vand.u32 $0x380, v6  }
0x484: {  	v63 =	vand.u32 $0x7F, v7;
	v3 =	vadd.s32 $0xFFFFFC90, v3;
	v4 =	vor.u32 v5, v4  }
0x485: {  	vm0 =	vlt.u32 v3, $0x28;
	v3 =	vor.u32 v63, v4  }
0x486: {  	v3 =	vadd.s32 $0xFFF92000, v3;
	_ =	sdelay $0x4  }
0x487: {  	[tilespmem:v3+s1+$0x0] =	vst.idx.msk vm0, v2  }
0x488: {  	s12 =	simm.s32 $0x10;
	s13 =	simm.s32 $0x0;
	v3 =	vld [tilespmem:s11+$0x0]  }
.LBB2_96:
0x489: {  	p0 =	sne.s32 s12, $0x1F0;
	_ =	sdelay $0x2  }
0x48a: {  	v4 =	vmov s11  }
0x48b: {  	v4 =	vshll.u32 v4, $0x3;
	v5 =	vshll.u32 v3, $0x9  }
0x48c: {  	v4 =	vand.u32 $0xC00, v4;
	v6 =	vshll.u32 v3, $0x7;
	v5 =	vand.u32 $0xFFFFF000, v5  }
0x48d: {  	v7 =	vor.u32 s11, v0;
	s11 =	smov.u32 s12;
	v4 =	vor.u32 v4, v5;
	v5 =	vand.u32 $0x380, v6  }
0x48e: {  	v3 =	vadd.s32 $0xFFFFFC40, v3;
	v6 =	vand.u32 $0x7F, v7;
	v4 =	vor.u32 v5, v4  }
0x48f: {  	vm0 =	vlt.u32 v3, $0x28;
	v3 =	vor.u32 v6, v4  }
0x490: {  	v3 =	vadd.s32 $0xFFF88000, v3;
	_ =	sdelay $0x1  }
.Ltmp47:
0x491: {  	(pc) =	sbr.rel @p0 .LBB2_96-.Ltmp47, $3  }
0x492: {  	_ =	sdelay $0x1  }
0x493: {  	s13 =	sadd.s32 $0x10, s13;
	[tilespmem:v3+s1+$0x0] =	vst.idx.msk vm0, v1  }
0x494: {  	s12 =	sadd.s32 $0x10, s12;
	v3 =	vld [tilespmem:s13+$0x0]  }
0x495: {  	_ =	sdelay $0x2  }
0x496: {  	v4 =	vmov s11  }
0x497: {  	v4 =	vshll.u32 v4, $0x3;
	v5 =	vshll.u32 v3, $0x9  }
0x498: {  	v4 =	vand.u32 $0xC00, v4;
	v6 =	vshll.u32 v3, $0x7;
	v5 =	vand.u32 $0xFFFFF000, v5  }
0x499: {  	v7 =	vor.u32 s11, v0;
	v62 =	vand.u32 $0x380, v6;
	v4 =	vor.u32 v4, v5  }
0x49a: {  	v63 =	vand.u32 $0x7F, v7;
	v3 =	vadd.s32 $0xFFFFFC40, v3;
	v4 =	vor.u32 v62, v4  }
0x49b: {  	vm0 =	vlt.u32 v3, $0x28;
	v3 =	vor.u32 v63, v4  }
0x49c: {  	v3 =	vadd.s32 $0xFFF88000, v3;
	_ =	sdelay $0x4  }
0x49d: {  	s10 =	sadd.s32 $0x1, s10;
	[tilespmem:v3+s1+$0x0] =	vst.idx.msk vm0, v1  }
0x49e: {  	[hbm4b:s31+s8] =	stream.strided.scatter [tilespmem:s1], [sflag:$0x1], $0x5000, s9, s8, $0x38;
	[tilespmem:$0xA200] =	vst v63  }
0x49f: {  	p0 =	sne.s32 s10, s25;
	_ =	swait.ge [sflag:s6], $0x5000  }
.Ltmp48:
0x4a0: {  	[sflag:s6] =	ssyncset.done $0x0;
	(pc) =	sbr.rel @p0 .LBB2_1-.Ltmp48, $4  }
0x4a1: {  	[sflag:s6] =	ssyncadd.s32 $0xFFFFB000  }
0x4a2: {  	_ =	swait.ge [sflag:s7], $0x5000  }
0x4a3: {  	[sflag:s7] =	ssyncset.done $0x0  }
0x4a4: {  	[sflag:s7] =	ssyncadd.s32 $0xFFFFB000  }
0x4a5: {  	_ =	sfence.sel $0x180000  }
0x4a6: {  	[bflag:$0x0] =	sbarrier.arrive $0xFFFF  }
0x4a7: {  	_ =	strace $0x90000047  }
0x4a8: {  	s0 =	stileid.u32;
	[bflag:$0x2] =	sbarrier.arrive $0xFFFF  }
0x4a9: {  	p0 =	sne.s32 s0, $0x0;
	s0 =	rddreg [dreg:$0x3]  }
0x4aa: {  	s0 =	sadd.s32 @!p0 $0x100000, s0  }
0x4ab: {  	[sflag:s0] =	ssyncadd.tile.s32 @!p0 $0x1;
	_ =	shalt  }
.Lfunc_end2:
_tile_overlayer_lowered:
.L_overlay_start_2:
0x4ac: {  	(tag) =	ssettag $0x2  }
0x4ad: {  	s0 =	rddreg [dreg:$0x0];
	s2 =	stileid.u32  }
0x4ae: {  	s1 =	rddreg [dreg:$0x1];
	p0 =	sne.s32 s2, $0x0  }
0x4af: {  	s3 =	rddreg [dreg:$0x2];
	[bflag:$0x3] =	sbarrier.arrive $0xFFFF;
	s2 =	simm.s32 @!p0 $0x1C03  }
0x4b0: {  	[timem:s3], [sflag:s2] =	dma.local @!p0 [hbm:s0], s1  }
0x4b1: {  	s0 =	simm.s32 @!p0 $0x3  }
0x4b2: {  	_ =	swait.ge @!p0 [sflag:s0], s1  }
0x4b3: {  	s1 =	ssub.s32 @!p0 $0x0, s1;
	[sflag:s0] =	ssyncset.done @!p0 $0x0  }
0x4b4: {  	[sflag:s0] =	ssyncadd.s32 @!p0 s1  }
0x4b5: {  	[bflag:$0x3] =	sbarrier.arrive $0xFFFF  }
0x4b6: {  	_ =	shalt  }

</sc_bundles>
